<compile_context>
chip_gen: v7x
topology: tpu7x:2x2x1
jax: 0.10.2.dev20260603
libtpu: 0.0.44.dev20260713+nightly
codegen_flags: <defaults>
</compile_context>

<pallas_src>
import jax
import jax.numpy as jnp
from jax import lax
from jax.experimental import pallas as pl
from jax.experimental.pallas import tpu as pltpu
from jax.experimental.pallas import tpu_sc as plsc

_N = 2048
_D = 256
_K = 33
_MAX_ITER = 3
_ETA = 0.01
_EPS = 1e-8
_BR = 256
_NB = _N // _BR


def _prep_kernel(x_ref, xn_ref, d2_ref):
    x = x_ref[...]
    mean = jnp.mean(x, axis=0, keepdims=True)
    xc = x - mean
    var = jnp.sum(xc * xc, axis=0, keepdims=True) * (1.0 / (_N - 1))
    std = jnp.sqrt(var)
    xn = xc / (std + _EPS)
    xn_ref[...] = xn

    sq_all = jnp.sum(xn * xn, axis=1)[None, :]
    xnb = xn.astype(jnp.bfloat16)

    def body(rb, _):
        xr = xn_ref[pl.ds(rb * _BR, _BR), :]
        g = lax.dot_general(xr.astype(jnp.bfloat16), xnb,
                            (((1,), (1,)), ((), ())),
                            preferred_element_type=jnp.float32)
        sqr = jnp.sum(xr * xr, axis=1, keepdims=True)
        d2 = jnp.maximum(sqr + sq_all - 2.0 * g, 0.0)
        cols = lax.broadcasted_iota(jnp.int32, (_BR, _N), 1)
        rows = rb * _BR + lax.broadcasted_iota(jnp.int32, (_BR, _N), 0)
        d2 = jnp.where(cols == rows, jnp.float32(jnp.inf), d2)
        d2_ref[pl.ds(rb * _BR, _BR), :] = d2
        return 0

    lax.fori_loop(0, _NB, body, 0)


_SC_LANES = 16
_SC_TILES = 32
_ROWS_PER_TILE = _N // _SC_TILES
_VPR = _N // _SC_LANES
_MAXF_BITS = 2**31 - 1
_M_KEEP = 8


def _sc_row_threshold(row_ref):
    big = jnp.full((_SC_LANES,), 3.4028235e38, jnp.float32)

    def step_a(i, ms):
        v = row_ref[pl.ds(i * _SC_LANES, _SC_LANES)]
        new = []
        cur = v
        for m in ms:
            new.append(jnp.minimum(m, cur))
            cur = jnp.maximum(m, cur)
        return tuple(new)

    ms = lax.fori_loop(0, _VPR, step_a, (big,) * _M_KEEP, unroll=8)

    def popc(mask):
        return plsc.all_reduce_population_count(mask)

    zero = jnp.zeros((_SC_LANES,), jnp.int32)
    top = jnp.full((_SC_LANES,), _MAXF_BITS, jnp.int32)

    def merge2(x, y):
        ry = jnp.flip(y, axis=0)
        return jnp.sort(jnp.minimum(x, ry)), jnp.sort(jnp.maximum(x, ry))

    def drop_top(x, y):
        return jnp.sort(jnp.minimum(x, jnp.flip(y, axis=0)))

    def low48(p0, p1, q0, q1):
        c2 = drop_top(p1, q1)
        e0, e1 = merge2(p0, q0)
        f0, f1 = merge2(e1, c2)
        g0, g1 = merge2(e0, f0)
        return g0, g1, f1

    s = [jnp.sort(m) for m in ms]
    a0, a1 = merge2(s[0], s[1])
    b0, b1 = merge2(s[2], s[3])
    c0, c1 = merge2(s[4], s[5])
    d0, d1 = merge2(s[6], s[7])
    x0, x1, x2 = low48(a0, a1, b0, b1)
    y0, y1, y2 = low48(c0, c1, d0, d1)
    cc = drop_top(x2, y2)
    dd = drop_top(x1, y1)
    ee = drop_top(dd, cc)
    f0, f1 = merge2(x0, y0)
    g0, g1 = merge2(f1, ee)
    h0, h1 = merge2(f0, g0)
    del h0, h1
    t0 = jnp.min(g1)

    def step_c(i, c):
        v = row_ref[pl.ds(i * _SC_LANES, _SC_LANES)]
        return c + popc(v <= t0)

    overflow = jnp.max(popc(ms[_M_KEEP - 1] <= t0))

    def full_bisect(_):
        def step(i, carry):
            lo, hi = carry
            mid = lo + lax.shift_right_logical(hi - lo, 1)

            def cnt_step(j, cc2):
                bits = lax.bitcast_convert_type(
                    row_ref[pl.ds(j * _SC_LANES, _SC_LANES)], jnp.int32)
                return cc2 + popc(bits <= mid)

            cnt = lax.fori_loop(0, _VPR, cnt_step, zero, unroll=8)
            take = cnt >= _K
            return jnp.where(take, lo, mid + 1), jnp.where(take, mid, hi)

        _, hi = lax.fori_loop(0, 31, step, (zero, top))
        return jnp.max(lax.bitcast_convert_type(hi, jnp.float32))

    def verify(_):
        c = lax.fori_loop(0, _VPR, step_c, zero, unroll=8)
        return lax.cond(jnp.max(c) == _K, lambda __: t0, full_bisect, 0)

    return lax.cond(overflow == 0, lambda _: t0, verify, 0)


def _sc_store_lane(out_scr, r, thr_vec):
    blk = lax.div(r, _SC_LANES) * _SC_LANES
    lane = lax.rem(r, _SC_LANES)
    old = out_scr[pl.ds(blk, _SC_LANES)]
    idx = lax.broadcasted_iota(jnp.int32, (_SC_LANES,), 0)
    out_scr[pl.ds(blk, _SC_LANES)] = jnp.where(idx == lane, thr_vec, old)


def _sc_thresh_body(d2_hbm, thr_hbm, buf0, buf1, out_scr, sem0, sem1):
    wid = lax.axis_index("s") * 2 + lax.axis_index("c")
    base = wid * _ROWS_PER_TILE
    last = base + _ROWS_PER_TILE - 1

    pltpu.async_copy(d2_hbm.at[base], buf0, sem0)
    pltpu.async_copy(d2_hbm.at[base + 1], buf1, sem1)

    def body(j, _):
        r0 = base + 2 * j
        pltpu.make_async_copy(d2_hbm.at[r0], buf0, sem0).wait()
        thr0 = _sc_row_threshold(buf0)

        @pl.when(r0 + 2 <= last)
        def _():
            pltpu.async_copy(d2_hbm.at[r0 + 2], buf0, sem0)

        _sc_store_lane(out_scr, 2 * j, thr0)

        pltpu.make_async_copy(d2_hbm.at[r0 + 1], buf1, sem1).wait()
        thr1 = _sc_row_threshold(buf1)

        @pl.when(r0 + 3 <= last)
        def _():
            pltpu.async_copy(d2_hbm.at[r0 + 3], buf1, sem1)

        _sc_store_lane(out_scr, 2 * j + 1, thr1)
        return 0

    lax.fori_loop(0, _ROWS_PER_TILE // 2, body, 0)
    pltpu.sync_copy(out_scr, thr_hbm.at[pl.ds(base, _ROWS_PER_TILE)])


def _sc_thresh(d2):
    mesh = plsc.VectorSubcoreMesh(core_axis_name="c", subcore_axis_name="s")
    thr = pl.kernel(
        _sc_thresh_body,
        out_type=jax.ShapeDtypeStruct((_N,), jnp.float32),
        mesh=mesh,
        compiler_params=pltpu.CompilerParams(needs_layout_passes=False),
        scratch_types=[
            pltpu.VMEM((_N,), jnp.float32),
            pltpu.VMEM((_N,), jnp.float32),
            pltpu.VMEM((_ROWS_PER_TILE,), jnp.float32),
            pltpu.SemaphoreType.DMA,
            pltpu.SemaphoreType.DMA,
        ],
    )(d2)
    return thr


def _iter_kernel(xn_ref, d2_ref, thr_ref, alpha_ref, y_out_ref,
                 y_scr, ynext_scr, sq_scr, yb_scr):
    alpha = alpha_ref[0, 0]
    y_scr[...] = xn_ref[...]

    for _t in range(_MAX_ITER):
        def sq_body(rb, _):
            yr = y_scr[pl.ds(rb * _BR, _BR), :]
            yb_scr[pl.ds(rb * _BR, _BR), :] = yr.astype(jnp.bfloat16)
            if _t > 0:
                sq_scr[0, pl.ds(rb * _BR, _BR)] = jnp.sum(yr * yr, axis=1)
            return 0

        lax.fori_loop(0, _NB, sq_body, 0)

        first = _t == 0

        def blk_body(rb, _):
            yr = y_scr[pl.ds(rb * _BR, _BR), :]
            d2r = d2_ref[pl.ds(rb * _BR, _BR), :]
            thr = thr_ref[pl.ds(rb * _BR, _BR), :]
            mask = d2r <= thr
            if first:
                rm = jnp.min(d2r, axis=1, keepdims=True)
                e = jnp.where(mask, jnp.exp(alpha * (rm - d2r)),
                              0.0).astype(jnp.bfloat16)
            else:
                yb = yb_scr[...]
                yrb = yb_scr[pl.ds(rb * _BR, _BR), :]
                g = lax.dot_general(yrb, yb, (((1,), (1,)), ((), ())),
                                    preferred_element_type=jnp.float32)
                sq_row = sq_scr[0, :][None, :]
                logits = alpha * (2.0 * g - sq_row)
                ml = jnp.where(mask, logits, -1e30)
                m = jnp.max(ml, axis=1, keepdims=True)
                e = jnp.where(mask, jnp.exp(ml - m), 0.0).astype(
                    jnp.bfloat16)
            s = jnp.sum(e.astype(jnp.float32), axis=1, keepdims=True)
            yfb = yb_scr[...]
            wy = lax.dot_general(e, yfb, (((1,), (0,)), ((), ())),
                                 preferred_element_type=jnp.float32)
            ynext_scr[pl.ds(rb * _BR, _BR), :] = yr + _ETA * (wy / s - yr)
            return 0

        lax.fori_loop(0, _NB, blk_body, 0)
        y_scr[...] = ynext_scr[...]

    y_out_ref[...] = y_scr[...]


def kernel(x, alpha):
    xn, d2 = pl.pallas_call(
        _prep_kernel,
        out_shape=[
            jax.ShapeDtypeStruct((_N, _D), jnp.float32),
            jax.ShapeDtypeStruct((_N, _N), jnp.float32),
        ],
    )(x)

    thr = _sc_thresh(d2).reshape(_N, 1)

    alpha2d = jnp.asarray(alpha, jnp.float32).reshape(1, 1)
    y = pl.pallas_call(
        _iter_kernel,
        in_specs=[
            pl.BlockSpec(memory_space=pltpu.VMEM),
            pl.BlockSpec(memory_space=pltpu.VMEM),
            pl.BlockSpec(memory_space=pltpu.VMEM),
            pl.BlockSpec(memory_space=pltpu.SMEM),
        ],
        out_shape=jax.ShapeDtypeStruct((_N, _D), jnp.float32),
        scratch_shapes=[
            pltpu.VMEM((_N, _D), jnp.float32),
            pltpu.VMEM((_N, _D), jnp.float32),
            pltpu.VMEM((1, _N), jnp.float32),
            pltpu.VMEM((_N, _D), jnp.bfloat16),
        ],
    )(xn, d2, thr, alpha2d)
    return y

# --- scband reference (transcript-rebuilt; emitter-appended) ---
"""Pipeline reference for scband-normalized-dynamics-smart-k-57561151701125 (READ-ONLY COPY).

The authoritative reference and input builder live on the scoring server;
editing this copy changes nothing except your own understanding.
"""

import jax, jax.numpy as jnp
import numpy as np

N = 2048
D = 256
K = 33  # compute_optimal_k_base(2048, 256): size_k=25, dim_k=3, bio_k=5 -> 33, within [11, 50]
MAX_ITER = 3
ETA = 0.01
EPS = 1e-8


def setup_inputs(seed: int = 0) -> dict:
    key = jax.random.key(seed)
    kx, ka = jax.random.split(key)
    x = jax.random.normal(kx, (N, D), dtype=jnp.float32)
    # learned parameter (adaptive_params=True => alpha is an nn.Parameter)
    alpha = jnp.asarray(1.0, dtype=jnp.float32)
    return {"x": x, "alpha": alpha}


def reference(x, alpha):
    # --- normalization (visible portion of forward) ---
    original_mean = jnp.mean(x, axis=0, keepdims=True)
    original_std = jnp.std(x, axis=0, ddof=1, keepdims=True)  # torch.std is unbiased
    x_c = x - original_mean
    x_n = x_c / (original_std + EPS)

    # --- pairwise squared distances + kNN retrieval ---
    sq = jnp.sum(x_n * x_n, axis=1)
    d2 = sq[:, None] + sq[None, :] - 2.0 * (x_n @ x_n.T)
    d2 = jnp.maximum(d2, 0.0)
    d2_sg = jax.lax.stop_gradient(d2)
    _, nn_idx = jax.lax.top_k(-d2_sg, K + 1)  # nearest includes self (dist 0)
    nn_idx = nn_idx[:, 1:]  # drop self -> [N, K]

    # --- normalized dynamics iterations with kernel-weighted neighbor drift ---
    y = x_n
    for _ in range(MAX_ITER):
        nbr = y[nn_idx]                      # gather [N, K, D]
        diff = nbr - y[:, None, :]           # [N, K, D]
        dd = jnp.sum(diff * diff, axis=-1)   # [N, K]
        w = jax.nn.softmax(-alpha * dd, axis=-1)
        drift = jnp.sum(w[..., None] * diff, axis=1)  # [N, D]
        y = y + ETA * drift
    return y

if __name__ == "__main__":
    import jax
    _d = setup_inputs()
    print(jax.jit(kernel)(*tuple(_d.values())))

</pallas_src>

<mosaic_0001>
#map = affine_map<(d0, d1) -> (0, 0)>
#map1 = affine_map<(d0, d1) -> (0)>
module attributes {stable_mosaic.version = 14 : i64} {
  func.func @_sc_thresh_body(%arg0: i32, %arg1: i32, %arg2: memref<2048x2048xf32, #tpu.memory_space<hbm>>, %arg3: memref<2048xf32, #tpu.memory_space<hbm>>, %arg4: memref<2048xf32, #tpu.memory_space<vmem>>, %arg5: memref<2048xf32, #tpu.memory_space<vmem>>, %arg6: memref<64xf32, #tpu.memory_space<vmem>>, %arg7: memref<!tpu.dma_semaphore, #tpu.memory_space<semaphore_mem>>, %arg8: memref<!tpu.dma_semaphore, #tpu.memory_space<semaphore_mem>>) attributes {dimension_semantics = [#tpu.dimension_semantics<core_parallel>, #tpu.dimension_semantics<subcore_parallel>], iteration_bounds = array<i64: 2, 16>, scalar_prefetch = 0 : i64, scratch_operands = 5 : i64, tpu.core_type = #tpu.core_type<sc_vector_subcore>, window_params = [{transform_indices = #map}, {transform_indices = #map1}]} {
    %mul3A = arith.constant 2 : i32
    %mul3A_0 = arith.muli %arg1, %mul3A : i32
    %add3A = arith.addi %mul3A_0, %arg0 : i32
    %mul3A_1 = arith.constant 64 : i32
    %mul3A_2 = arith.muli %add3A, %mul3A_1 : i32
    %add3A_3 = arith.constant 64 : i32
    %add3A_4 = arith.addi %mul3A_2, %add3A_3 : i32
    %sub3A = arith.constant 1 : i32
    %sub3A_5 = arith.subi %add3A_4, %sub3A : i32
    %dma_start3A = arith.constant 0 : i32
    %dma_start3A_6 = tpu.memref_slice %arg2[%mul3A_2, %dma_start3A] : memref<2048x2048xf32, #tpu.memory_space<hbm>> -> memref<1x2048xf32, #tpu.memory_space<hbm>>
    %dma_start3A_7 = tpu.memref_squeeze %dma_start3A_6 : memref<1x2048xf32, #tpu.memory_space<hbm>> -> memref<2048xf32, #tpu.memory_space<hbm>>
    %dma_start3A_8 = arith.constant 0 : i32
    %dma_start3A_9 = tpu.memref_slice %arg2[%mul3A_2, %dma_start3A_8] : memref<2048x2048xf32, #tpu.memory_space<hbm>> -> memref<1x2048xf32, #tpu.memory_space<hbm>>
    %dma_start3A_10 = tpu.memref_squeeze %dma_start3A_9 : memref<1x2048xf32, #tpu.memory_space<hbm>> -> memref<2048xf32, #tpu.memory_space<hbm>>
    tpu.enqueue_dma source(%dma_start3A_10 : memref<2048xf32, #tpu.memory_space<hbm>>) target(%arg4 : memref<2048xf32, #tpu.memory_space<vmem>>) target_semaphore(%arg7 : memref<!tpu.dma_semaphore, #tpu.memory_space<semaphore_mem>>)
    %add3A_11 = arith.constant 1 : i32
    %add3A_12 = arith.addi %mul3A_2, %add3A_11 : i32
    %dma_start3A_13 = arith.constant 0 : i32
    %dma_start3A_14 = tpu.memref_slice %arg2[%add3A_12, %dma_start3A_13] : memref<2048x2048xf32, #tpu.memory_space<hbm>> -> memref<1x2048xf32, #tpu.memory_space<hbm>>
    %dma_start3A_15 = tpu.memref_squeeze %dma_start3A_14 : memref<1x2048xf32, #tpu.memory_space<hbm>> -> memref<2048xf32, #tpu.memory_space<hbm>>
    %dma_start3A_16 = arith.constant 0 : i32
    %dma_start3A_17 = tpu.memref_slice %arg2[%add3A_12, %dma_start3A_16] : memref<2048x2048xf32, #tpu.memory_space<hbm>> -> memref<1x2048xf32, #tpu.memory_space<hbm>>
    %dma_start3A_18 = tpu.memref_squeeze %dma_start3A_17 : memref<1x2048xf32, #tpu.memory_space<hbm>> -> memref<2048xf32, #tpu.memory_space<hbm>>
    tpu.enqueue_dma source(%dma_start3A_18 : memref<2048xf32, #tpu.memory_space<hbm>>) target(%arg5 : memref<2048xf32, #tpu.memory_space<vmem>>) target_semaphore(%arg8 : memref<!tpu.dma_semaphore, #tpu.memory_space<semaphore_mem>>)
    %scan3A = arith.constant 0 : i32
    %scan3A_19 = arith.constant 0 : i32
    %scan3A_20 = arith.constant 32 : i32
    %scan3A_21 = arith.addi %scan3A_19, %scan3A_20 : i32
    %scan3A_22 = arith.constant 1 : i32
    %scan3A_23 = scf.for %scan3A_25 = %scan3A_19 to %scan3A_21 step %scan3A_22 iter_args(%scan3A_26 = %scan3A) -> (i32)  : i32 {
      %mul3A_27 = arith.constant 2 : i32
      %mul3A_28 = arith.muli %mul3A_27, %scan3A_25 : i32
      %add3A_29 = arith.addi %mul3A_2, %mul3A_28 : i32
      %dma_wait3A = arith.constant 0 : i32
      %dma_wait3A_30 = tpu.memref_slice %arg2[%add3A_29, %dma_wait3A] : memref<2048x2048xf32, #tpu.memory_space<hbm>> -> memref<1x2048xf32, #tpu.memory_space<hbm>>
      %dma_wait3A_31 = tpu.memref_squeeze %dma_wait3A_30 : memref<1x2048xf32, #tpu.memory_space<hbm>> -> memref<2048xf32, #tpu.memory_space<hbm>>
      %dma_wait3A_32 = arith.constant 0 : i32
      %dma_wait3A_33 = tpu.memref_slice %arg2[%add3A_29, %dma_wait3A_32] : memref<2048x2048xf32, #tpu.memory_space<hbm>> -> memref<1x2048xf32, #tpu.memory_space<hbm>>
      %dma_wait3A_34 = tpu.memref_squeeze %dma_wait3A_33 : memref<1x2048xf32, #tpu.memory_space<hbm>> -> memref<2048xf32, #tpu.memory_space<hbm>>
      tpu.wait_dma2 semaphore(%arg7 : memref<!tpu.dma_semaphore, #tpu.memory_space<semaphore_mem>>) src(%dma_wait3A_34 : memref<2048xf32, #tpu.memory_space<hbm>>) dst(%arg4 : memref<2048xf32, #tpu.memory_space<vmem>>)
      %broadcast_in_dim3A = arith.constant 3.40282347E+38 : f32
      %broadcast_in_dim3A_35 = vector.broadcast %broadcast_in_dim3A : f32 to vector<16xf32>
      %scan3A_36 = arith.constant 0 : i32
      %scan3A_37 = arith.constant 128 : i32
      %scan3A_38 = arith.addi %scan3A_36, %scan3A_37 : i32
      %scan3A_39 = arith.constant 8 : i32
      %scan3A_40:8 = scf.for %scan3A_696 = %scan3A_36 to %scan3A_38 step %scan3A_39 iter_args(%scan3A_697 = %broadcast_in_dim3A_35, %scan3A_698 = %broadcast_in_dim3A_35, %scan3A_699 = %broadcast_in_dim3A_35, %scan3A_700 = %broadcast_in_dim3A_35, %scan3A_701 = %broadcast_in_dim3A_35, %scan3A_702 = %broadcast_in_dim3A_35, %scan3A_703 = %broadcast_in_dim3A_35, %scan3A_704 = %broadcast_in_dim3A_35) -> (vector<16xf32>, vector<16xf32>, vector<16xf32>, vector<16xf32>, vector<16xf32>, vector<16xf32>, vector<16xf32>, vector<16xf32>)  : i32 {
        %mul3A_705 = arith.constant 16 : i32
        %mul3A_706 = arith.muli %scan3A_696, %mul3A_705 : i32
        %get3A_707 = arith.index_cast %mul3A_706 : i32 to index
        %get3A_708 = tpu.vector_load %arg4[%get3A_707] {strides = array<i32>} : memref<2048xf32, #tpu.memory_space<vmem>>, vector<16xf32>,
        %min3A_709 = arith.minimumf %scan3A_697, %get3A_708 : vector<16xf32>
        %max3A_710 = arith.maximumf %scan3A_697, %get3A_708 : vector<16xf32>
        %min3A_711 = arith.minimumf %scan3A_698, %max3A_710 : vector<16xf32>
        %max3A_712 = arith.maximumf %scan3A_698, %max3A_710 : vector<16xf32>
        %min3A_713 = arith.minimumf %scan3A_699, %max3A_712 : vector<16xf32>
        %max3A_714 = arith.maximumf %scan3A_699, %max3A_712 : vector<16xf32>
        %min3A_715 = arith.minimumf %scan3A_700, %max3A_714 : vector<16xf32>
        %max3A_716 = arith.maximumf %scan3A_700, %max3A_714 : vector<16xf32>
        %min3A_717 = arith.minimumf %scan3A_701, %max3A_716 : vector<16xf32>
        %max3A_718 = arith.maximumf %scan3A_701, %max3A_716 : vector<16xf32>
        %min3A_719 = arith.minimumf %scan3A_702, %max3A_718 : vector<16xf32>
        %max3A_720 = arith.maximumf %scan3A_702, %max3A_718 : vector<16xf32>
        %min3A_721 = arith.minimumf %scan3A_703, %max3A_720 : vector<16xf32>
        %max3A_722 = arith.maximumf %scan3A_703, %max3A_720 : vector<16xf32>
        %min3A_723 = arith.minimumf %scan3A_704, %max3A_722 : vector<16xf32>
        %max3A_724 = arith.maximumf %scan3A_704, %max3A_722 : vector<16xf32>
        %scan3A_725 = arith.constant 1 : i32
        %scan3A_726 = arith.addi %scan3A_696, %scan3A_725 : i32
        %mul3A_727 = arith.constant 16 : i32
        %mul3A_728 = arith.muli %scan3A_726, %mul3A_727 : i32
        %get3A_729 = arith.index_cast %mul3A_728 : i32 to index
        %get3A_730 = tpu.vector_load %arg4[%get3A_729] {strides = array<i32>} : memref<2048xf32, #tpu.memory_space<vmem>>, vector<16xf32>,
        %min3A_731 = arith.minimumf %min3A_709, %get3A_730 : vector<16xf32>
        %max3A_732 = arith.maximumf %min3A_709, %get3A_730 : vector<16xf32>
        %min3A_733 = arith.minimumf %min3A_711, %max3A_732 : vector<16xf32>
        %max3A_734 = arith.maximumf %min3A_711, %max3A_732 : vector<16xf32>
        %min3A_735 = arith.minimumf %min3A_713, %max3A_734 : vector<16xf32>
        %max3A_736 = arith.maximumf %min3A_713, %max3A_734 : vector<16xf32>
        %min3A_737 = arith.minimumf %min3A_715, %max3A_736 : vector<16xf32>
        %max3A_738 = arith.maximumf %min3A_715, %max3A_736 : vector<16xf32>
        %min3A_739 = arith.minimumf %min3A_717, %max3A_738 : vector<16xf32>
        %max3A_740 = arith.maximumf %min3A_717, %max3A_738 : vector<16xf32>
        %min3A_741 = arith.minimumf %min3A_719, %max3A_740 : vector<16xf32>
        %max3A_742 = arith.maximumf %min3A_719, %max3A_740 : vector<16xf32>
        %min3A_743 = arith.minimumf %min3A_721, %max3A_742 : vector<16xf32>
        %max3A_744 = arith.maximumf %min3A_721, %max3A_742 : vector<16xf32>
        %min3A_745 = arith.minimumf %min3A_723, %max3A_744 : vector<16xf32>
        %max3A_746 = arith.maximumf %min3A_723, %max3A_744 : vector<16xf32>
        %scan3A_747 = arith.constant 2 : i32
        %scan3A_748 = arith.addi %scan3A_696, %scan3A_747 : i32
        %mul3A_749 = arith.constant 16 : i32
        %mul3A_750 = arith.muli %scan3A_748, %mul3A_749 : i32
        %get3A_751 = arith.index_cast %mul3A_750 : i32 to index
        %get3A_752 = tpu.vector_load %arg4[%get3A_751] {strides = array<i32>} : memref<2048xf32, #tpu.memory_space<vmem>>, vector<16xf32>,
        %min3A_753 = arith.minimumf %min3A_731, %get3A_752 : vector<16xf32>
        %max3A_754 = arith.maximumf %min3A_731, %get3A_752 : vector<16xf32>
        %min3A_755 = arith.minimumf %min3A_733, %max3A_754 : vector<16xf32>
        %max3A_756 = arith.maximumf %min3A_733, %max3A_754 : vector<16xf32>
        %min3A_757 = arith.minimumf %min3A_735, %max3A_756 : vector<16xf32>
        %max3A_758 = arith.maximumf %min3A_735, %max3A_756 : vector<16xf32>
        %min3A_759 = arith.minimumf %min3A_737, %max3A_758 : vector<16xf32>
        %max3A_760 = arith.maximumf %min3A_737, %max3A_758 : vector<16xf32>
        %min3A_761 = arith.minimumf %min3A_739, %max3A_760 : vector<16xf32>
        %max3A_762 = arith.maximumf %min3A_739, %max3A_760 : vector<16xf32>
        %min3A_763 = arith.minimumf %min3A_741, %max3A_762 : vector<16xf32>
        %max3A_764 = arith.maximumf %min3A_741, %max3A_762 : vector<16xf32>
        %min3A_765 = arith.minimumf %min3A_743, %max3A_764 : vector<16xf32>
        %max3A_766 = arith.maximumf %min3A_743, %max3A_764 : vector<16xf32>
        %min3A_767 = arith.minimumf %min3A_745, %max3A_766 : vector<16xf32>
        %max3A_768 = arith.maximumf %min3A_745, %max3A_766 : vector<16xf32>
        %scan3A_769 = arith.constant 3 : i32
        %scan3A_770 = arith.addi %scan3A_696, %scan3A_769 : i32
        %mul3A_771 = arith.constant 16 : i32
        %mul3A_772 = arith.muli %scan3A_770, %mul3A_771 : i32
        %get3A_773 = arith.index_cast %mul3A_772 : i32 to index
        %get3A_774 = tpu.vector_load %arg4[%get3A_773] {strides = array<i32>} : memref<2048xf32, #tpu.memory_space<vmem>>, vector<16xf32>,
        %min3A_775 = arith.minimumf %min3A_753, %get3A_774 : vector<16xf32>
        %max3A_776 = arith.maximumf %min3A_753, %get3A_774 : vector<16xf32>
        %min3A_777 = arith.minimumf %min3A_755, %max3A_776 : vector<16xf32>
        %max3A_778 = arith.maximumf %min3A_755, %max3A_776 : vector<16xf32>
        %min3A_779 = arith.minimumf %min3A_757, %max3A_778 : vector<16xf32>
        %max3A_780 = arith.maximumf %min3A_757, %max3A_778 : vector<16xf32>
        %min3A_781 = arith.minimumf %min3A_759, %max3A_780 : vector<16xf32>
        %max3A_782 = arith.maximumf %min3A_759, %max3A_780 : vector<16xf32>
        %min3A_783 = arith.minimumf %min3A_761, %max3A_782 : vector<16xf32>
        %max3A_784 = arith.maximumf %min3A_761, %max3A_782 : vector<16xf32>
        %min3A_785 = arith.minimumf %min3A_763, %max3A_784 : vector<16xf32>
        %max3A_786 = arith.maximumf %min3A_763, %max3A_784 : vector<16xf32>
        %min3A_787 = arith.minimumf %min3A_765, %max3A_786 : vector<16xf32>
        %max3A_788 = arith.maximumf %min3A_765, %max3A_786 : vector<16xf32>
        %min3A_789 = arith.minimumf %min3A_767, %max3A_788 : vector<16xf32>
        %max3A_790 = arith.maximumf %min3A_767, %max3A_788 : vector<16xf32>
        %scan3A_791 = arith.constant 4 : i32
        %scan3A_792 = arith.addi %scan3A_696, %scan3A_791 : i32
        %mul3A_793 = arith.constant 16 : i32
        %mul3A_794 = arith.muli %scan3A_792, %mul3A_793 : i32
        %get3A_795 = arith.index_cast %mul3A_794 : i32 to index
        %get3A_796 = tpu.vector_load %arg4[%get3A_795] {strides = array<i32>} : memref<2048xf32, #tpu.memory_space<vmem>>, vector<16xf32>,
        %min3A_797 = arith.minimumf %min3A_775, %get3A_796 : vector<16xf32>
        %max3A_798 = arith.maximumf %min3A_775, %get3A_796 : vector<16xf32>
        %min3A_799 = arith.minimumf %min3A_777, %max3A_798 : vector<16xf32>
        %max3A_800 = arith.maximumf %min3A_777, %max3A_798 : vector<16xf32>
        %min3A_801 = arith.minimumf %min3A_779, %max3A_800 : vector<16xf32>
        %max3A_802 = arith.maximumf %min3A_779, %max3A_800 : vector<16xf32>
        %min3A_803 = arith.minimumf %min3A_781, %max3A_802 : vector<16xf32>
        %max3A_804 = arith.maximumf %min3A_781, %max3A_802 : vector<16xf32>
        %min3A_805 = arith.minimumf %min3A_783, %max3A_804 : vector<16xf32>
        %max3A_806 = arith.maximumf %min3A_783, %max3A_804 : vector<16xf32>
        %min3A_807 = arith.minimumf %min3A_785, %max3A_806 : vector<16xf32>
        %max3A_808 = arith.maximumf %min3A_785, %max3A_806 : vector<16xf32>
        %min3A_809 = arith.minimumf %min3A_787, %max3A_808 : vector<16xf32>
        %max3A_810 = arith.maximumf %min3A_787, %max3A_808 : vector<16xf32>
        %min3A_811 = arith.minimumf %min3A_789, %max3A_810 : vector<16xf32>
        %max3A_812 = arith.maximumf %min3A_789, %max3A_810 : vector<16xf32>
        %scan3A_813 = arith.constant 5 : i32
        %scan3A_814 = arith.addi %scan3A_696, %scan3A_813 : i32
        %mul3A_815 = arith.constant 16 : i32
        %mul3A_816 = arith.muli %scan3A_814, %mul3A_815 : i32
        %get3A_817 = arith.index_cast %mul3A_816 : i32 to index
        %get3A_818 = tpu.vector_load %arg4[%get3A_817] {strides = array<i32>} : memref<2048xf32, #tpu.memory_space<vmem>>, vector<16xf32>,
        %min3A_819 = arith.minimumf %min3A_797, %get3A_818 : vector<16xf32>
        %max3A_820 = arith.maximumf %min3A_797, %get3A_818 : vector<16xf32>
        %min3A_821 = arith.minimumf %min3A_799, %max3A_820 : vector<16xf32>
        %max3A_822 = arith.maximumf %min3A_799, %max3A_820 : vector<16xf32>
        %min3A_823 = arith.minimumf %min3A_801, %max3A_822 : vector<16xf32>
        %max3A_824 = arith.maximumf %min3A_801, %max3A_822 : vector<16xf32>
        %min3A_825 = arith.minimumf %min3A_803, %max3A_824 : vector<16xf32>
        %max3A_826 = arith.maximumf %min3A_803, %max3A_824 : vector<16xf32>
        %min3A_827 = arith.minimumf %min3A_805, %max3A_826 : vector<16xf32>
        %max3A_828 = arith.maximumf %min3A_805, %max3A_826 : vector<16xf32>
        %min3A_829 = arith.minimumf %min3A_807, %max3A_828 : vector<16xf32>
        %max3A_830 = arith.maximumf %min3A_807, %max3A_828 : vector<16xf32>
        %min3A_831 = arith.minimumf %min3A_809, %max3A_830 : vector<16xf32>
        %max3A_832 = arith.maximumf %min3A_809, %max3A_830 : vector<16xf32>
        %min3A_833 = arith.minimumf %min3A_811, %max3A_832 : vector<16xf32>
        %max3A_834 = arith.maximumf %min3A_811, %max3A_832 : vector<16xf32>
        %scan3A_835 = arith.constant 6 : i32
        %scan3A_836 = arith.addi %scan3A_696, %scan3A_835 : i32
        %mul3A_837 = arith.constant 16 : i32
        %mul3A_838 = arith.muli %scan3A_836, %mul3A_837 : i32
        %get3A_839 = arith.index_cast %mul3A_838 : i32 to index
        %get3A_840 = tpu.vector_load %arg4[%get3A_839] {strides = array<i32>} : memref<2048xf32, #tpu.memory_space<vmem>>, vector<16xf32>,
        %min3A_841 = arith.minimumf %min3A_819, %get3A_840 : vector<16xf32>
        %max3A_842 = arith.maximumf %min3A_819, %get3A_840 : vector<16xf32>
        %min3A_843 = arith.minimumf %min3A_821, %max3A_842 : vector<16xf32>
        %max3A_844 = arith.maximumf %min3A_821, %max3A_842 : vector<16xf32>
        %min3A_845 = arith.minimumf %min3A_823, %max3A_844 : vector<16xf32>
        %max3A_846 = arith.maximumf %min3A_823, %max3A_844 : vector<16xf32>
        %min3A_847 = arith.minimumf %min3A_825, %max3A_846 : vector<16xf32>
        %max3A_848 = arith.maximumf %min3A_825, %max3A_846 : vector<16xf32>
        %min3A_849 = arith.minimumf %min3A_827, %max3A_848 : vector<16xf32>
        %max3A_850 = arith.maximumf %min3A_827, %max3A_848 : vector<16xf32>
        %min3A_851 = arith.minimumf %min3A_829, %max3A_850 : vector<16xf32>
        %max3A_852 = arith.maximumf %min3A_829, %max3A_850 : vector<16xf32>
        %min3A_853 = arith.minimumf %min3A_831, %max3A_852 : vector<16xf32>
        %max3A_854 = arith.maximumf %min3A_831, %max3A_852 : vector<16xf32>
        %min3A_855 = arith.minimumf %min3A_833, %max3A_854 : vector<16xf32>
        %max3A_856 = arith.maximumf %min3A_833, %max3A_854 : vector<16xf32>
        %scan3A_857 = arith.constant 7 : i32
        %scan3A_858 = arith.addi %scan3A_696, %scan3A_857 : i32
        %mul3A_859 = arith.constant 16 : i32
        %mul3A_860 = arith.muli %scan3A_858, %mul3A_859 : i32
        %get3A_861 = arith.index_cast %mul3A_860 : i32 to index
        %get3A_862 = tpu.vector_load %arg4[%get3A_861] {strides = array<i32>} : memref<2048xf32, #tpu.memory_space<vmem>>, vector<16xf32>,
        %min3A_863 = arith.minimumf %min3A_841, %get3A_862 : vector<16xf32>
        %max3A_864 = arith.maximumf %min3A_841, %get3A_862 : vector<16xf32>
        %min3A_865 = arith.minimumf %min3A_843, %max3A_864 : vector<16xf32>
        %max3A_866 = arith.maximumf %min3A_843, %max3A_864 : vector<16xf32>
        %min3A_867 = arith.minimumf %min3A_845, %max3A_866 : vector<16xf32>
        %max3A_868 = arith.maximumf %min3A_845, %max3A_866 : vector<16xf32>
        %min3A_869 = arith.minimumf %min3A_847, %max3A_868 : vector<16xf32>
        %max3A_870 = arith.maximumf %min3A_847, %max3A_868 : vector<16xf32>
        %min3A_871 = arith.minimumf %min3A_849, %max3A_870 : vector<16xf32>
        %max3A_872 = arith.maximumf %min3A_849, %max3A_870 : vector<16xf32>
        %min3A_873 = arith.minimumf %min3A_851, %max3A_872 : vector<16xf32>
        %max3A_874 = arith.maximumf %min3A_851, %max3A_872 : vector<16xf32>
        %min3A_875 = arith.minimumf %min3A_853, %max3A_874 : vector<16xf32>
        %max3A_876 = arith.maximumf %min3A_853, %max3A_874 : vector<16xf32>
        %min3A_877 = arith.minimumf %min3A_855, %max3A_876 : vector<16xf32>
        %max3A_878 = arith.maximumf %min3A_855, %max3A_876 : vector<16xf32>
        scf.yield %min3A_863, %min3A_865, %min3A_867, %min3A_869, %min3A_871, %min3A_873, %min3A_875, %min3A_877 : vector<16xf32>, vector<16xf32>, vector<16xf32>, vector<16xf32>, vector<16xf32>, vector<16xf32>, vector<16xf32>, vector<16xf32>
      }
      %scan3A_41 = arith.constant 128 : i32
      %broadcast_in_dim3A_42 = arith.constant 0 : i32
      %broadcast_in_dim3A_43 = vector.broadcast %broadcast_in_dim3A_42 : i32 to vector<16xi32>
      %broadcast_in_dim3A_44 = arith.constant 2147483647 : i32
      %broadcast_in_dim3A_45 = vector.broadcast %broadcast_in_dim3A_44 : i32 to vector<16xi32>
      %sort3A = arith.constant dense<true> : vector<16xi1>
      %sort3A_46, %sort3A_47, %sort3A_48 = tpu.sort %scan3A_40#0, %scan3A_40#0 masked %sort3A : (vector<16xf32>, vector<16xf32>, vector<16xi1>) -> (vector<16xi1>, vector<16xf32>, vector<16xf32>)
      %sort3A_49 = arith.constant dense<true> : vector<16xi1>
      %sort3A_50, %sort3A_51, %sort3A_52 = tpu.sort %scan3A_40#1, %scan3A_40#1 masked %sort3A_49 : (vector<16xf32>, vector<16xf32>, vector<16xi1>) -> (vector<16xi1>, vector<16xf32>, vector<16xf32>)
      %sort3A_53 = arith.constant dense<true> : vector<16xi1>
      %sort3A_54, %sort3A_55, %sort3A_56 = tpu.sort %scan3A_40#2, %scan3A_40#2 masked %sort3A_53 : (vector<16xf32>, vector<16xf32>, vector<16xi1>) -> (vector<16xi1>, vector<16xf32>, vector<16xf32>)
      %sort3A_57 = arith.constant dense<true> : vector<16xi1>
      %sort3A_58, %sort3A_59, %sort3A_60 = tpu.sort %scan3A_40#3, %scan3A_40#3 masked %sort3A_57 : (vector<16xf32>, vector<16xf32>, vector<16xi1>) -> (vector<16xi1>, vector<16xf32>, vector<16xf32>)
      %sort3A_61 = arith.constant dense<true> : vector<16xi1>
      %sort3A_62, %sort3A_63, %sort3A_64 = tpu.sort %scan3A_40#4, %scan3A_40#4 masked %sort3A_61 : (vector<16xf32>, vector<16xf32>, vector<16xi1>) -> (vector<16xi1>, vector<16xf32>, vector<16xf32>)
      %sort3A_65 = arith.constant dense<true> : vector<16xi1>
      %sort3A_66, %sort3A_67, %sort3A_68 = tpu.sort %scan3A_40#5, %scan3A_40#5 masked %sort3A_65 : (vector<16xf32>, vector<16xf32>, vector<16xi1>) -> (vector<16xi1>, vector<16xf32>, vector<16xf32>)
      %sort3A_69 = arith.constant dense<true> : vector<16xi1>
      %sort3A_70, %sort3A_71, %sort3A_72 = tpu.sort %scan3A_40#6, %scan3A_40#6 masked %sort3A_69 : (vector<16xf32>, vector<16xf32>, vector<16xi1>) -> (vector<16xi1>, vector<16xf32>, vector<16xf32>)
      %sort3A_73 = arith.constant dense<true> : vector<16xi1>
      %sort3A_74, %sort3A_75, %sort3A_76 = tpu.sort %scan3A_40#7, %scan3A_40#7 masked %sort3A_73 : (vector<16xf32>, vector<16xf32>, vector<16xi1>) -> (vector<16xi1>, vector<16xf32>, vector<16xf32>)
      %rev3A = arith.constant 15 : i32
      %rev3A_77 = vector.broadcast %rev3A : i32 to vector<16xi32>
      %rev3A_78 = tpu.iota {dimensions = array<i32: 0>} : vector<16xi32>
      %rev3A_79 = arith.subi %rev3A_77, %rev3A_78 : vector<16xi32>
      %rev3A_80 = tpu.dynamic_gather %sort3A_51[%rev3A_79] in [0] : vector<16xf32>, vector<16xi32> -> vector<16xf32>
      %min3A = arith.minimumf %sort3A_47, %rev3A_80 : vector<16xf32>
      %sort3A_81 = arith.constant dense<true> : vector<16xi1>
      %sort3A_82, %sort3A_83, %sort3A_84 = tpu.sort %min3A, %min3A masked %sort3A_81 : (vector<16xf32>, vector<16xf32>, vector<16xi1>) -> (vector<16xi1>, vector<16xf32>, vector<16xf32>)
      %max3A = arith.maximumf %sort3A_47, %rev3A_80 : vector<16xf32>
      %sort3A_85 = arith.constant dense<true> : vector<16xi1>
      %sort3A_86, %sort3A_87, %sort3A_88 = tpu.sort %max3A, %max3A masked %sort3A_85 : (vector<16xf32>, vector<16xf32>, vector<16xi1>) -> (vector<16xi1>, vector<16xf32>, vector<16xf32>)
      %rev3A_89 = arith.constant 15 : i32
      %rev3A_90 = vector.broadcast %rev3A_89 : i32 to vector<16xi32>
      %rev3A_91 = tpu.iota {dimensions = array<i32: 0>} : vector<16xi32>
      %rev3A_92 = arith.subi %rev3A_90, %rev3A_91 : vector<16xi32>
      %rev3A_93 = tpu.dynamic_gather %sort3A_59[%rev3A_92] in [0] : vector<16xf32>, vector<16xi32> -> vector<16xf32>
      %min3A_94 = arith.minimumf %sort3A_55, %rev3A_93 : vector<16xf32>
      %sort3A_95 = arith.constant dense<true> : vector<16xi1>
      %sort3A_96, %sort3A_97, %sort3A_98 = tpu.sort %min3A_94, %min3A_94 masked %sort3A_95 : (vector<16xf32>, vector<16xf32>, vector<16xi1>) -> (vector<16xi1>, vector<16xf32>, vector<16xf32>)
      %max3A_99 = arith.maximumf %sort3A_55, %rev3A_93 : vector<16xf32>
      %sort3A_100 = arith.constant dense<true> : vector<16xi1>
      %sort3A_101, %sort3A_102, %sort3A_103 = tpu.sort %max3A_99, %max3A_99 masked %sort3A_100 : (vector<16xf32>, vector<16xf32>, vector<16xi1>) -> (vector<16xi1>, vector<16xf32>, vector<16xf32>)
      %rev3A_104 = arith.constant 15 : i32
      %rev3A_105 = vector.broadcast %rev3A_104 : i32 to vector<16xi32>
      %rev3A_106 = tpu.iota {dimensions = array<i32: 0>} : vector<16xi32>
      %rev3A_107 = arith.subi %rev3A_105, %rev3A_106 : vector<16xi32>
      %rev3A_108 = tpu.dynamic_gather %sort3A_67[%rev3A_107] in [0] : vector<16xf32>, vector<16xi32> -> vector<16xf32>
      %min3A_109 = arith.minimumf %sort3A_63, %rev3A_108 : vector<16xf32>
      %sort3A_110 = arith.constant dense<true> : vector<16xi1>
      %sort3A_111, %sort3A_112, %sort3A_113 = tpu.sort %min3A_109, %min3A_109 masked %sort3A_110 : (vector<16xf32>, vector<16xf32>, vector<16xi1>) -> (vector<16xi1>, vector<16xf32>, vector<16xf32>)
      %max3A_114 = arith.maximumf %sort3A_63, %rev3A_108 : vector<16xf32>
      %sort3A_115 = arith.constant dense<true> : vector<16xi1>
      %sort3A_116, %sort3A_117, %sort3A_118 = tpu.sort %max3A_114, %max3A_114 masked %sort3A_115 : (vector<16xf32>, vector<16xf32>, vector<16xi1>) -> (vector<16xi1>, vector<16xf32>, vector<16xf32>)
      %rev3A_119 = arith.constant 15 : i32
      %rev3A_120 = vector.broadcast %rev3A_119 : i32 to vector<16xi32>
      %rev3A_121 = tpu.iota {dimensions = array<i32: 0>} : vector<16xi32>
      %rev3A_122 = arith.subi %rev3A_120, %rev3A_121 : vector<16xi32>
      %rev3A_123 = tpu.dynamic_gather %sort3A_75[%rev3A_122] in [0] : vector<16xf32>, vector<16xi32> -> vector<16xf32>
      %min3A_124 = arith.minimumf %sort3A_71, %rev3A_123 : vector<16xf32>
      %sort3A_125 = arith.constant dense<true> : vector<16xi1>
      %sort3A_126, %sort3A_127, %sort3A_128 = tpu.sort %min3A_124, %min3A_124 masked %sort3A_125 : (vector<16xf32>, vector<16xf32>, vector<16xi1>) -> (vector<16xi1>, vector<16xf32>, vector<16xf32>)
      %max3A_129 = arith.maximumf %sort3A_71, %rev3A_123 : vector<16xf32>
      %sort3A_130 = arith.constant dense<true> : vector<16xi1>
      %sort3A_131, %sort3A_132, %sort3A_133 = tpu.sort %max3A_129, %max3A_129 masked %sort3A_130 : (vector<16xf32>, vector<16xf32>, vector<16xi1>) -> (vector<16xi1>, vector<16xf32>, vector<16xf32>)
      %rev3A_134 = arith.constant 15 : i32
      %rev3A_135 = vector.broadcast %rev3A_134 : i32 to vector<16xi32>
      %rev3A_136 = tpu.iota {dimensions = array<i32: 0>} : vector<16xi32>
      %rev3A_137 = arith.subi %rev3A_135, %rev3A_136 : vector<16xi32>
      %rev3A_138 = tpu.dynamic_gather %sort3A_102[%rev3A_137] in [0] : vector<16xf32>, vector<16xi32> -> vector<16xf32>
      %min3A_139 = arith.minimumf %sort3A_87, %rev3A_138 : vector<16xf32>
      %sort3A_140 = arith.constant dense<true> : vector<16xi1>
      %sort3A_141, %sort3A_142, %sort3A_143 = tpu.sort %min3A_139, %min3A_139 masked %sort3A_140 : (vector<16xf32>, vector<16xf32>, vector<16xi1>) -> (vector<16xi1>, vector<16xf32>, vector<16xf32>)
      %rev3A_144 = arith.constant 15 : i32
      %rev3A_145 = vector.broadcast %rev3A_144 : i32 to vector<16xi32>
      %rev3A_146 = tpu.iota {dimensions = array<i32: 0>} : vector<16xi32>
      %rev3A_147 = arith.subi %rev3A_145, %rev3A_146 : vector<16xi32>
      %rev3A_148 = tpu.dynamic_gather %sort3A_97[%rev3A_147] in [0] : vector<16xf32>, vector<16xi32> -> vector<16xf32>
      %min3A_149 = arith.minimumf %sort3A_83, %rev3A_148 : vector<16xf32>
      %sort3A_150 = arith.constant dense<true> : vector<16xi1>
      %sort3A_151, %sort3A_152, %sort3A_153 = tpu.sort %min3A_149, %min3A_149 masked %sort3A_150 : (vector<16xf32>, vector<16xf32>, vector<16xi1>) -> (vector<16xi1>, vector<16xf32>, vector<16xf32>)
      %max3A_154 = arith.maximumf %sort3A_83, %rev3A_148 : vector<16xf32>
      %sort3A_155 = arith.constant dense<true> : vector<16xi1>
      %sort3A_156, %sort3A_157, %sort3A_158 = tpu.sort %max3A_154, %max3A_154 masked %sort3A_155 : (vector<16xf32>, vector<16xf32>, vector<16xi1>) -> (vector<16xi1>, vector<16xf32>, vector<16xf32>)
      %rev3A_159 = arith.constant 15 : i32
      %rev3A_160 = vector.broadcast %rev3A_159 : i32 to vector<16xi32>
      %rev3A_161 = tpu.iota {dimensions = array<i32: 0>} : vector<16xi32>
      %rev3A_162 = arith.subi %rev3A_160, %rev3A_161 : vector<16xi32>
      %rev3A_163 = tpu.dynamic_gather %sort3A_142[%rev3A_162] in [0] : vector<16xf32>, vector<16xi32> -> vector<16xf32>
      %min3A_164 = arith.minimumf %sort3A_157, %rev3A_163 : vector<16xf32>
      %sort3A_165 = arith.constant dense<true> : vector<16xi1>
      %sort3A_166, %sort3A_167, %sort3A_168 = tpu.sort %min3A_164, %min3A_164 masked %sort3A_165 : (vector<16xf32>, vector<16xf32>, vector<16xi1>) -> (vector<16xi1>, vector<16xf32>, vector<16xf32>)
      %max3A_169 = arith.maximumf %sort3A_157, %rev3A_163 : vector<16xf32>
      %sort3A_170 = arith.constant dense<true> : vector<16xi1>
      %sort3A_171, %sort3A_172, %sort3A_173 = tpu.sort %max3A_169, %max3A_169 masked %sort3A_170 : (vector<16xf32>, vector<16xf32>, vector<16xi1>) -> (vector<16xi1>, vector<16xf32>, vector<16xf32>)
      %rev3A_174 = arith.constant 15 : i32
      %rev3A_175 = vector.broadcast %rev3A_174 : i32 to vector<16xi32>
      %rev3A_176 = tpu.iota {dimensions = array<i32: 0>} : vector<16xi32>
      %rev3A_177 = arith.subi %rev3A_175, %rev3A_176 : vector<16xi32>
      %rev3A_178 = tpu.dynamic_gather %sort3A_167[%rev3A_177] in [0] : vector<16xf32>, vector<16xi32> -> vector<16xf32>
      %min3A_179 = arith.minimumf %sort3A_152, %rev3A_178 : vector<16xf32>
      %sort3A_180 = arith.constant dense<true> : vector<16xi1>
      %sort3A_181, %sort3A_182, %sort3A_183 = tpu.sort %min3A_179, %min3A_179 masked %sort3A_180 : (vector<16xf32>, vector<16xf32>, vector<16xi1>) -> (vector<16xi1>, vector<16xf32>, vector<16xf32>)
      %max3A_184 = arith.maximumf %sort3A_152, %rev3A_178 : vector<16xf32>
      %sort3A_185 = arith.constant dense<true> : vector<16xi1>
      %sort3A_186, %sort3A_187, %sort3A_188 = tpu.sort %max3A_184, %max3A_184 masked %sort3A_185 : (vector<16xf32>, vector<16xf32>, vector<16xi1>) -> (vector<16xi1>, vector<16xf32>, vector<16xf32>)
      %rev3A_189 = arith.constant 15 : i32
      %rev3A_190 = vector.broadcast %rev3A_189 : i32 to vector<16xi32>
      %rev3A_191 = tpu.iota {dimensions = array<i32: 0>} : vector<16xi32>
      %rev3A_192 = arith.subi %rev3A_190, %rev3A_191 : vector<16xi32>
      %rev3A_193 = tpu.dynamic_gather %sort3A_132[%rev3A_192] in [0] : vector<16xf32>, vector<16xi32> -> vector<16xf32>
      %min3A_194 = arith.minimumf %sort3A_117, %rev3A_193 : vector<16xf32>
      %sort3A_195 = arith.constant dense<true> : vector<16xi1>
      %sort3A_196, %sort3A_197, %sort3A_198 = tpu.sort %min3A_194, %min3A_194 masked %sort3A_195 : (vector<16xf32>, vector<16xf32>, vector<16xi1>) -> (vector<16xi1>, vector<16xf32>, vector<16xf32>)
      %rev3A_199 = arith.constant 15 : i32
      %rev3A_200 = vector.broadcast %rev3A_199 : i32 to vector<16xi32>
      %rev3A_201 = tpu.iota {dimensions = array<i32: 0>} : vector<16xi32>
      %rev3A_202 = arith.subi %rev3A_200, %rev3A_201 : vector<16xi32>
      %rev3A_203 = tpu.dynamic_gather %sort3A_127[%rev3A_202] in [0] : vector<16xf32>, vector<16xi32> -> vector<16xf32>
      %min3A_204 = arith.minimumf %sort3A_112, %rev3A_203 : vector<16xf32>
      %sort3A_205 = arith.constant dense<true> : vector<16xi1>
      %sort3A_206, %sort3A_207, %sort3A_208 = tpu.sort %min3A_204, %min3A_204 masked %sort3A_205 : (vector<16xf32>, vector<16xf32>, vector<16xi1>) -> (vector<16xi1>, vector<16xf32>, vector<16xf32>)
      %max3A_209 = arith.maximumf %sort3A_112, %rev3A_203 : vector<16xf32>
      %sort3A_210 = arith.constant dense<true> : vector<16xi1>
      %sort3A_211, %sort3A_212, %sort3A_213 = tpu.sort %max3A_209, %max3A_209 masked %sort3A_210 : (vector<16xf32>, vector<16xf32>, vector<16xi1>) -> (vector<16xi1>, vector<16xf32>, vector<16xf32>)
      %rev3A_214 = arith.constant 15 : i32
      %rev3A_215 = vector.broadcast %rev3A_214 : i32 to vector<16xi32>
      %rev3A_216 = tpu.iota {dimensions = array<i32: 0>} : vector<16xi32>
      %rev3A_217 = arith.subi %rev3A_215, %rev3A_216 : vector<16xi32>
      %rev3A_218 = tpu.dynamic_gather %sort3A_197[%rev3A_217] in [0] : vector<16xf32>, vector<16xi32> -> vector<16xf32>
      %min3A_219 = arith.minimumf %sort3A_212, %rev3A_218 : vector<16xf32>
      %sort3A_220 = arith.constant dense<true> : vector<16xi1>
      %sort3A_221, %sort3A_222, %sort3A_223 = tpu.sort %min3A_219, %min3A_219 masked %sort3A_220 : (vector<16xf32>, vector<16xf32>, vector<16xi1>) -> (vector<16xi1>, vector<16xf32>, vector<16xf32>)
      %max3A_224 = arith.maximumf %sort3A_212, %rev3A_218 : vector<16xf32>
      %sort3A_225 = arith.constant dense<true> : vector<16xi1>
      %sort3A_226, %sort3A_227, %sort3A_228 = tpu.sort %max3A_224, %max3A_224 masked %sort3A_225 : (vector<16xf32>, vector<16xf32>, vector<16xi1>) -> (vector<16xi1>, vector<16xf32>, vector<16xf32>)
      %rev3A_229 = arith.constant 15 : i32
      %rev3A_230 = vector.broadcast %rev3A_229 : i32 to vector<16xi32>
      %rev3A_231 = tpu.iota {dimensions = array<i32: 0>} : vector<16xi32>
      %rev3A_232 = arith.subi %rev3A_230, %rev3A_231 : vector<16xi32>
      %rev3A_233 = tpu.dynamic_gather %sort3A_222[%rev3A_232] in [0] : vector<16xf32>, vector<16xi32> -> vector<16xf32>
      %min3A_234 = arith.minimumf %sort3A_207, %rev3A_233 : vector<16xf32>
      %sort3A_235 = arith.constant dense<true> : vector<16xi1>
      %sort3A_236, %sort3A_237, %sort3A_238 = tpu.sort %min3A_234, %min3A_234 masked %sort3A_235 : (vector<16xf32>, vector<16xf32>, vector<16xi1>) -> (vector<16xi1>, vector<16xf32>, vector<16xf32>)
      %max3A_239 = arith.maximumf %sort3A_207, %rev3A_233 : vector<16xf32>
      %sort3A_240 = arith.constant dense<true> : vector<16xi1>
      %sort3A_241, %sort3A_242, %sort3A_243 = tpu.sort %max3A_239, %max3A_239 masked %sort3A_240 : (vector<16xf32>, vector<16xf32>, vector<16xi1>) -> (vector<16xi1>, vector<16xf32>, vector<16xf32>)
      %rev3A_244 = arith.constant 15 : i32
      %rev3A_245 = vector.broadcast %rev3A_244 : i32 to vector<16xi32>
      %rev3A_246 = tpu.iota {dimensions = array<i32: 0>} : vector<16xi32>
      %rev3A_247 = arith.subi %rev3A_245, %rev3A_246 : vector<16xi32>
      %rev3A_248 = tpu.dynamic_gather %sort3A_227[%rev3A_247] in [0] : vector<16xf32>, vector<16xi32> -> vector<16xf32>
      %min3A_249 = arith.minimumf %sort3A_172, %rev3A_248 : vector<16xf32>
      %sort3A_250 = arith.constant dense<true> : vector<16xi1>
      %sort3A_251, %sort3A_252, %sort3A_253 = tpu.sort %min3A_249, %min3A_249 masked %sort3A_250 : (vector<16xf32>, vector<16xf32>, vector<16xi1>) -> (vector<16xi1>, vector<16xf32>, vector<16xf32>)
      %rev3A_254 = arith.constant 15 : i32
      %rev3A_255 = vector.broadcast %rev3A_254 : i32 to vector<16xi32>
      %rev3A_256 = tpu.iota {dimensions = array<i32: 0>} : vector<16xi32>
      %rev3A_257 = arith.subi %rev3A_255, %rev3A_256 : vector<16xi32>
      %rev3A_258 = tpu.dynamic_gather %sort3A_242[%rev3A_257] in [0] : vector<16xf32>, vector<16xi32> -> vector<16xf32>
      %min3A_259 = arith.minimumf %sort3A_187, %rev3A_258 : vector<16xf32>
      %sort3A_260 = arith.constant dense<true> : vector<16xi1>
      %sort3A_261, %sort3A_262, %sort3A_263 = tpu.sort %min3A_259, %min3A_259 masked %sort3A_260 : (vector<16xf32>, vector<16xf32>, vector<16xi1>) -> (vector<16xi1>, vector<16xf32>, vector<16xf32>)
      %rev3A_264 = arith.constant 15 : i32
      %rev3A_265 = vector.broadcast %rev3A_264 : i32 to vector<16xi32>
      %rev3A_266 = tpu.iota {dimensions = array<i32: 0>} : vector<16xi32>
      %rev3A_267 = arith.subi %rev3A_265, %rev3A_266 : vector<16xi32>
      %rev3A_268 = tpu.dynamic_gather %sort3A_252[%rev3A_267] in [0] : vector<16xf32>, vector<16xi32> -> vector<16xf32>
      %min3A_269 = arith.minimumf %sort3A_262, %rev3A_268 : vector<16xf32>
      %sort3A_270 = arith.constant dense<true> : vector<16xi1>
      %sort3A_271, %sort3A_272, %sort3A_273 = tpu.sort %min3A_269, %min3A_269 masked %sort3A_270 : (vector<16xf32>, vector<16xf32>, vector<16xi1>) -> (vector<16xi1>, vector<16xf32>, vector<16xf32>)
      %rev3A_274 = arith.constant 15 : i32
      %rev3A_275 = vector.broadcast %rev3A_274 : i32 to vector<16xi32>
      %rev3A_276 = tpu.iota {dimensions = array<i32: 0>} : vector<16xi32>
      %rev3A_277 = arith.subi %rev3A_275, %rev3A_276 : vector<16xi32>
      %rev3A_278 = tpu.dynamic_gather %sort3A_237[%rev3A_277] in [0] : vector<16xf32>, vector<16xi32> -> vector<16xf32>
      %min3A_279 = arith.minimumf %sort3A_182, %rev3A_278 : vector<16xf32>
      %sort3A_280 = arith.constant dense<true> : vector<16xi1>
      %sort3A_281, %sort3A_282, %sort3A_283 = tpu.sort %min3A_279, %min3A_279 masked %sort3A_280 : (vector<16xf32>, vector<16xf32>, vector<16xi1>) -> (vector<16xi1>, vector<16xf32>, vector<16xf32>)
      %max3A_284 = arith.maximumf %sort3A_182, %rev3A_278 : vector<16xf32>
      %sort3A_285 = arith.constant dense<true> : vector<16xi1>
      %sort3A_286, %sort3A_287, %sort3A_288 = tpu.sort %max3A_284, %max3A_284 masked %sort3A_285 : (vector<16xf32>, vector<16xf32>, vector<16xi1>) -> (vector<16xi1>, vector<16xf32>, vector<16xf32>)
      %rev3A_289 = arith.constant 15 : i32
      %rev3A_290 = vector.broadcast %rev3A_289 : i32 to vector<16xi32>
      %rev3A_291 = tpu.iota {dimensions = array<i32: 0>} : vector<16xi32>
      %rev3A_292 = arith.subi %rev3A_290, %rev3A_291 : vector<16xi32>
      %rev3A_293 = tpu.dynamic_gather %sort3A_272[%rev3A_292] in [0] : vector<16xf32>, vector<16xi32> -> vector<16xf32>
      %min3A_294 = arith.minimumf %sort3A_287, %rev3A_293 : vector<16xf32>
      %sort3A_295 = arith.constant dense<true> : vector<16xi1>
      %sort3A_296, %sort3A_297, %sort3A_298 = tpu.sort %min3A_294, %min3A_294 masked %sort3A_295 : (vector<16xf32>, vector<16xf32>, vector<16xi1>) -> (vector<16xi1>, vector<16xf32>, vector<16xf32>)
      %max3A_299 = arith.maximumf %sort3A_287, %rev3A_293 : vector<16xf32>
      %sort3A_300 = arith.constant dense<true> : vector<16xi1>
      %sort3A_301, %sort3A_302, %sort3A_303 = tpu.sort %max3A_299, %max3A_299 masked %sort3A_300 : (vector<16xf32>, vector<16xf32>, vector<16xi1>) -> (vector<16xi1>, vector<16xf32>, vector<16xf32>)
      %rev3A_304 = arith.constant 15 : i32
      %rev3A_305 = vector.broadcast %rev3A_304 : i32 to vector<16xi32>
      %rev3A_306 = tpu.iota {dimensions = array<i32: 0>} : vector<16xi32>
      %rev3A_307 = arith.subi %rev3A_305, %rev3A_306 : vector<16xi32>
      %rev3A_308 = tpu.dynamic_gather %sort3A_297[%rev3A_307] in [0] : vector<16xf32>, vector<16xi32> -> vector<16xf32>
      %min3A_309 = arith.minimumf %sort3A_282, %rev3A_308 : vector<16xf32>
      %sort3A_310 = arith.constant dense<true> : vector<16xi1>
      %sort3A_311, %sort3A_312, %sort3A_313 = tpu.sort %min3A_309, %min3A_309 masked %sort3A_310 : (vector<16xf32>, vector<16xf32>, vector<16xi1>) -> (vector<16xi1>, vector<16xf32>, vector<16xf32>)
      %max3A_314 = arith.maximumf %sort3A_282, %rev3A_308 : vector<16xf32>
      %sort3A_315 = arith.constant dense<true> : vector<16xi1>
      %sort3A_316, %sort3A_317, %sort3A_318 = tpu.sort %max3A_314, %max3A_314 masked %sort3A_315 : (vector<16xf32>, vector<16xf32>, vector<16xi1>) -> (vector<16xi1>, vector<16xf32>, vector<16xf32>)
      %reduce_min3A = arith.constant true
      %reduce_min3A_319 = vector.broadcast %reduce_min3A : i1 to vector<16xi1>
      %reduce_min3A_320 = tpu.scan <min>, %sort3A_302 masked %reduce_min3A_319 : vector<16xf32>, vector<16xi1> -> vector<16xf32>
      %reduce_min3A_321 = vector.extract %reduce_min3A_320[15] : f32 from vector<16xf32>
      %le3A = vector.broadcast %reduce_min3A_321 : f32 to vector<16xf32>
      %le3A_322 = arith.cmpf ole, %scan3A_40#7, %le3A : vector<16xf32>
      %all_reduce_population_count3A = tpu.all_reduce %le3A_322 {dim = 0 : i64, kind = #tpu.reduction_kind<sum>} : vector<16xi1> -> vector<16xi32>
      %reduce_max3A = arith.constant true
      %reduce_max3A_323 = vector.broadcast %reduce_max3A : i1 to vector<16xi1>
      %reduce_max3A_324 = arith.constant -2147483648 : i32
      %reduce_max3A_325 = vector.broadcast %reduce_max3A_324 : i32 to vector<16xi32>
      %reduce_max3A_326 = arith.xori %all_reduce_population_count3A, %reduce_max3A_325 : vector<16xi32>
      %reduce_max3A_327 = tpu.scan <max>, %reduce_max3A_326 masked %reduce_max3A_323 : vector<16xi32>, vector<16xi1> -> vector<16xi32>
      %reduce_max3A_328 = arith.xori %reduce_max3A_327, %reduce_max3A_325 : vector<16xi32>
      %reduce_max3A_329 = vector.extract %reduce_max3A_328[15] : i32 from vector<16xi32>
      %eq3A = arith.constant 0 : i32
      %eq3A_330 = arith.cmpi eq, %reduce_max3A_329, %eq3A : i32
      %convert_element_type3A = arith.extui %eq3A_330 : i1 to i32
      %cond3A = arith.constant 0 : i32
      %cond3A_331 = arith.constant 0 : i32
      %cond3A_332 = arith.cmpi ne, %convert_element_type3A, %cond3A_331 : i32
      %cond3A_333 = scf.if %cond3A_332 -> (f32) {
        scf.yield %reduce_min3A_321 : f32
      } else {
        %scan3A_696 = arith.constant 0 : i32
        %scan3A_697 = arith.constant 128 : i32
        %scan3A_698 = arith.addi %scan3A_696, %scan3A_697 : i32
        %scan3A_699 = arith.constant 8 : i32
        %scan3A_700 = scf.for %scan3A_717 = %scan3A_696 to %scan3A_698 step %scan3A_699 iter_args(%scan3A_718 = %broadcast_in_dim3A_43) -> (vector<16xi32>)  : i32 {
          %mul3A_719 = arith.constant 16 : i32
          %mul3A_720 = arith.muli %scan3A_717, %mul3A_719 : i32
          %get3A_721 = arith.index_cast %mul3A_720 : i32 to index
          %get3A_722 = tpu.vector_load %arg4[%get3A_721] {strides = array<i32>} : memref<2048xf32, #tpu.memory_space<vmem>>, vector<16xf32>,
          %le3A_723 = vector.broadcast %reduce_min3A_321 : f32 to vector<16xf32>
          %le3A_724 = arith.cmpf ole, %get3A_722, %le3A_723 : vector<16xf32>
          %all_reduce_population_count3A_725 = tpu.all_reduce %le3A_724 {dim = 0 : i64, kind = #tpu.reduction_kind<sum>} : vector<16xi1> -> vector<16xi32>
          %add3A_726 = arith.addi %scan3A_718, %all_reduce_population_count3A_725 : vector<16xi32>
          %scan3A_727 = arith.constant 1 : i32
          %scan3A_728 = arith.addi %scan3A_717, %scan3A_727 : i32
          %mul3A_729 = arith.constant 16 : i32
          %mul3A_730 = arith.muli %scan3A_728, %mul3A_729 : i32
          %get3A_731 = arith.index_cast %mul3A_730 : i32 to index
          %get3A_732 = tpu.vector_load %arg4[%get3A_731] {strides = array<i32>} : memref<2048xf32, #tpu.memory_space<vmem>>, vector<16xf32>,
          %le3A_733 = vector.broadcast %reduce_min3A_321 : f32 to vector<16xf32>
          %le3A_734 = arith.cmpf ole, %get3A_732, %le3A_733 : vector<16xf32>
          %all_reduce_population_count3A_735 = tpu.all_reduce %le3A_734 {dim = 0 : i64, kind = #tpu.reduction_kind<sum>} : vector<16xi1> -> vector<16xi32>
          %add3A_736 = arith.addi %add3A_726, %all_reduce_population_count3A_735 : vector<16xi32>
          %scan3A_737 = arith.constant 2 : i32
          %scan3A_738 = arith.addi %scan3A_717, %scan3A_737 : i32
          %mul3A_739 = arith.constant 16 : i32
          %mul3A_740 = arith.muli %scan3A_738, %mul3A_739 : i32
          %get3A_741 = arith.index_cast %mul3A_740 : i32 to index
          %get3A_742 = tpu.vector_load %arg4[%get3A_741] {strides = array<i32>} : memref<2048xf32, #tpu.memory_space<vmem>>, vector<16xf32>,
          %le3A_743 = vector.broadcast %reduce_min3A_321 : f32 to vector<16xf32>
          %le3A_744 = arith.cmpf ole, %get3A_742, %le3A_743 : vector<16xf32>
          %all_reduce_population_count3A_745 = tpu.all_reduce %le3A_744 {dim = 0 : i64, kind = #tpu.reduction_kind<sum>} : vector<16xi1> -> vector<16xi32>
          %add3A_746 = arith.addi %add3A_736, %all_reduce_population_count3A_745 : vector<16xi32>
          %scan3A_747 = arith.constant 3 : i32
          %scan3A_748 = arith.addi %scan3A_717, %scan3A_747 : i32
          %mul3A_749 = arith.constant 16 : i32
          %mul3A_750 = arith.muli %scan3A_748, %mul3A_749 : i32
          %get3A_751 = arith.index_cast %mul3A_750 : i32 to index
          %get3A_752 = tpu.vector_load %arg4[%get3A_751] {strides = array<i32>} : memref<2048xf32, #tpu.memory_space<vmem>>, vector<16xf32>,
          %le3A_753 = vector.broadcast %reduce_min3A_321 : f32 to vector<16xf32>
          %le3A_754 = arith.cmpf ole, %get3A_752, %le3A_753 : vector<16xf32>
          %all_reduce_population_count3A_755 = tpu.all_reduce %le3A_754 {dim = 0 : i64, kind = #tpu.reduction_kind<sum>} : vector<16xi1> -> vector<16xi32>
          %add3A_756 = arith.addi %add3A_746, %all_reduce_population_count3A_755 : vector<16xi32>
          %scan3A_757 = arith.constant 4 : i32
          %scan3A_758 = arith.addi %scan3A_717, %scan3A_757 : i32
          %mul3A_759 = arith.constant 16 : i32
          %mul3A_760 = arith.muli %scan3A_758, %mul3A_759 : i32
          %get3A_761 = arith.index_cast %mul3A_760 : i32 to index
          %get3A_762 = tpu.vector_load %arg4[%get3A_761] {strides = array<i32>} : memref<2048xf32, #tpu.memory_space<vmem>>, vector<16xf32>,
          %le3A_763 = vector.broadcast %reduce_min3A_321 : f32 to vector<16xf32>
          %le3A_764 = arith.cmpf ole, %get3A_762, %le3A_763 : vector<16xf32>
          %all_reduce_population_count3A_765 = tpu.all_reduce %le3A_764 {dim = 0 : i64, kind = #tpu.reduction_kind<sum>} : vector<16xi1> -> vector<16xi32>
          %add3A_766 = arith.addi %add3A_756, %all_reduce_population_count3A_765 : vector<16xi32>
          %scan3A_767 = arith.constant 5 : i32
          %scan3A_768 = arith.addi %scan3A_717, %scan3A_767 : i32
          %mul3A_769 = arith.constant 16 : i32
          %mul3A_770 = arith.muli %scan3A_768, %mul3A_769 : i32
          %get3A_771 = arith.index_cast %mul3A_770 : i32 to index
          %get3A_772 = tpu.vector_load %arg4[%get3A_771] {strides = array<i32>} : memref<2048xf32, #tpu.memory_space<vmem>>, vector<16xf32>,
          %le3A_773 = vector.broadcast %reduce_min3A_321 : f32 to vector<16xf32>
          %le3A_774 = arith.cmpf ole, %get3A_772, %le3A_773 : vector<16xf32>
          %all_reduce_population_count3A_775 = tpu.all_reduce %le3A_774 {dim = 0 : i64, kind = #tpu.reduction_kind<sum>} : vector<16xi1> -> vector<16xi32>
          %add3A_776 = arith.addi %add3A_766, %all_reduce_population_count3A_775 : vector<16xi32>
          %scan3A_777 = arith.constant 6 : i32
          %scan3A_778 = arith.addi %scan3A_717, %scan3A_777 : i32
          %mul3A_779 = arith.constant 16 : i32
          %mul3A_780 = arith.muli %scan3A_778, %mul3A_779 : i32
          %get3A_781 = arith.index_cast %mul3A_780 : i32 to index
          %get3A_782 = tpu.vector_load %arg4[%get3A_781] {strides = array<i32>} : memref<2048xf32, #tpu.memory_space<vmem>>, vector<16xf32>,
          %le3A_783 = vector.broadcast %reduce_min3A_321 : f32 to vector<16xf32>
          %le3A_784 = arith.cmpf ole, %get3A_782, %le3A_783 : vector<16xf32>
          %all_reduce_population_count3A_785 = tpu.all_reduce %le3A_784 {dim = 0 : i64, kind = #tpu.reduction_kind<sum>} : vector<16xi1> -> vector<16xi32>
          %add3A_786 = arith.addi %add3A_776, %all_reduce_population_count3A_785 : vector<16xi32>
          %scan3A_787 = arith.constant 7 : i32
          %scan3A_788 = arith.addi %scan3A_717, %scan3A_787 : i32
          %mul3A_789 = arith.constant 16 : i32
          %mul3A_790 = arith.muli %scan3A_788, %mul3A_789 : i32
          %get3A_791 = arith.index_cast %mul3A_790 : i32 to index
          %get3A_792 = tpu.vector_load %arg4[%get3A_791] {strides = array<i32>} : memref<2048xf32, #tpu.memory_space<vmem>>, vector<16xf32>,
          %le3A_793 = vector.broadcast %reduce_min3A_321 : f32 to vector<16xf32>
          %le3A_794 = arith.cmpf ole, %get3A_792, %le3A_793 : vector<16xf32>
          %all_reduce_population_count3A_795 = tpu.all_reduce %le3A_794 {dim = 0 : i64, kind = #tpu.reduction_kind<sum>} : vector<16xi1> -> vector<16xi32>
          %add3A_796 = arith.addi %add3A_786, %all_reduce_population_count3A_795 : vector<16xi32>
          scf.yield %add3A_796 : vector<16xi32>
        }
        %scan3A_701 = arith.constant 128 : i32
        %reduce_max3A_702 = arith.constant true
        %reduce_max3A_703 = vector.broadcast %reduce_max3A_702 : i1 to vector<16xi1>
        %reduce_max3A_704 = arith.constant -2147483648 : i32
        %reduce_max3A_705 = vector.broadcast %reduce_max3A_704 : i32 to vector<16xi32>
        %reduce_max3A_706 = arith.xori %scan3A_700, %reduce_max3A_705 : vector<16xi32>
        %reduce_max3A_707 = tpu.scan <max>, %reduce_max3A_706 masked %reduce_max3A_703 : vector<16xi32>, vector<16xi1> -> vector<16xi32>
        %reduce_max3A_708 = arith.xori %reduce_max3A_707, %reduce_max3A_705 : vector<16xi32>
        %reduce_max3A_709 = vector.extract %reduce_max3A_708[15] : i32 from vector<16xi32>
        %eq3A_710 = arith.constant 33 : i32
        %eq3A_711 = arith.cmpi eq, %reduce_max3A_709, %eq3A_710 : i32
        %convert_element_type3A_712 = arith.extui %eq3A_711 : i1 to i32
        %cond3A_713 = arith.constant 0 : i32
        %cond3A_714 = arith.constant 0 : i32
        %cond3A_715 = arith.cmpi ne, %convert_element_type3A_712, %cond3A_714 : i32
        %cond3A_716 = scf.if %cond3A_715 -> (f32) {
          scf.yield %reduce_min3A_321 : f32
        } else {
          %scan3A_717 = arith.constant 0 : i32
          %scan3A_718 = arith.constant 31 : i32
          %scan3A_719 = arith.addi %scan3A_717, %scan3A_718 : i32
          %scan3A_720 = arith.constant 1 : i32
          %scan3A_721:2 = scf.for %scan3A_727 = %scan3A_717 to %scan3A_719 step %scan3A_720 iter_args(%scan3A_728 = %broadcast_in_dim3A_43, %scan3A_729 = %broadcast_in_dim3A_45) -> (vector<16xi32>, vector<16xi32>)  : i32 {
            %sub3A_730 = arith.subi %scan3A_729, %scan3A_728 : vector<16xi32>
            %shift_right_logical3A = arith.constant 1 : i32
            %shift_right_logical3A_731 = vector.broadcast %shift_right_logical3A : i32 to vector<16xi32>
            %shift_right_logical3A_732 = arith.shrui %sub3A_730, %shift_right_logical3A_731 : vector<16xi32>
            %add3A_733 = arith.addi %scan3A_728, %shift_right_logical3A_732 : vector<16xi32>
            %scan3A_734 = arith.constant 0 : i32
            %scan3A_735 = arith.constant 128 : i32
            %scan3A_736 = arith.addi %scan3A_734, %scan3A_735 : i32
            %scan3A_737 = arith.constant 8 : i32
            %scan3A_738 = scf.for %scan3A_747 = %scan3A_734 to %scan3A_736 step %scan3A_737 iter_args(%scan3A_748 = %broadcast_in_dim3A_43) -> (vector<16xi32>)  : i32 {
              %mul3A_749 = arith.constant 16 : i32
              %mul3A_750 = arith.muli %scan3A_747, %mul3A_749 : i32
              %get3A_751 = arith.index_cast %mul3A_750 : i32 to index
              %get3A_752 = tpu.vector_load %arg4[%get3A_751] {strides = array<i32>} : memref<2048xf32, #tpu.memory_space<vmem>>, vector<16xf32>,
              %bitcast_convert_type3A_753 = tpu.bitcast %get3A_752 : vector<16xf32> -> vector<16xi32>
              %le3A_754 = arith.cmpi sle, %bitcast_convert_type3A_753, %add3A_733 : vector<16xi32>
              %all_reduce_population_count3A_755 = tpu.all_reduce %le3A_754 {dim = 0 : i64, kind = #tpu.reduction_kind<sum>} : vector<16xi1> -> vector<16xi32>
              %add3A_756 = arith.addi %scan3A_748, %all_reduce_population_count3A_755 : vector<16xi32>
              %scan3A_757 = arith.constant 1 : i32
              %scan3A_758 = arith.addi %scan3A_747, %scan3A_757 : i32
              %mul3A_759 = arith.constant 16 : i32
              %mul3A_760 = arith.muli %scan3A_758, %mul3A_759 : i32
              %get3A_761 = arith.index_cast %mul3A_760 : i32 to index
              %get3A_762 = tpu.vector_load %arg4[%get3A_761] {strides = array<i32>} : memref<2048xf32, #tpu.memory_space<vmem>>, vector<16xf32>,
              %bitcast_convert_type3A_763 = tpu.bitcast %get3A_762 : vector<16xf32> -> vector<16xi32>
              %le3A_764 = arith.cmpi sle, %bitcast_convert_type3A_763, %add3A_733 : vector<16xi32>
              %all_reduce_population_count3A_765 = tpu.all_reduce %le3A_764 {dim = 0 : i64, kind = #tpu.reduction_kind<sum>} : vector<16xi1> -> vector<16xi32>
              %add3A_766 = arith.addi %add3A_756, %all_reduce_population_count3A_765 : vector<16xi32>
              %scan3A_767 = arith.constant 2 : i32
              %scan3A_768 = arith.addi %scan3A_747, %scan3A_767 : i32
              %mul3A_769 = arith.constant 16 : i32
              %mul3A_770 = arith.muli %scan3A_768, %mul3A_769 : i32
              %get3A_771 = arith.index_cast %mul3A_770 : i32 to index
              %get3A_772 = tpu.vector_load %arg4[%get3A_771] {strides = array<i32>} : memref<2048xf32, #tpu.memory_space<vmem>>, vector<16xf32>,
              %bitcast_convert_type3A_773 = tpu.bitcast %get3A_772 : vector<16xf32> -> vector<16xi32>
              %le3A_774 = arith.cmpi sle, %bitcast_convert_type3A_773, %add3A_733 : vector<16xi32>
              %all_reduce_population_count3A_775 = tpu.all_reduce %le3A_774 {dim = 0 : i64, kind = #tpu.reduction_kind<sum>} : vector<16xi1> -> vector<16xi32>
              %add3A_776 = arith.addi %add3A_766, %all_reduce_population_count3A_775 : vector<16xi32>
              %scan3A_777 = arith.constant 3 : i32
              %scan3A_778 = arith.addi %scan3A_747, %scan3A_777 : i32
              %mul3A_779 = arith.constant 16 : i32
              %mul3A_780 = arith.muli %scan3A_778, %mul3A_779 : i32
              %get3A_781 = arith.index_cast %mul3A_780 : i32 to index
              %get3A_782 = tpu.vector_load %arg4[%get3A_781] {strides = array<i32>} : memref<2048xf32, #tpu.memory_space<vmem>>, vector<16xf32>,
              %bitcast_convert_type3A_783 = tpu.bitcast %get3A_782 : vector<16xf32> -> vector<16xi32>
              %le3A_784 = arith.cmpi sle, %bitcast_convert_type3A_783, %add3A_733 : vector<16xi32>
              %all_reduce_population_count3A_785 = tpu.all_reduce %le3A_784 {dim = 0 : i64, kind = #tpu.reduction_kind<sum>} : vector<16xi1> -> vector<16xi32>
              %add3A_786 = arith.addi %add3A_776, %all_reduce_population_count3A_785 : vector<16xi32>
              %scan3A_787 = arith.constant 4 : i32
              %scan3A_788 = arith.addi %scan3A_747, %scan3A_787 : i32
              %mul3A_789 = arith.constant 16 : i32
              %mul3A_790 = arith.muli %scan3A_788, %mul3A_789 : i32
              %get3A_791 = arith.index_cast %mul3A_790 : i32 to index
              %get3A_792 = tpu.vector_load %arg4[%get3A_791] {strides = array<i32>} : memref<2048xf32, #tpu.memory_space<vmem>>, vector<16xf32>,
              %bitcast_convert_type3A_793 = tpu.bitcast %get3A_792 : vector<16xf32> -> vector<16xi32>
              %le3A_794 = arith.cmpi sle, %bitcast_convert_type3A_793, %add3A_733 : vector<16xi32>
              %all_reduce_population_count3A_795 = tpu.all_reduce %le3A_794 {dim = 0 : i64, kind = #tpu.reduction_kind<sum>} : vector<16xi1> -> vector<16xi32>
              %add3A_796 = arith.addi %add3A_786, %all_reduce_population_count3A_795 : vector<16xi32>
              %scan3A_797 = arith.constant 5 : i32
              %scan3A_798 = arith.addi %scan3A_747, %scan3A_797 : i32
              %mul3A_799 = arith.constant 16 : i32
              %mul3A_800 = arith.muli %scan3A_798, %mul3A_799 : i32
              %get3A_801 = arith.index_cast %mul3A_800 : i32 to index
              %get3A_802 = tpu.vector_load %arg4[%get3A_801] {strides = array<i32>} : memref<2048xf32, #tpu.memory_space<vmem>>, vector<16xf32>,
              %bitcast_convert_type3A_803 = tpu.bitcast %get3A_802 : vector<16xf32> -> vector<16xi32>
              %le3A_804 = arith.cmpi sle, %bitcast_convert_type3A_803, %add3A_733 : vector<16xi32>
              %all_reduce_population_count3A_805 = tpu.all_reduce %le3A_804 {dim = 0 : i64, kind = #tpu.reduction_kind<sum>} : vector<16xi1> -> vector<16xi32>
              %add3A_806 = arith.addi %add3A_796, %all_reduce_population_count3A_805 : vector<16xi32>
              %scan3A_807 = arith.constant 6 : i32
              %scan3A_808 = arith.addi %scan3A_747, %scan3A_807 : i32
              %mul3A_809 = arith.constant 16 : i32
              %mul3A_810 = arith.muli %scan3A_808, %mul3A_809 : i32
              %get3A_811 = arith.index_cast %mul3A_810 : i32 to index
              %get3A_812 = tpu.vector_load %arg4[%get3A_811] {strides = array<i32>} : memref<2048xf32, #tpu.memory_space<vmem>>, vector<16xf32>,
              %bitcast_convert_type3A_813 = tpu.bitcast %get3A_812 : vector<16xf32> -> vector<16xi32>
              %le3A_814 = arith.cmpi sle, %bitcast_convert_type3A_813, %add3A_733 : vector<16xi32>
              %all_reduce_population_count3A_815 = tpu.all_reduce %le3A_814 {dim = 0 : i64, kind = #tpu.reduction_kind<sum>} : vector<16xi1> -> vector<16xi32>
              %add3A_816 = arith.addi %add3A_806, %all_reduce_population_count3A_815 : vector<16xi32>
              %scan3A_817 = arith.constant 7 : i32
              %scan3A_818 = arith.addi %scan3A_747, %scan3A_817 : i32
              %mul3A_819 = arith.constant 16 : i32
              %mul3A_820 = arith.muli %scan3A_818, %mul3A_819 : i32
              %get3A_821 = arith.index_cast %mul3A_820 : i32 to index
              %get3A_822 = tpu.vector_load %arg4[%get3A_821] {strides = array<i32>} : memref<2048xf32, #tpu.memory_space<vmem>>, vector<16xf32>,
              %bitcast_convert_type3A_823 = tpu.bitcast %get3A_822 : vector<16xf32> -> vector<16xi32>
              %le3A_824 = arith.cmpi sle, %bitcast_convert_type3A_823, %add3A_733 : vector<16xi32>
              %all_reduce_population_count3A_825 = tpu.all_reduce %le3A_824 {dim = 0 : i64, kind = #tpu.reduction_kind<sum>} : vector<16xi1> -> vector<16xi32>
              %add3A_826 = arith.addi %add3A_816, %all_reduce_population_count3A_825 : vector<16xi32>
              scf.yield %add3A_826 : vector<16xi32>
            }
            %scan3A_739 = arith.constant 128 : i32
            %ge3A = arith.constant 33 : i32
            %ge3A_740 = vector.broadcast %ge3A : i32 to vector<16xi32>
            %ge3A_741 = arith.cmpi sge, %scan3A_738, %ge3A_740 : vector<16xi32>
            %add3A_742 = arith.constant 1 : i32
            %add3A_743 = vector.broadcast %add3A_742 : i32 to vector<16xi32>
            %add3A_744 = arith.addi %add3A_733, %add3A_743 : vector<16xi32>
            %select_n3A_745 = arith.select %ge3A_741, %scan3A_728, %add3A_744 : vector<16xi1>, vector<16xi32>
            %select_n3A_746 = arith.select %ge3A_741, %add3A_733, %scan3A_729 : vector<16xi1>, vector<16xi32>
            scf.yield %select_n3A_745, %select_n3A_746 : vector<16xi32>, vector<16xi32>
          }
          %scan3A_722 = arith.constant 31 : i32
          %bitcast_convert_type3A = tpu.bitcast %scan3A_721#1 : vector<16xi32> -> vector<16xf32>
          %reduce_max3A_723 = arith.constant true
          %reduce_max3A_724 = vector.broadcast %reduce_max3A_723 : i1 to vector<16xi1>
          %reduce_max3A_725 = tpu.scan <max>, %bitcast_convert_type3A masked %reduce_max3A_724 : vector<16xf32>, vector<16xi1> -> vector<16xf32>
          %reduce_max3A_726 = vector.extract %reduce_max3A_725[15] : f32 from vector<16xf32>
          scf.yield %reduce_max3A_726 : f32
        }
        scf.yield %cond3A_716 : f32
      }
      %add3A_334 = arith.constant 2 : i32
      %add3A_335 = arith.addi %add3A_29, %add3A_334 : i32
      %le3A_336 = arith.cmpi sle, %add3A_335, %sub3A_5 : i32
      %convert_element_type3A_337 = arith.extui %le3A_336 : i1 to i32
      %cond3A_338 = arith.constant 0 : i32
      %cond3A_339 = arith.cmpi ne, %convert_element_type3A_337, %cond3A_338 : i32
      scf.if %cond3A_339 {
        %add3A_696 = arith.constant 2 : i32
        %add3A_697 = arith.addi %add3A_29, %add3A_696 : i32
        %dma_start3A_698 = arith.constant 0 : i32
        %dma_start3A_699 = tpu.memref_slice %arg2[%add3A_697, %dma_start3A_698] : memref<2048x2048xf32, #tpu.memory_space<hbm>> -> memref<1x2048xf32, #tpu.memory_space<hbm>>
        %dma_start3A_700 = tpu.memref_squeeze %dma_start3A_699 : memref<1x2048xf32, #tpu.memory_space<hbm>> -> memref<2048xf32, #tpu.memory_space<hbm>>
        %dma_start3A_701 = arith.constant 0 : i32
        %dma_start3A_702 = tpu.memref_slice %arg2[%add3A_697, %dma_start3A_701] : memref<2048x2048xf32, #tpu.memory_space<hbm>> -> memref<1x2048xf32, #tpu.memory_space<hbm>>
        %dma_start3A_703 = tpu.memref_squeeze %dma_start3A_702 : memref<1x2048xf32, #tpu.memory_space<hbm>> -> memref<2048xf32, #tpu.memory_space<hbm>>
        tpu.enqueue_dma source(%dma_start3A_703 : memref<2048xf32, #tpu.memory_space<hbm>>) target(%arg4 : memref<2048xf32, #tpu.memory_space<vmem>>) target_semaphore(%arg7 : memref<!tpu.dma_semaphore, #tpu.memory_space<semaphore_mem>>)
      } else {
      }
      %mul3A_340 = arith.constant 2 : i32
      %mul3A_341 = arith.muli %mul3A_340, %scan3A_25 : i32
      %div3A = arith.constant 16 : i32
      %div3A_342 = arith.divsi %mul3A_341, %div3A : i32
      %mul3A_343 = arith.constant 16 : i32
      %mul3A_344 = arith.muli %div3A_342, %mul3A_343 : i32
      %rem3A = arith.constant 16 : i32
      %rem3A_345 = arith.remsi %mul3A_341, %rem3A : i32
      %get3A = arith.index_cast %mul3A_344 : i32 to index
      %get3A_346 = tpu.vector_load %arg6[%get3A] {strides = array<i32>} : memref<64xf32, #tpu.memory_space<vmem>>, vector<16xf32>,
      %iota3A = tpu.iota {dimensions = array<i32: 0>} : vector<16xi32>
      %eq3A_347 = vector.broadcast %rem3A_345 : i32 to vector<16xi32>
      %eq3A_348 = arith.cmpi eq, %iota3A, %eq3A_347 : vector<16xi32>
      %broadcast_in_dim3A_349 = vector.broadcast %cond3A_333 : f32 to vector<16xf32>
      %select_n3A = arith.select %eq3A_348, %broadcast_in_dim3A_349, %get3A_346 : vector<16xi1>, vector<16xf32>
      %swap3A = arith.index_cast %mul3A_344 : i32 to index
      %swap3A_350 = tpu.vector_load %arg6[%swap3A] {strides = array<i32>} : memref<64xf32, #tpu.memory_space<vmem>>, vector<16xf32>,
      tpu.vector_store %arg6[%swap3A], %select_n3A {strides = array<i32>} : memref<64xf32, #tpu.memory_space<vmem>>, vector<16xf32>,
      %add3A_351 = arith.constant 1 : i32
      %add3A_352 = arith.addi %add3A_29, %add3A_351 : i32
      %dma_wait3A_353 = arith.constant 0 : i32
      %dma_wait3A_354 = tpu.memref_slice %arg2[%add3A_352, %dma_wait3A_353] : memref<2048x2048xf32, #tpu.memory_space<hbm>> -> memref<1x2048xf32, #tpu.memory_space<hbm>>
      %dma_wait3A_355 = tpu.memref_squeeze %dma_wait3A_354 : memref<1x2048xf32, #tpu.memory_space<hbm>> -> memref<2048xf32, #tpu.memory_space<hbm>>
      %dma_wait3A_356 = arith.constant 0 : i32
      %dma_wait3A_357 = tpu.memref_slice %arg2[%add3A_352, %dma_wait3A_356] : memref<2048x2048xf32, #tpu.memory_space<hbm>> -> memref<1x2048xf32, #tpu.memory_space<hbm>>
      %dma_wait3A_358 = tpu.memref_squeeze %dma_wait3A_357 : memref<1x2048xf32, #tpu.memory_space<hbm>> -> memref<2048xf32, #tpu.memory_space<hbm>>
      tpu.wait_dma2 semaphore(%arg8 : memref<!tpu.dma_semaphore, #tpu.memory_space<semaphore_mem>>) src(%dma_wait3A_358 : memref<2048xf32, #tpu.memory_space<hbm>>) dst(%arg5 : memref<2048xf32, #tpu.memory_space<vmem>>)
      %broadcast_in_dim3A_359 = arith.constant 3.40282347E+38 : f32
      %broadcast_in_dim3A_360 = vector.broadcast %broadcast_in_dim3A_359 : f32 to vector<16xf32>
      %scan3A_361 = arith.constant 0 : i32
      %scan3A_362 = arith.constant 128 : i32
      %scan3A_363 = arith.addi %scan3A_361, %scan3A_362 : i32
      %scan3A_364 = arith.constant 8 : i32
      %scan3A_365:8 = scf.for %scan3A_696 = %scan3A_361 to %scan3A_363 step %scan3A_364 iter_args(%scan3A_697 = %broadcast_in_dim3A_360, %scan3A_698 = %broadcast_in_dim3A_360, %scan3A_699 = %broadcast_in_dim3A_360, %scan3A_700 = %broadcast_in_dim3A_360, %scan3A_701 = %broadcast_in_dim3A_360, %scan3A_702 = %broadcast_in_dim3A_360, %scan3A_703 = %broadcast_in_dim3A_360, %scan3A_704 = %broadcast_in_dim3A_360) -> (vector<16xf32>, vector<16xf32>, vector<16xf32>, vector<16xf32>, vector<16xf32>, vector<16xf32>, vector<16xf32>, vector<16xf32>)  : i32 {
        %mul3A_705 = arith.constant 16 : i32
        %mul3A_706 = arith.muli %scan3A_696, %mul3A_705 : i32
        %get3A_707 = arith.index_cast %mul3A_706 : i32 to index
        %get3A_708 = tpu.vector_load %arg5[%get3A_707] {strides = array<i32>} : memref<2048xf32, #tpu.memory_space<vmem>>, vector<16xf32>,
        %min3A_709 = arith.minimumf %scan3A_697, %get3A_708 : vector<16xf32>
        %max3A_710 = arith.maximumf %scan3A_697, %get3A_708 : vector<16xf32>
        %min3A_711 = arith.minimumf %scan3A_698, %max3A_710 : vector<16xf32>
        %max3A_712 = arith.maximumf %scan3A_698, %max3A_710 : vector<16xf32>
        %min3A_713 = arith.minimumf %scan3A_699, %max3A_712 : vector<16xf32>
        %max3A_714 = arith.maximumf %scan3A_699, %max3A_712 : vector<16xf32>
        %min3A_715 = arith.minimumf %scan3A_700, %max3A_714 : vector<16xf32>
        %max3A_716 = arith.maximumf %scan3A_700, %max3A_714 : vector<16xf32>
        %min3A_717 = arith.minimumf %scan3A_701, %max3A_716 : vector<16xf32>
        %max3A_718 = arith.maximumf %scan3A_701, %max3A_716 : vector<16xf32>
        %min3A_719 = arith.minimumf %scan3A_702, %max3A_718 : vector<16xf32>
        %max3A_720 = arith.maximumf %scan3A_702, %max3A_718 : vector<16xf32>
        %min3A_721 = arith.minimumf %scan3A_703, %max3A_720 : vector<16xf32>
        %max3A_722 = arith.maximumf %scan3A_703, %max3A_720 : vector<16xf32>
        %min3A_723 = arith.minimumf %scan3A_704, %max3A_722 : vector<16xf32>
        %max3A_724 = arith.maximumf %scan3A_704, %max3A_722 : vector<16xf32>
        %scan3A_725 = arith.constant 1 : i32
        %scan3A_726 = arith.addi %scan3A_696, %scan3A_725 : i32
        %mul3A_727 = arith.constant 16 : i32
        %mul3A_728 = arith.muli %scan3A_726, %mul3A_727 : i32
        %get3A_729 = arith.index_cast %mul3A_728 : i32 to index
        %get3A_730 = tpu.vector_load %arg5[%get3A_729] {strides = array<i32>} : memref<2048xf32, #tpu.memory_space<vmem>>, vector<16xf32>,
        %min3A_731 = arith.minimumf %min3A_709, %get3A_730 : vector<16xf32>
        %max3A_732 = arith.maximumf %min3A_709, %get3A_730 : vector<16xf32>
        %min3A_733 = arith.minimumf %min3A_711, %max3A_732 : vector<16xf32>
        %max3A_734 = arith.maximumf %min3A_711, %max3A_732 : vector<16xf32>
        %min3A_735 = arith.minimumf %min3A_713, %max3A_734 : vector<16xf32>
        %max3A_736 = arith.maximumf %min3A_713, %max3A_734 : vector<16xf32>
        %min3A_737 = arith.minimumf %min3A_715, %max3A_736 : vector<16xf32>
        %max3A_738 = arith.maximumf %min3A_715, %max3A_736 : vector<16xf32>
        %min3A_739 = arith.minimumf %min3A_717, %max3A_738 : vector<16xf32>
        %max3A_740 = arith.maximumf %min3A_717, %max3A_738 : vector<16xf32>
        %min3A_741 = arith.minimumf %min3A_719, %max3A_740 : vector<16xf32>
        %max3A_742 = arith.maximumf %min3A_719, %max3A_740 : vector<16xf32>
        %min3A_743 = arith.minimumf %min3A_721, %max3A_742 : vector<16xf32>
        %max3A_744 = arith.maximumf %min3A_721, %max3A_742 : vector<16xf32>
        %min3A_745 = arith.minimumf %min3A_723, %max3A_744 : vector<16xf32>
        %max3A_746 = arith.maximumf %min3A_723, %max3A_744 : vector<16xf32>
        %scan3A_747 = arith.constant 2 : i32
        %scan3A_748 = arith.addi %scan3A_696, %scan3A_747 : i32
        %mul3A_749 = arith.constant 16 : i32
        %mul3A_750 = arith.muli %scan3A_748, %mul3A_749 : i32
        %get3A_751 = arith.index_cast %mul3A_750 : i32 to index
        %get3A_752 = tpu.vector_load %arg5[%get3A_751] {strides = array<i32>} : memref<2048xf32, #tpu.memory_space<vmem>>, vector<16xf32>,
        %min3A_753 = arith.minimumf %min3A_731, %get3A_752 : vector<16xf32>
        %max3A_754 = arith.maximumf %min3A_731, %get3A_752 : vector<16xf32>
        %min3A_755 = arith.minimumf %min3A_733, %max3A_754 : vector<16xf32>
        %max3A_756 = arith.maximumf %min3A_733, %max3A_754 : vector<16xf32>
        %min3A_757 = arith.minimumf %min3A_735, %max3A_756 : vector<16xf32>
        %max3A_758 = arith.maximumf %min3A_735, %max3A_756 : vector<16xf32>
        %min3A_759 = arith.minimumf %min3A_737, %max3A_758 : vector<16xf32>
        %max3A_760 = arith.maximumf %min3A_737, %max3A_758 : vector<16xf32>
        %min3A_761 = arith.minimumf %min3A_739, %max3A_760 : vector<16xf32>
        %max3A_762 = arith.maximumf %min3A_739, %max3A_760 : vector<16xf32>
        %min3A_763 = arith.minimumf %min3A_741, %max3A_762 : vector<16xf32>
        %max3A_764 = arith.maximumf %min3A_741, %max3A_762 : vector<16xf32>
        %min3A_765 = arith.minimumf %min3A_743, %max3A_764 : vector<16xf32>
        %max3A_766 = arith.maximumf %min3A_743, %max3A_764 : vector<16xf32>
        %min3A_767 = arith.minimumf %min3A_745, %max3A_766 : vector<16xf32>
        %max3A_768 = arith.maximumf %min3A_745, %max3A_766 : vector<16xf32>
        %scan3A_769 = arith.constant 3 : i32
        %scan3A_770 = arith.addi %scan3A_696, %scan3A_769 : i32
        %mul3A_771 = arith.constant 16 : i32
        %mul3A_772 = arith.muli %scan3A_770, %mul3A_771 : i32
        %get3A_773 = arith.index_cast %mul3A_772 : i32 to index
        %get3A_774 = tpu.vector_load %arg5[%get3A_773] {strides = array<i32>} : memref<2048xf32, #tpu.memory_space<vmem>>, vector<16xf32>,
        %min3A_775 = arith.minimumf %min3A_753, %get3A_774 : vector<16xf32>
        %max3A_776 = arith.maximumf %min3A_753, %get3A_774 : vector<16xf32>
        %min3A_777 = arith.minimumf %min3A_755, %max3A_776 : vector<16xf32>
        %max3A_778 = arith.maximumf %min3A_755, %max3A_776 : vector<16xf32>
        %min3A_779 = arith.minimumf %min3A_757, %max3A_778 : vector<16xf32>
        %max3A_780 = arith.maximumf %min3A_757, %max3A_778 : vector<16xf32>
        %min3A_781 = arith.minimumf %min3A_759, %max3A_780 : vector<16xf32>
        %max3A_782 = arith.maximumf %min3A_759, %max3A_780 : vector<16xf32>
        %min3A_783 = arith.minimumf %min3A_761, %max3A_782 : vector<16xf32>
        %max3A_784 = arith.maximumf %min3A_761, %max3A_782 : vector<16xf32>
        %min3A_785 = arith.minimumf %min3A_763, %max3A_784 : vector<16xf32>
        %max3A_786 = arith.maximumf %min3A_763, %max3A_784 : vector<16xf32>
        %min3A_787 = arith.minimumf %min3A_765, %max3A_786 : vector<16xf32>
        %max3A_788 = arith.maximumf %min3A_765, %max3A_786 : vector<16xf32>
        %min3A_789 = arith.minimumf %min3A_767, %max3A_788 : vector<16xf32>
        %max3A_790 = arith.maximumf %min3A_767, %max3A_788 : vector<16xf32>
        %scan3A_791 = arith.constant 4 : i32
        %scan3A_792 = arith.addi %scan3A_696, %scan3A_791 : i32
        %mul3A_793 = arith.constant 16 : i32
        %mul3A_794 = arith.muli %scan3A_792, %mul3A_793 : i32
        %get3A_795 = arith.index_cast %mul3A_794 : i32 to index
        %get3A_796 = tpu.vector_load %arg5[%get3A_795] {strides = array<i32>} : memref<2048xf32, #tpu.memory_space<vmem>>, vector<16xf32>,
        %min3A_797 = arith.minimumf %min3A_775, %get3A_796 : vector<16xf32>
        %max3A_798 = arith.maximumf %min3A_775, %get3A_796 : vector<16xf32>
        %min3A_799 = arith.minimumf %min3A_777, %max3A_798 : vector<16xf32>
        %max3A_800 = arith.maximumf %min3A_777, %max3A_798 : vector<16xf32>
        %min3A_801 = arith.minimumf %min3A_779, %max3A_800 : vector<16xf32>
        %max3A_802 = arith.maximumf %min3A_779, %max3A_800 : vector<16xf32>
        %min3A_803 = arith.minimumf %min3A_781, %max3A_802 : vector<16xf32>
        %max3A_804 = arith.maximumf %min3A_781, %max3A_802 : vector<16xf32>
        %min3A_805 = arith.minimumf %min3A_783, %max3A_804 : vector<16xf32>
        %max3A_806 = arith.maximumf %min3A_783, %max3A_804 : vector<16xf32>
        %min3A_807 = arith.minimumf %min3A_785, %max3A_806 : vector<16xf32>
        %max3A_808 = arith.maximumf %min3A_785, %max3A_806 : vector<16xf32>
        %min3A_809 = arith.minimumf %min3A_787, %max3A_808 : vector<16xf32>
        %max3A_810 = arith.maximumf %min3A_787, %max3A_808 : vector<16xf32>
        %min3A_811 = arith.minimumf %min3A_789, %max3A_810 : vector<16xf32>
        %max3A_812 = arith.maximumf %min3A_789, %max3A_810 : vector<16xf32>
        %scan3A_813 = arith.constant 5 : i32
        %scan3A_814 = arith.addi %scan3A_696, %scan3A_813 : i32
        %mul3A_815 = arith.constant 16 : i32
        %mul3A_816 = arith.muli %scan3A_814, %mul3A_815 : i32
        %get3A_817 = arith.index_cast %mul3A_816 : i32 to index
        %get3A_818 = tpu.vector_load %arg5[%get3A_817] {strides = array<i32>} : memref<2048xf32, #tpu.memory_space<vmem>>, vector<16xf32>,
        %min3A_819 = arith.minimumf %min3A_797, %get3A_818 : vector<16xf32>
        %max3A_820 = arith.maximumf %min3A_797, %get3A_818 : vector<16xf32>
        %min3A_821 = arith.minimumf %min3A_799, %max3A_820 : vector<16xf32>
        %max3A_822 = arith.maximumf %min3A_799, %max3A_820 : vector<16xf32>
        %min3A_823 = arith.minimumf %min3A_801, %max3A_822 : vector<16xf32>
        %max3A_824 = arith.maximumf %min3A_801, %max3A_822 : vector<16xf32>
        %min3A_825 = arith.minimumf %min3A_803, %max3A_824 : vector<16xf32>
        %max3A_826 = arith.maximumf %min3A_803, %max3A_824 : vector<16xf32>
        %min3A_827 = arith.minimumf %min3A_805, %max3A_826 : vector<16xf32>
        %max3A_828 = arith.maximumf %min3A_805, %max3A_826 : vector<16xf32>
        %min3A_829 = arith.minimumf %min3A_807, %max3A_828 : vector<16xf32>
        %max3A_830 = arith.maximumf %min3A_807, %max3A_828 : vector<16xf32>
        %min3A_831 = arith.minimumf %min3A_809, %max3A_830 : vector<16xf32>
        %max3A_832 = arith.maximumf %min3A_809, %max3A_830 : vector<16xf32>
        %min3A_833 = arith.minimumf %min3A_811, %max3A_832 : vector<16xf32>
        %max3A_834 = arith.maximumf %min3A_811, %max3A_832 : vector<16xf32>
        %scan3A_835 = arith.constant 6 : i32
        %scan3A_836 = arith.addi %scan3A_696, %scan3A_835 : i32
        %mul3A_837 = arith.constant 16 : i32
        %mul3A_838 = arith.muli %scan3A_836, %mul3A_837 : i32
        %get3A_839 = arith.index_cast %mul3A_838 : i32 to index
        %get3A_840 = tpu.vector_load %arg5[%get3A_839] {strides = array<i32>} : memref<2048xf32, #tpu.memory_space<vmem>>, vector<16xf32>,
        %min3A_841 = arith.minimumf %min3A_819, %get3A_840 : vector<16xf32>
        %max3A_842 = arith.maximumf %min3A_819, %get3A_840 : vector<16xf32>
        %min3A_843 = arith.minimumf %min3A_821, %max3A_842 : vector<16xf32>
        %max3A_844 = arith.maximumf %min3A_821, %max3A_842 : vector<16xf32>
        %min3A_845 = arith.minimumf %min3A_823, %max3A_844 : vector<16xf32>
        %max3A_846 = arith.maximumf %min3A_823, %max3A_844 : vector<16xf32>
        %min3A_847 = arith.minimumf %min3A_825, %max3A_846 : vector<16xf32>
        %max3A_848 = arith.maximumf %min3A_825, %max3A_846 : vector<16xf32>
        %min3A_849 = arith.minimumf %min3A_827, %max3A_848 : vector<16xf32>
        %max3A_850 = arith.maximumf %min3A_827, %max3A_848 : vector<16xf32>
        %min3A_851 = arith.minimumf %min3A_829, %max3A_850 : vector<16xf32>
        %max3A_852 = arith.maximumf %min3A_829, %max3A_850 : vector<16xf32>
        %min3A_853 = arith.minimumf %min3A_831, %max3A_852 : vector<16xf32>
        %max3A_854 = arith.maximumf %min3A_831, %max3A_852 : vector<16xf32>
        %min3A_855 = arith.minimumf %min3A_833, %max3A_854 : vector<16xf32>
        %max3A_856 = arith.maximumf %min3A_833, %max3A_854 : vector<16xf32>
        %scan3A_857 = arith.constant 7 : i32
        %scan3A_858 = arith.addi %scan3A_696, %scan3A_857 : i32
        %mul3A_859 = arith.constant 16 : i32
        %mul3A_860 = arith.muli %scan3A_858, %mul3A_859 : i32
        %get3A_861 = arith.index_cast %mul3A_860 : i32 to index
        %get3A_862 = tpu.vector_load %arg5[%get3A_861] {strides = array<i32>} : memref<2048xf32, #tpu.memory_space<vmem>>, vector<16xf32>,
        %min3A_863 = arith.minimumf %min3A_841, %get3A_862 : vector<16xf32>
        %max3A_864 = arith.maximumf %min3A_841, %get3A_862 : vector<16xf32>
        %min3A_865 = arith.minimumf %min3A_843, %max3A_864 : vector<16xf32>
        %max3A_866 = arith.maximumf %min3A_843, %max3A_864 : vector<16xf32>
        %min3A_867 = arith.minimumf %min3A_845, %max3A_866 : vector<16xf32>
        %max3A_868 = arith.maximumf %min3A_845, %max3A_866 : vector<16xf32>
        %min3A_869 = arith.minimumf %min3A_847, %max3A_868 : vector<16xf32>
        %max3A_870 = arith.maximumf %min3A_847, %max3A_868 : vector<16xf32>
        %min3A_871 = arith.minimumf %min3A_849, %max3A_870 : vector<16xf32>
        %max3A_872 = arith.maximumf %min3A_849, %max3A_870 : vector<16xf32>
        %min3A_873 = arith.minimumf %min3A_851, %max3A_872 : vector<16xf32>
        %max3A_874 = arith.maximumf %min3A_851, %max3A_872 : vector<16xf32>
        %min3A_875 = arith.minimumf %min3A_853, %max3A_874 : vector<16xf32>
        %max3A_876 = arith.maximumf %min3A_853, %max3A_874 : vector<16xf32>
        %min3A_877 = arith.minimumf %min3A_855, %max3A_876 : vector<16xf32>
        %max3A_878 = arith.maximumf %min3A_855, %max3A_876 : vector<16xf32>
        scf.yield %min3A_863, %min3A_865, %min3A_867, %min3A_869, %min3A_871, %min3A_873, %min3A_875, %min3A_877 : vector<16xf32>, vector<16xf32>, vector<16xf32>, vector<16xf32>, vector<16xf32>, vector<16xf32>, vector<16xf32>, vector<16xf32>
      }
      %scan3A_366 = arith.constant 128 : i32
      %broadcast_in_dim3A_367 = arith.constant 0 : i32
      %broadcast_in_dim3A_368 = vector.broadcast %broadcast_in_dim3A_367 : i32 to vector<16xi32>
      %broadcast_in_dim3A_369 = arith.constant 2147483647 : i32
      %broadcast_in_dim3A_370 = vector.broadcast %broadcast_in_dim3A_369 : i32 to vector<16xi32>
      %sort3A_371 = arith.constant dense<true> : vector<16xi1>
      %sort3A_372, %sort3A_373, %sort3A_374 = tpu.sort %scan3A_365#0, %scan3A_365#0 masked %sort3A_371 : (vector<16xf32>, vector<16xf32>, vector<16xi1>) -> (vector<16xi1>, vector<16xf32>, vector<16xf32>)
      %sort3A_375 = arith.constant dense<true> : vector<16xi1>
      %sort3A_376, %sort3A_377, %sort3A_378 = tpu.sort %scan3A_365#1, %scan3A_365#1 masked %sort3A_375 : (vector<16xf32>, vector<16xf32>, vector<16xi1>) -> (vector<16xi1>, vector<16xf32>, vector<16xf32>)
      %sort3A_379 = arith.constant dense<true> : vector<16xi1>
      %sort3A_380, %sort3A_381, %sort3A_382 = tpu.sort %scan3A_365#2, %scan3A_365#2 masked %sort3A_379 : (vector<16xf32>, vector<16xf32>, vector<16xi1>) -> (vector<16xi1>, vector<16xf32>, vector<16xf32>)
      %sort3A_383 = arith.constant dense<true> : vector<16xi1>
      %sort3A_384, %sort3A_385, %sort3A_386 = tpu.sort %scan3A_365#3, %scan3A_365#3 masked %sort3A_383 : (vector<16xf32>, vector<16xf32>, vector<16xi1>) -> (vector<16xi1>, vector<16xf32>, vector<16xf32>)
      %sort3A_387 = arith.constant dense<true> : vector<16xi1>
      %sort3A_388, %sort3A_389, %sort3A_390 = tpu.sort %scan3A_365#4, %scan3A_365#4 masked %sort3A_387 : (vector<16xf32>, vector<16xf32>, vector<16xi1>) -> (vector<16xi1>, vector<16xf32>, vector<16xf32>)
      %sort3A_391 = arith.constant dense<true> : vector<16xi1>
      %sort3A_392, %sort3A_393, %sort3A_394 = tpu.sort %scan3A_365#5, %scan3A_365#5 masked %sort3A_391 : (vector<16xf32>, vector<16xf32>, vector<16xi1>) -> (vector<16xi1>, vector<16xf32>, vector<16xf32>)
      %sort3A_395 = arith.constant dense<true> : vector<16xi1>
      %sort3A_396, %sort3A_397, %sort3A_398 = tpu.sort %scan3A_365#6, %scan3A_365#6 masked %sort3A_395 : (vector<16xf32>, vector<16xf32>, vector<16xi1>) -> (vector<16xi1>, vector<16xf32>, vector<16xf32>)
      %sort3A_399 = arith.constant dense<true> : vector<16xi1>
      %sort3A_400, %sort3A_401, %sort3A_402 = tpu.sort %scan3A_365#7, %scan3A_365#7 masked %sort3A_399 : (vector<16xf32>, vector<16xf32>, vector<16xi1>) -> (vector<16xi1>, vector<16xf32>, vector<16xf32>)
      %rev3A_403 = arith.constant 15 : i32
      %rev3A_404 = vector.broadcast %rev3A_403 : i32 to vector<16xi32>
      %rev3A_405 = tpu.iota {dimensions = array<i32: 0>} : vector<16xi32>
      %rev3A_406 = arith.subi %rev3A_404, %rev3A_405 : vector<16xi32>
      %rev3A_407 = tpu.dynamic_gather %sort3A_377[%rev3A_406] in [0] : vector<16xf32>, vector<16xi32> -> vector<16xf32>
      %min3A_408 = arith.minimumf %sort3A_373, %rev3A_407 : vector<16xf32>
      %sort3A_409 = arith.constant dense<true> : vector<16xi1>
      %sort3A_410, %sort3A_411, %sort3A_412 = tpu.sort %min3A_408, %min3A_408 masked %sort3A_409 : (vector<16xf32>, vector<16xf32>, vector<16xi1>) -> (vector<16xi1>, vector<16xf32>, vector<16xf32>)
      %max3A_413 = arith.maximumf %sort3A_373, %rev3A_407 : vector<16xf32>
      %sort3A_414 = arith.constant dense<true> : vector<16xi1>
      %sort3A_415, %sort3A_416, %sort3A_417 = tpu.sort %max3A_413, %max3A_413 masked %sort3A_414 : (vector<16xf32>, vector<16xf32>, vector<16xi1>) -> (vector<16xi1>, vector<16xf32>, vector<16xf32>)
      %rev3A_418 = arith.constant 15 : i32
      %rev3A_419 = vector.broadcast %rev3A_418 : i32 to vector<16xi32>
      %rev3A_420 = tpu.iota {dimensions = array<i32: 0>} : vector<16xi32>
      %rev3A_421 = arith.subi %rev3A_419, %rev3A_420 : vector<16xi32>
      %rev3A_422 = tpu.dynamic_gather %sort3A_385[%rev3A_421] in [0] : vector<16xf32>, vector<16xi32> -> vector<16xf32>
      %min3A_423 = arith.minimumf %sort3A_381, %rev3A_422 : vector<16xf32>
      %sort3A_424 = arith.constant dense<true> : vector<16xi1>
      %sort3A_425, %sort3A_426, %sort3A_427 = tpu.sort %min3A_423, %min3A_423 masked %sort3A_424 : (vector<16xf32>, vector<16xf32>, vector<16xi1>) -> (vector<16xi1>, vector<16xf32>, vector<16xf32>)
      %max3A_428 = arith.maximumf %sort3A_381, %rev3A_422 : vector<16xf32>
      %sort3A_429 = arith.constant dense<true> : vector<16xi1>
      %sort3A_430, %sort3A_431, %sort3A_432 = tpu.sort %max3A_428, %max3A_428 masked %sort3A_429 : (vector<16xf32>, vector<16xf32>, vector<16xi1>) -> (vector<16xi1>, vector<16xf32>, vector<16xf32>)
      %rev3A_433 = arith.constant 15 : i32
      %rev3A_434 = vector.broadcast %rev3A_433 : i32 to vector<16xi32>
      %rev3A_435 = tpu.iota {dimensions = array<i32: 0>} : vector<16xi32>
      %rev3A_436 = arith.subi %rev3A_434, %rev3A_435 : vector<16xi32>
      %rev3A_437 = tpu.dynamic_gather %sort3A_393[%rev3A_436] in [0] : vector<16xf32>, vector<16xi32> -> vector<16xf32>
      %min3A_438 = arith.minimumf %sort3A_389, %rev3A_437 : vector<16xf32>
      %sort3A_439 = arith.constant dense<true> : vector<16xi1>
      %sort3A_440, %sort3A_441, %sort3A_442 = tpu.sort %min3A_438, %min3A_438 masked %sort3A_439 : (vector<16xf32>, vector<16xf32>, vector<16xi1>) -> (vector<16xi1>, vector<16xf32>, vector<16xf32>)
      %max3A_443 = arith.maximumf %sort3A_389, %rev3A_437 : vector<16xf32>
      %sort3A_444 = arith.constant dense<true> : vector<16xi1>
      %sort3A_445, %sort3A_446, %sort3A_447 = tpu.sort %max3A_443, %max3A_443 masked %sort3A_444 : (vector<16xf32>, vector<16xf32>, vector<16xi1>) -> (vector<16xi1>, vector<16xf32>, vector<16xf32>)
      %rev3A_448 = arith.constant 15 : i32
      %rev3A_449 = vector.broadcast %rev3A_448 : i32 to vector<16xi32>
      %rev3A_450 = tpu.iota {dimensions = array<i32: 0>} : vector<16xi32>
      %rev3A_451 = arith.subi %rev3A_449, %rev3A_450 : vector<16xi32>
      %rev3A_452 = tpu.dynamic_gather %sort3A_401[%rev3A_451] in [0] : vector<16xf32>, vector<16xi32> -> vector<16xf32>
      %min3A_453 = arith.minimumf %sort3A_397, %rev3A_452 : vector<16xf32>
      %sort3A_454 = arith.constant dense<true> : vector<16xi1>
      %sort3A_455, %sort3A_456, %sort3A_457 = tpu.sort %min3A_453, %min3A_453 masked %sort3A_454 : (vector<16xf32>, vector<16xf32>, vector<16xi1>) -> (vector<16xi1>, vector<16xf32>, vector<16xf32>)
      %max3A_458 = arith.maximumf %sort3A_397, %rev3A_452 : vector<16xf32>
      %sort3A_459 = arith.constant dense<true> : vector<16xi1>
      %sort3A_460, %sort3A_461, %sort3A_462 = tpu.sort %max3A_458, %max3A_458 masked %sort3A_459 : (vector<16xf32>, vector<16xf32>, vector<16xi1>) -> (vector<16xi1>, vector<16xf32>, vector<16xf32>)
      %rev3A_463 = arith.constant 15 : i32
      %rev3A_464 = vector.broadcast %rev3A_463 : i32 to vector<16xi32>
      %rev3A_465 = tpu.iota {dimensions = array<i32: 0>} : vector<16xi32>
      %rev3A_466 = arith.subi %rev3A_464, %rev3A_465 : vector<16xi32>
      %rev3A_467 = tpu.dynamic_gather %sort3A_431[%rev3A_466] in [0] : vector<16xf32>, vector<16xi32> -> vector<16xf32>
      %min3A_468 = arith.minimumf %sort3A_416, %rev3A_467 : vector<16xf32>
      %sort3A_469 = arith.constant dense<true> : vector<16xi1>
      %sort3A_470, %sort3A_471, %sort3A_472 = tpu.sort %min3A_468, %min3A_468 masked %sort3A_469 : (vector<16xf32>, vector<16xf32>, vector<16xi1>) -> (vector<16xi1>, vector<16xf32>, vector<16xf32>)
      %rev3A_473 = arith.constant 15 : i32
      %rev3A_474 = vector.broadcast %rev3A_473 : i32 to vector<16xi32>
      %rev3A_475 = tpu.iota {dimensions = array<i32: 0>} : vector<16xi32>
      %rev3A_476 = arith.subi %rev3A_474, %rev3A_475 : vector<16xi32>
      %rev3A_477 = tpu.dynamic_gather %sort3A_426[%rev3A_476] in [0] : vector<16xf32>, vector<16xi32> -> vector<16xf32>
      %min3A_478 = arith.minimumf %sort3A_411, %rev3A_477 : vector<16xf32>
      %sort3A_479 = arith.constant dense<true> : vector<16xi1>
      %sort3A_480, %sort3A_481, %sort3A_482 = tpu.sort %min3A_478, %min3A_478 masked %sort3A_479 : (vector<16xf32>, vector<16xf32>, vector<16xi1>) -> (vector<16xi1>, vector<16xf32>, vector<16xf32>)
      %max3A_483 = arith.maximumf %sort3A_411, %rev3A_477 : vector<16xf32>
      %sort3A_484 = arith.constant dense<true> : vector<16xi1>
      %sort3A_485, %sort3A_486, %sort3A_487 = tpu.sort %max3A_483, %max3A_483 masked %sort3A_484 : (vector<16xf32>, vector<16xf32>, vector<16xi1>) -> (vector<16xi1>, vector<16xf32>, vector<16xf32>)
      %rev3A_488 = arith.constant 15 : i32
      %rev3A_489 = vector.broadcast %rev3A_488 : i32 to vector<16xi32>
      %rev3A_490 = tpu.iota {dimensions = array<i32: 0>} : vector<16xi32>
      %rev3A_491 = arith.subi %rev3A_489, %rev3A_490 : vector<16xi32>
      %rev3A_492 = tpu.dynamic_gather %sort3A_471[%rev3A_491] in [0] : vector<16xf32>, vector<16xi32> -> vector<16xf32>
      %min3A_493 = arith.minimumf %sort3A_486, %rev3A_492 : vector<16xf32>
      %sort3A_494 = arith.constant dense<true> : vector<16xi1>
      %sort3A_495, %sort3A_496, %sort3A_497 = tpu.sort %min3A_493, %min3A_493 masked %sort3A_494 : (vector<16xf32>, vector<16xf32>, vector<16xi1>) -> (vector<16xi1>, vector<16xf32>, vector<16xf32>)
      %max3A_498 = arith.maximumf %sort3A_486, %rev3A_492 : vector<16xf32>
      %sort3A_499 = arith.constant dense<true> : vector<16xi1>
      %sort3A_500, %sort3A_501, %sort3A_502 = tpu.sort %max3A_498, %max3A_498 masked %sort3A_499 : (vector<16xf32>, vector<16xf32>, vector<16xi1>) -> (vector<16xi1>, vector<16xf32>, vector<16xf32>)
      %rev3A_503 = arith.constant 15 : i32
      %rev3A_504 = vector.broadcast %rev3A_503 : i32 to vector<16xi32>
      %rev3A_505 = tpu.iota {dimensions = array<i32: 0>} : vector<16xi32>
      %rev3A_506 = arith.subi %rev3A_504, %rev3A_505 : vector<16xi32>
      %rev3A_507 = tpu.dynamic_gather %sort3A_496[%rev3A_506] in [0] : vector<16xf32>, vector<16xi32> -> vector<16xf32>
      %min3A_508 = arith.minimumf %sort3A_481, %rev3A_507 : vector<16xf32>
      %sort3A_509 = arith.constant dense<true> : vector<16xi1>
      %sort3A_510, %sort3A_511, %sort3A_512 = tpu.sort %min3A_508, %min3A_508 masked %sort3A_509 : (vector<16xf32>, vector<16xf32>, vector<16xi1>) -> (vector<16xi1>, vector<16xf32>, vector<16xf32>)
      %max3A_513 = arith.maximumf %sort3A_481, %rev3A_507 : vector<16xf32>
      %sort3A_514 = arith.constant dense<true> : vector<16xi1>
      %sort3A_515, %sort3A_516, %sort3A_517 = tpu.sort %max3A_513, %max3A_513 masked %sort3A_514 : (vector<16xf32>, vector<16xf32>, vector<16xi1>) -> (vector<16xi1>, vector<16xf32>, vector<16xf32>)
      %rev3A_518 = arith.constant 15 : i32
      %rev3A_519 = vector.broadcast %rev3A_518 : i32 to vector<16xi32>
      %rev3A_520 = tpu.iota {dimensions = array<i32: 0>} : vector<16xi32>
      %rev3A_521 = arith.subi %rev3A_519, %rev3A_520 : vector<16xi32>
      %rev3A_522 = tpu.dynamic_gather %sort3A_461[%rev3A_521] in [0] : vector<16xf32>, vector<16xi32> -> vector<16xf32>
      %min3A_523 = arith.minimumf %sort3A_446, %rev3A_522 : vector<16xf32>
      %sort3A_524 = arith.constant dense<true> : vector<16xi1>
      %sort3A_525, %sort3A_526, %sort3A_527 = tpu.sort %min3A_523, %min3A_523 masked %sort3A_524 : (vector<16xf32>, vector<16xf32>, vector<16xi1>) -> (vector<16xi1>, vector<16xf32>, vector<16xf32>)
      %rev3A_528 = arith.constant 15 : i32
      %rev3A_529 = vector.broadcast %rev3A_528 : i32 to vector<16xi32>
      %rev3A_530 = tpu.iota {dimensions = array<i32: 0>} : vector<16xi32>
      %rev3A_531 = arith.subi %rev3A_529, %rev3A_530 : vector<16xi32>
      %rev3A_532 = tpu.dynamic_gather %sort3A_456[%rev3A_531] in [0] : vector<16xf32>, vector<16xi32> -> vector<16xf32>
      %min3A_533 = arith.minimumf %sort3A_441, %rev3A_532 : vector<16xf32>
      %sort3A_534 = arith.constant dense<true> : vector<16xi1>
      %sort3A_535, %sort3A_536, %sort3A_537 = tpu.sort %min3A_533, %min3A_533 masked %sort3A_534 : (vector<16xf32>, vector<16xf32>, vector<16xi1>) -> (vector<16xi1>, vector<16xf32>, vector<16xf32>)
      %max3A_538 = arith.maximumf %sort3A_441, %rev3A_532 : vector<16xf32>
      %sort3A_539 = arith.constant dense<true> : vector<16xi1>
      %sort3A_540, %sort3A_541, %sort3A_542 = tpu.sort %max3A_538, %max3A_538 masked %sort3A_539 : (vector<16xf32>, vector<16xf32>, vector<16xi1>) -> (vector<16xi1>, vector<16xf32>, vector<16xf32>)
      %rev3A_543 = arith.constant 15 : i32
      %rev3A_544 = vector.broadcast %rev3A_543 : i32 to vector<16xi32>
      %rev3A_545 = tpu.iota {dimensions = array<i32: 0>} : vector<16xi32>
      %rev3A_546 = arith.subi %rev3A_544, %rev3A_545 : vector<16xi32>
      %rev3A_547 = tpu.dynamic_gather %sort3A_526[%rev3A_546] in [0] : vector<16xf32>, vector<16xi32> -> vector<16xf32>
      %min3A_548 = arith.minimumf %sort3A_541, %rev3A_547 : vector<16xf32>
      %sort3A_549 = arith.constant dense<true> : vector<16xi1>
      %sort3A_550, %sort3A_551, %sort3A_552 = tpu.sort %min3A_548, %min3A_548 masked %sort3A_549 : (vector<16xf32>, vector<16xf32>, vector<16xi1>) -> (vector<16xi1>, vector<16xf32>, vector<16xf32>)
      %max3A_553 = arith.maximumf %sort3A_541, %rev3A_547 : vector<16xf32>
      %sort3A_554 = arith.constant dense<true> : vector<16xi1>
      %sort3A_555, %sort3A_556, %sort3A_557 = tpu.sort %max3A_553, %max3A_553 masked %sort3A_554 : (vector<16xf32>, vector<16xf32>, vector<16xi1>) -> (vector<16xi1>, vector<16xf32>, vector<16xf32>)
      %rev3A_558 = arith.constant 15 : i32
      %rev3A_559 = vector.broadcast %rev3A_558 : i32 to vector<16xi32>
      %rev3A_560 = tpu.iota {dimensions = array<i32: 0>} : vector<16xi32>
      %rev3A_561 = arith.subi %rev3A_559, %rev3A_560 : vector<16xi32>
      %rev3A_562 = tpu.dynamic_gather %sort3A_551[%rev3A_561] in [0] : vector<16xf32>, vector<16xi32> -> vector<16xf32>
      %min3A_563 = arith.minimumf %sort3A_536, %rev3A_562 : vector<16xf32>
      %sort3A_564 = arith.constant dense<true> : vector<16xi1>
      %sort3A_565, %sort3A_566, %sort3A_567 = tpu.sort %min3A_563, %min3A_563 masked %sort3A_564 : (vector<16xf32>, vector<16xf32>, vector<16xi1>) -> (vector<16xi1>, vector<16xf32>, vector<16xf32>)
      %max3A_568 = arith.maximumf %sort3A_536, %rev3A_562 : vector<16xf32>
      %sort3A_569 = arith.constant dense<true> : vector<16xi1>
      %sort3A_570, %sort3A_571, %sort3A_572 = tpu.sort %max3A_568, %max3A_568 masked %sort3A_569 : (vector<16xf32>, vector<16xf32>, vector<16xi1>) -> (vector<16xi1>, vector<16xf32>, vector<16xf32>)
      %rev3A_573 = arith.constant 15 : i32
      %rev3A_574 = vector.broadcast %rev3A_573 : i32 to vector<16xi32>
      %rev3A_575 = tpu.iota {dimensions = array<i32: 0>} : vector<16xi32>
      %rev3A_576 = arith.subi %rev3A_574, %rev3A_575 : vector<16xi32>
      %rev3A_577 = tpu.dynamic_gather %sort3A_556[%rev3A_576] in [0] : vector<16xf32>, vector<16xi32> -> vector<16xf32>
      %min3A_578 = arith.minimumf %sort3A_501, %rev3A_577 : vector<16xf32>
      %sort3A_579 = arith.constant dense<true> : vector<16xi1>
      %sort3A_580, %sort3A_581, %sort3A_582 = tpu.sort %min3A_578, %min3A_578 masked %sort3A_579 : (vector<16xf32>, vector<16xf32>, vector<16xi1>) -> (vector<16xi1>, vector<16xf32>, vector<16xf32>)
      %rev3A_583 = arith.constant 15 : i32
      %rev3A_584 = vector.broadcast %rev3A_583 : i32 to vector<16xi32>
      %rev3A_585 = tpu.iota {dimensions = array<i32: 0>} : vector<16xi32>
      %rev3A_586 = arith.subi %rev3A_584, %rev3A_585 : vector<16xi32>
      %rev3A_587 = tpu.dynamic_gather %sort3A_571[%rev3A_586] in [0] : vector<16xf32>, vector<16xi32> -> vector<16xf32>
      %min3A_588 = arith.minimumf %sort3A_516, %rev3A_587 : vector<16xf32>
      %sort3A_589 = arith.constant dense<true> : vector<16xi1>
      %sort3A_590, %sort3A_591, %sort3A_592 = tpu.sort %min3A_588, %min3A_588 masked %sort3A_589 : (vector<16xf32>, vector<16xf32>, vector<16xi1>) -> (vector<16xi1>, vector<16xf32>, vector<16xf32>)
      %rev3A_593 = arith.constant 15 : i32
      %rev3A_594 = vector.broadcast %rev3A_593 : i32 to vector<16xi32>
      %rev3A_595 = tpu.iota {dimensions = array<i32: 0>} : vector<16xi32>
      %rev3A_596 = arith.subi %rev3A_594, %rev3A_595 : vector<16xi32>
      %rev3A_597 = tpu.dynamic_gather %sort3A_581[%rev3A_596] in [0] : vector<16xf32>, vector<16xi32> -> vector<16xf32>
      %min3A_598 = arith.minimumf %sort3A_591, %rev3A_597 : vector<16xf32>
      %sort3A_599 = arith.constant dense<true> : vector<16xi1>
      %sort3A_600, %sort3A_601, %sort3A_602 = tpu.sort %min3A_598, %min3A_598 masked %sort3A_599 : (vector<16xf32>, vector<16xf32>, vector<16xi1>) -> (vector<16xi1>, vector<16xf32>, vector<16xf32>)
      %rev3A_603 = arith.constant 15 : i32
      %rev3A_604 = vector.broadcast %rev3A_603 : i32 to vector<16xi32>
      %rev3A_605 = tpu.iota {dimensions = array<i32: 0>} : vector<16xi32>
      %rev3A_606 = arith.subi %rev3A_604, %rev3A_605 : vector<16xi32>
      %rev3A_607 = tpu.dynamic_gather %sort3A_566[%rev3A_606] in [0] : vector<16xf32>, vector<16xi32> -> vector<16xf32>
      %min3A_608 = arith.minimumf %sort3A_511, %rev3A_607 : vector<16xf32>
      %sort3A_609 = arith.constant dense<true> : vector<16xi1>
      %sort3A_610, %sort3A_611, %sort3A_612 = tpu.sort %min3A_608, %min3A_608 masked %sort3A_609 : (vector<16xf32>, vector<16xf32>, vector<16xi1>) -> (vector<16xi1>, vector<16xf32>, vector<16xf32>)
      %max3A_613 = arith.maximumf %sort3A_511, %rev3A_607 : vector<16xf32>
      %sort3A_614 = arith.constant dense<true> : vector<16xi1>
      %sort3A_615, %sort3A_616, %sort3A_617 = tpu.sort %max3A_613, %max3A_613 masked %sort3A_614 : (vector<16xf32>, vector<16xf32>, vector<16xi1>) -> (vector<16xi1>, vector<16xf32>, vector<16xf32>)
      %rev3A_618 = arith.constant 15 : i32
      %rev3A_619 = vector.broadcast %rev3A_618 : i32 to vector<16xi32>
      %rev3A_620 = tpu.iota {dimensions = array<i32: 0>} : vector<16xi32>
      %rev3A_621 = arith.subi %rev3A_619, %rev3A_620 : vector<16xi32>
      %rev3A_622 = tpu.dynamic_gather %sort3A_601[%rev3A_621] in [0] : vector<16xf32>, vector<16xi32> -> vector<16xf32>
      %min3A_623 = arith.minimumf %sort3A_616, %rev3A_622 : vector<16xf32>
      %sort3A_624 = arith.constant dense<true> : vector<16xi1>
      %sort3A_625, %sort3A_626, %sort3A_627 = tpu.sort %min3A_623, %min3A_623 masked %sort3A_624 : (vector<16xf32>, vector<16xf32>, vector<16xi1>) -> (vector<16xi1>, vector<16xf32>, vector<16xf32>)
      %max3A_628 = arith.maximumf %sort3A_616, %rev3A_622 : vector<16xf32>
      %sort3A_629 = arith.constant dense<true> : vector<16xi1>
      %sort3A_630, %sort3A_631, %sort3A_632 = tpu.sort %max3A_628, %max3A_628 masked %sort3A_629 : (vector<16xf32>, vector<16xf32>, vector<16xi1>) -> (vector<16xi1>, vector<16xf32>, vector<16xf32>)
      %rev3A_633 = arith.constant 15 : i32
      %rev3A_634 = vector.broadcast %rev3A_633 : i32 to vector<16xi32>
      %rev3A_635 = tpu.iota {dimensions = array<i32: 0>} : vector<16xi32>
      %rev3A_636 = arith.subi %rev3A_634, %rev3A_635 : vector<16xi32>
      %rev3A_637 = tpu.dynamic_gather %sort3A_626[%rev3A_636] in [0] : vector<16xf32>, vector<16xi32> -> vector<16xf32>
      %min3A_638 = arith.minimumf %sort3A_611, %rev3A_637 : vector<16xf32>
      %sort3A_639 = arith.constant dense<true> : vector<16xi1>
      %sort3A_640, %sort3A_641, %sort3A_642 = tpu.sort %min3A_638, %min3A_638 masked %sort3A_639 : (vector<16xf32>, vector<16xf32>, vector<16xi1>) -> (vector<16xi1>, vector<16xf32>, vector<16xf32>)
      %max3A_643 = arith.maximumf %sort3A_611, %rev3A_637 : vector<16xf32>
      %sort3A_644 = arith.constant dense<true> : vector<16xi1>
      %sort3A_645, %sort3A_646, %sort3A_647 = tpu.sort %max3A_643, %max3A_643 masked %sort3A_644 : (vector<16xf32>, vector<16xf32>, vector<16xi1>) -> (vector<16xi1>, vector<16xf32>, vector<16xf32>)
      %reduce_min3A_648 = arith.constant true
      %reduce_min3A_649 = vector.broadcast %reduce_min3A_648 : i1 to vector<16xi1>
      %reduce_min3A_650 = tpu.scan <min>, %sort3A_631 masked %reduce_min3A_649 : vector<16xf32>, vector<16xi1> -> vector<16xf32>
      %reduce_min3A_651 = vector.extract %reduce_min3A_650[15] : f32 from vector<16xf32>
      %le3A_652 = vector.broadcast %reduce_min3A_651 : f32 to vector<16xf32>
      %le3A_653 = arith.cmpf ole, %scan3A_365#7, %le3A_652 : vector<16xf32>
      %all_reduce_population_count3A_654 = tpu.all_reduce %le3A_653 {dim = 0 : i64, kind = #tpu.reduction_kind<sum>} : vector<16xi1> -> vector<16xi32>
      %reduce_max3A_655 = arith.constant true
      %reduce_max3A_656 = vector.broadcast %reduce_max3A_655 : i1 to vector<16xi1>
      %reduce_max3A_657 = arith.constant -2147483648 : i32
      %reduce_max3A_658 = vector.broadcast %reduce_max3A_657 : i32 to vector<16xi32>
      %reduce_max3A_659 = arith.xori %all_reduce_population_count3A_654, %reduce_max3A_658 : vector<16xi32>
      %reduce_max3A_660 = tpu.scan <max>, %reduce_max3A_659 masked %reduce_max3A_656 : vector<16xi32>, vector<16xi1> -> vector<16xi32>
      %reduce_max3A_661 = arith.xori %reduce_max3A_660, %reduce_max3A_658 : vector<16xi32>
      %reduce_max3A_662 = vector.extract %reduce_max3A_661[15] : i32 from vector<16xi32>
      %eq3A_663 = arith.constant 0 : i32
      %eq3A_664 = arith.cmpi eq, %reduce_max3A_662, %eq3A_663 : i32
      %convert_element_type3A_665 = arith.extui %eq3A_664 : i1 to i32
      %cond3A_666 = arith.constant 0 : i32
      %cond3A_667 = arith.constant 0 : i32
      %cond3A_668 = arith.cmpi ne, %convert_element_type3A_665, %cond3A_667 : i32
      %cond3A_669 = scf.if %cond3A_668 -> (f32) {
        scf.yield %reduce_min3A_651 : f32
      } else {
        %scan3A_696 = arith.constant 0 : i32
        %scan3A_697 = arith.constant 128 : i32
        %scan3A_698 = arith.addi %scan3A_696, %scan3A_697 : i32
        %scan3A_699 = arith.constant 8 : i32
        %scan3A_700 = scf.for %scan3A_717 = %scan3A_696 to %scan3A_698 step %scan3A_699 iter_args(%scan3A_718 = %broadcast_in_dim3A_368) -> (vector<16xi32>)  : i32 {
          %mul3A_719 = arith.constant 16 : i32
          %mul3A_720 = arith.muli %scan3A_717, %mul3A_719 : i32
          %get3A_721 = arith.index_cast %mul3A_720 : i32 to index
          %get3A_722 = tpu.vector_load %arg5[%get3A_721] {strides = array<i32>} : memref<2048xf32, #tpu.memory_space<vmem>>, vector<16xf32>,
          %le3A_723 = vector.broadcast %reduce_min3A_651 : f32 to vector<16xf32>
          %le3A_724 = arith.cmpf ole, %get3A_722, %le3A_723 : vector<16xf32>
          %all_reduce_population_count3A_725 = tpu.all_reduce %le3A_724 {dim = 0 : i64, kind = #tpu.reduction_kind<sum>} : vector<16xi1> -> vector<16xi32>
          %add3A_726 = arith.addi %scan3A_718, %all_reduce_population_count3A_725 : vector<16xi32>
          %scan3A_727 = arith.constant 1 : i32
          %scan3A_728 = arith.addi %scan3A_717, %scan3A_727 : i32
          %mul3A_729 = arith.constant 16 : i32
          %mul3A_730 = arith.muli %scan3A_728, %mul3A_729 : i32
          %get3A_731 = arith.index_cast %mul3A_730 : i32 to index
          %get3A_732 = tpu.vector_load %arg5[%get3A_731] {strides = array<i32>} : memref<2048xf32, #tpu.memory_space<vmem>>, vector<16xf32>,
          %le3A_733 = vector.broadcast %reduce_min3A_651 : f32 to vector<16xf32>
          %le3A_734 = arith.cmpf ole, %get3A_732, %le3A_733 : vector<16xf32>
          %all_reduce_population_count3A_735 = tpu.all_reduce %le3A_734 {dim = 0 : i64, kind = #tpu.reduction_kind<sum>} : vector<16xi1> -> vector<16xi32>
          %add3A_736 = arith.addi %add3A_726, %all_reduce_population_count3A_735 : vector<16xi32>
          %scan3A_737 = arith.constant 2 : i32
          %scan3A_738 = arith.addi %scan3A_717, %scan3A_737 : i32
          %mul3A_739 = arith.constant 16 : i32
          %mul3A_740 = arith.muli %scan3A_738, %mul3A_739 : i32
          %get3A_741 = arith.index_cast %mul3A_740 : i32 to index
          %get3A_742 = tpu.vector_load %arg5[%get3A_741] {strides = array<i32>} : memref<2048xf32, #tpu.memory_space<vmem>>, vector<16xf32>,
          %le3A_743 = vector.broadcast %reduce_min3A_651 : f32 to vector<16xf32>
          %le3A_744 = arith.cmpf ole, %get3A_742, %le3A_743 : vector<16xf32>
          %all_reduce_population_count3A_745 = tpu.all_reduce %le3A_744 {dim = 0 : i64, kind = #tpu.reduction_kind<sum>} : vector<16xi1> -> vector<16xi32>
          %add3A_746 = arith.addi %add3A_736, %all_reduce_population_count3A_745 : vector<16xi32>
          %scan3A_747 = arith.constant 3 : i32
          %scan3A_748 = arith.addi %scan3A_717, %scan3A_747 : i32
          %mul3A_749 = arith.constant 16 : i32
          %mul3A_750 = arith.muli %scan3A_748, %mul3A_749 : i32
          %get3A_751 = arith.index_cast %mul3A_750 : i32 to index
          %get3A_752 = tpu.vector_load %arg5[%get3A_751] {strides = array<i32>} : memref<2048xf32, #tpu.memory_space<vmem>>, vector<16xf32>,
          %le3A_753 = vector.broadcast %reduce_min3A_651 : f32 to vector<16xf32>
          %le3A_754 = arith.cmpf ole, %get3A_752, %le3A_753 : vector<16xf32>
          %all_reduce_population_count3A_755 = tpu.all_reduce %le3A_754 {dim = 0 : i64, kind = #tpu.reduction_kind<sum>} : vector<16xi1> -> vector<16xi32>
          %add3A_756 = arith.addi %add3A_746, %all_reduce_population_count3A_755 : vector<16xi32>
          %scan3A_757 = arith.constant 4 : i32
          %scan3A_758 = arith.addi %scan3A_717, %scan3A_757 : i32
          %mul3A_759 = arith.constant 16 : i32
          %mul3A_760 = arith.muli %scan3A_758, %mul3A_759 : i32
          %get3A_761 = arith.index_cast %mul3A_760 : i32 to index
          %get3A_762 = tpu.vector_load %arg5[%get3A_761] {strides = array<i32>} : memref<2048xf32, #tpu.memory_space<vmem>>, vector<16xf32>,
          %le3A_763 = vector.broadcast %reduce_min3A_651 : f32 to vector<16xf32>
          %le3A_764 = arith.cmpf ole, %get3A_762, %le3A_763 : vector<16xf32>
          %all_reduce_population_count3A_765 = tpu.all_reduce %le3A_764 {dim = 0 : i64, kind = #tpu.reduction_kind<sum>} : vector<16xi1> -> vector<16xi32>
          %add3A_766 = arith.addi %add3A_756, %all_reduce_population_count3A_765 : vector<16xi32>
          %scan3A_767 = arith.constant 5 : i32
          %scan3A_768 = arith.addi %scan3A_717, %scan3A_767 : i32
          %mul3A_769 = arith.constant 16 : i32
          %mul3A_770 = arith.muli %scan3A_768, %mul3A_769 : i32
          %get3A_771 = arith.index_cast %mul3A_770 : i32 to index
          %get3A_772 = tpu.vector_load %arg5[%get3A_771] {strides = array<i32>} : memref<2048xf32, #tpu.memory_space<vmem>>, vector<16xf32>,
          %le3A_773 = vector.broadcast %reduce_min3A_651 : f32 to vector<16xf32>
          %le3A_774 = arith.cmpf ole, %get3A_772, %le3A_773 : vector<16xf32>
          %all_reduce_population_count3A_775 = tpu.all_reduce %le3A_774 {dim = 0 : i64, kind = #tpu.reduction_kind<sum>} : vector<16xi1> -> vector<16xi32>
          %add3A_776 = arith.addi %add3A_766, %all_reduce_population_count3A_775 : vector<16xi32>
          %scan3A_777 = arith.constant 6 : i32
          %scan3A_778 = arith.addi %scan3A_717, %scan3A_777 : i32
          %mul3A_779 = arith.constant 16 : i32
          %mul3A_780 = arith.muli %scan3A_778, %mul3A_779 : i32
          %get3A_781 = arith.index_cast %mul3A_780 : i32 to index
          %get3A_782 = tpu.vector_load %arg5[%get3A_781] {strides = array<i32>} : memref<2048xf32, #tpu.memory_space<vmem>>, vector<16xf32>,
          %le3A_783 = vector.broadcast %reduce_min3A_651 : f32 to vector<16xf32>
          %le3A_784 = arith.cmpf ole, %get3A_782, %le3A_783 : vector<16xf32>
          %all_reduce_population_count3A_785 = tpu.all_reduce %le3A_784 {dim = 0 : i64, kind = #tpu.reduction_kind<sum>} : vector<16xi1> -> vector<16xi32>
          %add3A_786 = arith.addi %add3A_776, %all_reduce_population_count3A_785 : vector<16xi32>
          %scan3A_787 = arith.constant 7 : i32
          %scan3A_788 = arith.addi %scan3A_717, %scan3A_787 : i32
          %mul3A_789 = arith.constant 16 : i32
          %mul3A_790 = arith.muli %scan3A_788, %mul3A_789 : i32
          %get3A_791 = arith.index_cast %mul3A_790 : i32 to index
          %get3A_792 = tpu.vector_load %arg5[%get3A_791] {strides = array<i32>} : memref<2048xf32, #tpu.memory_space<vmem>>, vector<16xf32>,
          %le3A_793 = vector.broadcast %reduce_min3A_651 : f32 to vector<16xf32>
          %le3A_794 = arith.cmpf ole, %get3A_792, %le3A_793 : vector<16xf32>
          %all_reduce_population_count3A_795 = tpu.all_reduce %le3A_794 {dim = 0 : i64, kind = #tpu.reduction_kind<sum>} : vector<16xi1> -> vector<16xi32>
          %add3A_796 = arith.addi %add3A_786, %all_reduce_population_count3A_795 : vector<16xi32>
          scf.yield %add3A_796 : vector<16xi32>
        }
        %scan3A_701 = arith.constant 128 : i32
        %reduce_max3A_702 = arith.constant true
        %reduce_max3A_703 = vector.broadcast %reduce_max3A_702 : i1 to vector<16xi1>
        %reduce_max3A_704 = arith.constant -2147483648 : i32
        %reduce_max3A_705 = vector.broadcast %reduce_max3A_704 : i32 to vector<16xi32>
        %reduce_max3A_706 = arith.xori %scan3A_700, %reduce_max3A_705 : vector<16xi32>
        %reduce_max3A_707 = tpu.scan <max>, %reduce_max3A_706 masked %reduce_max3A_703 : vector<16xi32>, vector<16xi1> -> vector<16xi32>
        %reduce_max3A_708 = arith.xori %reduce_max3A_707, %reduce_max3A_705 : vector<16xi32>
        %reduce_max3A_709 = vector.extract %reduce_max3A_708[15] : i32 from vector<16xi32>
        %eq3A_710 = arith.constant 33 : i32
        %eq3A_711 = arith.cmpi eq, %reduce_max3A_709, %eq3A_710 : i32
        %convert_element_type3A_712 = arith.extui %eq3A_711 : i1 to i32
        %cond3A_713 = arith.constant 0 : i32
        %cond3A_714 = arith.constant 0 : i32
        %cond3A_715 = arith.cmpi ne, %convert_element_type3A_712, %cond3A_714 : i32
        %cond3A_716 = scf.if %cond3A_715 -> (f32) {
          scf.yield %reduce_min3A_651 : f32
        } else {
          %scan3A_717 = arith.constant 0 : i32
          %scan3A_718 = arith.constant 31 : i32
          %scan3A_719 = arith.addi %scan3A_717, %scan3A_718 : i32
          %scan3A_720 = arith.constant 1 : i32
          %scan3A_721:2 = scf.for %scan3A_727 = %scan3A_717 to %scan3A_719 step %scan3A_720 iter_args(%scan3A_728 = %broadcast_in_dim3A_368, %scan3A_729 = %broadcast_in_dim3A_370) -> (vector<16xi32>, vector<16xi32>)  : i32 {
            %sub3A_730 = arith.subi %scan3A_729, %scan3A_728 : vector<16xi32>
            %shift_right_logical3A = arith.constant 1 : i32
            %shift_right_logical3A_731 = vector.broadcast %shift_right_logical3A : i32 to vector<16xi32>
            %shift_right_logical3A_732 = arith.shrui %sub3A_730, %shift_right_logical3A_731 : vector<16xi32>
            %add3A_733 = arith.addi %scan3A_728, %shift_right_logical3A_732 : vector<16xi32>
            %scan3A_734 = arith.constant 0 : i32
            %scan3A_735 = arith.constant 128 : i32
            %scan3A_736 = arith.addi %scan3A_734, %scan3A_735 : i32
            %scan3A_737 = arith.constant 8 : i32
            %scan3A_738 = scf.for %scan3A_747 = %scan3A_734 to %scan3A_736 step %scan3A_737 iter_args(%scan3A_748 = %broadcast_in_dim3A_368) -> (vector<16xi32>)  : i32 {
              %mul3A_749 = arith.constant 16 : i32
              %mul3A_750 = arith.muli %scan3A_747, %mul3A_749 : i32
              %get3A_751 = arith.index_cast %mul3A_750 : i32 to index
              %get3A_752 = tpu.vector_load %arg5[%get3A_751] {strides = array<i32>} : memref<2048xf32, #tpu.memory_space<vmem>>, vector<16xf32>,
              %bitcast_convert_type3A_753 = tpu.bitcast %get3A_752 : vector<16xf32> -> vector<16xi32>
              %le3A_754 = arith.cmpi sle, %bitcast_convert_type3A_753, %add3A_733 : vector<16xi32>
              %all_reduce_population_count3A_755 = tpu.all_reduce %le3A_754 {dim = 0 : i64, kind = #tpu.reduction_kind<sum>} : vector<16xi1> -> vector<16xi32>
              %add3A_756 = arith.addi %scan3A_748, %all_reduce_population_count3A_755 : vector<16xi32>
              %scan3A_757 = arith.constant 1 : i32
              %scan3A_758 = arith.addi %scan3A_747, %scan3A_757 : i32
              %mul3A_759 = arith.constant 16 : i32
              %mul3A_760 = arith.muli %scan3A_758, %mul3A_759 : i32
              %get3A_761 = arith.index_cast %mul3A_760 : i32 to index
              %get3A_762 = tpu.vector_load %arg5[%get3A_761] {strides = array<i32>} : memref<2048xf32, #tpu.memory_space<vmem>>, vector<16xf32>,
              %bitcast_convert_type3A_763 = tpu.bitcast %get3A_762 : vector<16xf32> -> vector<16xi32>
              %le3A_764 = arith.cmpi sle, %bitcast_convert_type3A_763, %add3A_733 : vector<16xi32>
              %all_reduce_population_count3A_765 = tpu.all_reduce %le3A_764 {dim = 0 : i64, kind = #tpu.reduction_kind<sum>} : vector<16xi1> -> vector<16xi32>
              %add3A_766 = arith.addi %add3A_756, %all_reduce_population_count3A_765 : vector<16xi32>
              %scan3A_767 = arith.constant 2 : i32
              %scan3A_768 = arith.addi %scan3A_747, %scan3A_767 : i32
              %mul3A_769 = arith.constant 16 : i32
              %mul3A_770 = arith.muli %scan3A_768, %mul3A_769 : i32
              %get3A_771 = arith.index_cast %mul3A_770 : i32 to index
              %get3A_772 = tpu.vector_load %arg5[%get3A_771] {strides = array<i32>} : memref<2048xf32, #tpu.memory_space<vmem>>, vector<16xf32>,
              %bitcast_convert_type3A_773 = tpu.bitcast %get3A_772 : vector<16xf32> -> vector<16xi32>
              %le3A_774 = arith.cmpi sle, %bitcast_convert_type3A_773, %add3A_733 : vector<16xi32>
              %all_reduce_population_count3A_775 = tpu.all_reduce %le3A_774 {dim = 0 : i64, kind = #tpu.reduction_kind<sum>} : vector<16xi1> -> vector<16xi32>
              %add3A_776 = arith.addi %add3A_766, %all_reduce_population_count3A_775 : vector<16xi32>
              %scan3A_777 = arith.constant 3 : i32
              %scan3A_778 = arith.addi %scan3A_747, %scan3A_777 : i32
              %mul3A_779 = arith.constant 16 : i32
              %mul3A_780 = arith.muli %scan3A_778, %mul3A_779 : i32
              %get3A_781 = arith.index_cast %mul3A_780 : i32 to index
              %get3A_782 = tpu.vector_load %arg5[%get3A_781] {strides = array<i32>} : memref<2048xf32, #tpu.memory_space<vmem>>, vector<16xf32>,
              %bitcast_convert_type3A_783 = tpu.bitcast %get3A_782 : vector<16xf32> -> vector<16xi32>
              %le3A_784 = arith.cmpi sle, %bitcast_convert_type3A_783, %add3A_733 : vector<16xi32>
              %all_reduce_population_count3A_785 = tpu.all_reduce %le3A_784 {dim = 0 : i64, kind = #tpu.reduction_kind<sum>} : vector<16xi1> -> vector<16xi32>
              %add3A_786 = arith.addi %add3A_776, %all_reduce_population_count3A_785 : vector<16xi32>
              %scan3A_787 = arith.constant 4 : i32
              %scan3A_788 = arith.addi %scan3A_747, %scan3A_787 : i32
              %mul3A_789 = arith.constant 16 : i32
              %mul3A_790 = arith.muli %scan3A_788, %mul3A_789 : i32
              %get3A_791 = arith.index_cast %mul3A_790 : i32 to index
              %get3A_792 = tpu.vector_load %arg5[%get3A_791] {strides = array<i32>} : memref<2048xf32, #tpu.memory_space<vmem>>, vector<16xf32>,
              %bitcast_convert_type3A_793 = tpu.bitcast %get3A_792 : vector<16xf32> -> vector<16xi32>
              %le3A_794 = arith.cmpi sle, %bitcast_convert_type3A_793, %add3A_733 : vector<16xi32>
              %all_reduce_population_count3A_795 = tpu.all_reduce %le3A_794 {dim = 0 : i64, kind = #tpu.reduction_kind<sum>} : vector<16xi1> -> vector<16xi32>
              %add3A_796 = arith.addi %add3A_786, %all_reduce_population_count3A_795 : vector<16xi32>
              %scan3A_797 = arith.constant 5 : i32
              %scan3A_798 = arith.addi %scan3A_747, %scan3A_797 : i32
              %mul3A_799 = arith.constant 16 : i32
              %mul3A_800 = arith.muli %scan3A_798, %mul3A_799 : i32
              %get3A_801 = arith.index_cast %mul3A_800 : i32 to index
              %get3A_802 = tpu.vector_load %arg5[%get3A_801] {strides = array<i32>} : memref<2048xf32, #tpu.memory_space<vmem>>, vector<16xf32>,
              %bitcast_convert_type3A_803 = tpu.bitcast %get3A_802 : vector<16xf32> -> vector<16xi32>
              %le3A_804 = arith.cmpi sle, %bitcast_convert_type3A_803, %add3A_733 : vector<16xi32>
              %all_reduce_population_count3A_805 = tpu.all_reduce %le3A_804 {dim = 0 : i64, kind = #tpu.reduction_kind<sum>} : vector<16xi1> -> vector<16xi32>
              %add3A_806 = arith.addi %add3A_796, %all_reduce_population_count3A_805 : vector<16xi32>
              %scan3A_807 = arith.constant 6 : i32
              %scan3A_808 = arith.addi %scan3A_747, %scan3A_807 : i32
              %mul3A_809 = arith.constant 16 : i32
              %mul3A_810 = arith.muli %scan3A_808, %mul3A_809 : i32
              %get3A_811 = arith.index_cast %mul3A_810 : i32 to index
              %get3A_812 = tpu.vector_load %arg5[%get3A_811] {strides = array<i32>} : memref<2048xf32, #tpu.memory_space<vmem>>, vector<16xf32>,
              %bitcast_convert_type3A_813 = tpu.bitcast %get3A_812 : vector<16xf32> -> vector<16xi32>
              %le3A_814 = arith.cmpi sle, %bitcast_convert_type3A_813, %add3A_733 : vector<16xi32>
              %all_reduce_population_count3A_815 = tpu.all_reduce %le3A_814 {dim = 0 : i64, kind = #tpu.reduction_kind<sum>} : vector<16xi1> -> vector<16xi32>
              %add3A_816 = arith.addi %add3A_806, %all_reduce_population_count3A_815 : vector<16xi32>
              %scan3A_817 = arith.constant 7 : i32
              %scan3A_818 = arith.addi %scan3A_747, %scan3A_817 : i32
              %mul3A_819 = arith.constant 16 : i32
              %mul3A_820 = arith.muli %scan3A_818, %mul3A_819 : i32
              %get3A_821 = arith.index_cast %mul3A_820 : i32 to index
              %get3A_822 = tpu.vector_load %arg5[%get3A_821] {strides = array<i32>} : memref<2048xf32, #tpu.memory_space<vmem>>, vector<16xf32>,
              %bitcast_convert_type3A_823 = tpu.bitcast %get3A_822 : vector<16xf32> -> vector<16xi32>
              %le3A_824 = arith.cmpi sle, %bitcast_convert_type3A_823, %add3A_733 : vector<16xi32>
              %all_reduce_population_count3A_825 = tpu.all_reduce %le3A_824 {dim = 0 : i64, kind = #tpu.reduction_kind<sum>} : vector<16xi1> -> vector<16xi32>
              %add3A_826 = arith.addi %add3A_816, %all_reduce_population_count3A_825 : vector<16xi32>
              scf.yield %add3A_826 : vector<16xi32>
            }
            %scan3A_739 = arith.constant 128 : i32
            %ge3A = arith.constant 33 : i32
            %ge3A_740 = vector.broadcast %ge3A : i32 to vector<16xi32>
            %ge3A_741 = arith.cmpi sge, %scan3A_738, %ge3A_740 : vector<16xi32>
            %add3A_742 = arith.constant 1 : i32
            %add3A_743 = vector.broadcast %add3A_742 : i32 to vector<16xi32>
            %add3A_744 = arith.addi %add3A_733, %add3A_743 : vector<16xi32>
            %select_n3A_745 = arith.select %ge3A_741, %scan3A_728, %add3A_744 : vector<16xi1>, vector<16xi32>
            %select_n3A_746 = arith.select %ge3A_741, %add3A_733, %scan3A_729 : vector<16xi1>, vector<16xi32>
            scf.yield %select_n3A_745, %select_n3A_746 : vector<16xi32>, vector<16xi32>
          }
          %scan3A_722 = arith.constant 31 : i32
          %bitcast_convert_type3A = tpu.bitcast %scan3A_721#1 : vector<16xi32> -> vector<16xf32>
          %reduce_max3A_723 = arith.constant true
          %reduce_max3A_724 = vector.broadcast %reduce_max3A_723 : i1 to vector<16xi1>
          %reduce_max3A_725 = tpu.scan <max>, %bitcast_convert_type3A masked %reduce_max3A_724 : vector<16xf32>, vector<16xi1> -> vector<16xf32>
          %reduce_max3A_726 = vector.extract %reduce_max3A_725[15] : f32 from vector<16xf32>
          scf.yield %reduce_max3A_726 : f32
        }
        scf.yield %cond3A_716 : f32
      }
      %add3A_670 = arith.constant 3 : i32
      %add3A_671 = arith.addi %add3A_29, %add3A_670 : i32
      %le3A_672 = arith.cmpi sle, %add3A_671, %sub3A_5 : i32
      %convert_element_type3A_673 = arith.extui %le3A_672 : i1 to i32
      %cond3A_674 = arith.constant 0 : i32
      %cond3A_675 = arith.cmpi ne, %convert_element_type3A_673, %cond3A_674 : i32
      scf.if %cond3A_675 {
        %add3A_696 = arith.constant 3 : i32
        %add3A_697 = arith.addi %add3A_29, %add3A_696 : i32
        %dma_start3A_698 = arith.constant 0 : i32
        %dma_start3A_699 = tpu.memref_slice %arg2[%add3A_697, %dma_start3A_698] : memref<2048x2048xf32, #tpu.memory_space<hbm>> -> memref<1x2048xf32, #tpu.memory_space<hbm>>
        %dma_start3A_700 = tpu.memref_squeeze %dma_start3A_699 : memref<1x2048xf32, #tpu.memory_space<hbm>> -> memref<2048xf32, #tpu.memory_space<hbm>>
        %dma_start3A_701 = arith.constant 0 : i32
        %dma_start3A_702 = tpu.memref_slice %arg2[%add3A_697, %dma_start3A_701] : memref<2048x2048xf32, #tpu.memory_space<hbm>> -> memref<1x2048xf32, #tpu.memory_space<hbm>>
        %dma_start3A_703 = tpu.memref_squeeze %dma_start3A_702 : memref<1x2048xf32, #tpu.memory_space<hbm>> -> memref<2048xf32, #tpu.memory_space<hbm>>
        tpu.enqueue_dma source(%dma_start3A_703 : memref<2048xf32, #tpu.memory_space<hbm>>) target(%arg5 : memref<2048xf32, #tpu.memory_space<vmem>>) target_semaphore(%arg8 : memref<!tpu.dma_semaphore, #tpu.memory_space<semaphore_mem>>)
      } else {
      }
      %mul3A_676 = arith.constant 2 : i32
      %mul3A_677 = arith.muli %mul3A_676, %scan3A_25 : i32
      %add3A_678 = arith.constant 1 : i32
      %add3A_679 = arith.addi %mul3A_677, %add3A_678 : i32
      %div3A_680 = arith.constant 16 : i32
      %div3A_681 = arith.divsi %add3A_679, %div3A_680 : i32
      %mul3A_682 = arith.constant 16 : i32
      %mul3A_683 = arith.muli %div3A_681, %mul3A_682 : i32
      %rem3A_684 = arith.constant 16 : i32
      %rem3A_685 = arith.remsi %add3A_679, %rem3A_684 : i32
      %get3A_686 = arith.index_cast %mul3A_683 : i32 to index
      %get3A_687 = tpu.vector_load %arg6[%get3A_686] {strides = array<i32>} : memref<64xf32, #tpu.memory_space<vmem>>, vector<16xf32>,
      %iota3A_688 = tpu.iota {dimensions = array<i32: 0>} : vector<16xi32>
      %eq3A_689 = vector.broadcast %rem3A_685 : i32 to vector<16xi32>
      %eq3A_690 = arith.cmpi eq, %iota3A_688, %eq3A_689 : vector<16xi32>
      %broadcast_in_dim3A_691 = vector.broadcast %cond3A_669 : f32 to vector<16xf32>
      %select_n3A_692 = arith.select %eq3A_690, %broadcast_in_dim3A_691, %get3A_687 : vector<16xi1>, vector<16xf32>
      %swap3A_693 = arith.index_cast %mul3A_683 : i32 to index
      %swap3A_694 = tpu.vector_load %arg6[%swap3A_693] {strides = array<i32>} : memref<64xf32, #tpu.memory_space<vmem>>, vector<16xf32>,
      tpu.vector_store %arg6[%swap3A_693], %select_n3A_692 {strides = array<i32>} : memref<64xf32, #tpu.memory_space<vmem>>, vector<16xf32>,
      %scan3A_695 = arith.constant 0 : i32
      scf.yield %scan3A_695 : i32
    }
    %scan3A_24 = arith.constant 32 : i32
    "tpu.region"() ({
      %run_scoped3A = tpu.sem_alloc : memref<!tpu.dma_semaphore, #tpu.memory_space<semaphore_mem>>
      %dma_start3A_25 = tpu.memref_slice %arg3[%mul3A_2] : memref<2048xf32, #tpu.memory_space<hbm>> -> memref<64xf32, #tpu.memory_space<hbm>>
      %dma_start3A_26 = tpu.memref_slice %arg3[%mul3A_2] : memref<2048xf32, #tpu.memory_space<hbm>> -> memref<64xf32, #tpu.memory_space<hbm>>
      tpu.enqueue_dma source(%arg6 : memref<64xf32, #tpu.memory_space<vmem>>) target(%dma_start3A_26 : memref<64xf32, #tpu.memory_space<hbm>>) target_semaphore(%run_scoped3A : memref<!tpu.dma_semaphore, #tpu.memory_space<semaphore_mem>>)
      %dma_wait3A = tpu.memref_slice %arg3[%mul3A_2] : memref<2048xf32, #tpu.memory_space<hbm>> -> memref<64xf32, #tpu.memory_space<hbm>>
      %dma_wait3A_27 = tpu.memref_slice %arg3[%mul3A_2] : memref<2048xf32, #tpu.memory_space<hbm>> -> memref<64xf32, #tpu.memory_space<hbm>>
      tpu.wait_dma2 semaphore(%run_scoped3A : memref<!tpu.dma_semaphore, #tpu.memory_space<semaphore_mem>>) src(%arg6 : memref<64xf32, #tpu.memory_space<vmem>>) dst(%dma_wait3A_27 : memref<64xf32, #tpu.memory_space<hbm>>)
      tpu.yield
    }) : () -> ()
    return
  }
}

module attributes {stable_mosaic.version = 14 : i64} {
  func.func @_iter_kernel(%arg0: memref<2048x256xf32, #tpu.memory_space<vmem>>, %arg1: memref<2048x2048xf32, #tpu.memory_space<vmem>>, %arg2: memref<2048x1xf32, #tpu.memory_space<vmem>>, %arg3: memref<1x1xf32, #tpu.memory_space<smem>>, %arg4: memref<2048x256xf32, #tpu.memory_space<vmem>>, %arg5: memref<2048x256xf32, #tpu.memory_space<vmem>>, %arg6: memref<2048x256xf32, #tpu.memory_space<vmem>>, %arg7: memref<1x2048xf32, #tpu.memory_space<vmem>>, %arg8: memref<2048x256xbf16, #tpu.memory_space<vmem>>) attributes {dimension_semantics = [], scalar_prefetch = 0 : i64, scratch_operands = 4 : i64, tpu.core_type = #tpu.core_type<tc>} {
    %get3A = arith.constant 0 : index
    %get3A_0 = arith.constant 0 : index
    %get3A_1 = memref.load %arg3[%get3A, %get3A_0] : memref<1x1xf32, #tpu.memory_space<smem>>
    %get3A_2 = arith.constant 0 : index
    %get3A_3 = arith.constant 0 : index
    %get3A_4 = vector.load %arg0[%get3A_2, %get3A_3] : memref<2048x256xf32, #tpu.memory_space<vmem>>, vector<2048x256xf32>
    %swap3A = arith.constant 0 : index
    %swap3A_5 = arith.constant 0 : index
    %swap3A_6 = vector.load %arg5[%swap3A, %swap3A_5] : memref<2048x256xf32, #tpu.memory_space<vmem>>, vector<2048x256xf32>
    tpu.vector_store %arg5[%swap3A, %swap3A_5], %get3A_4 {strides = array<i32>} : memref<2048x256xf32, #tpu.memory_space<vmem>>, vector<2048x256xf32>,
    %scan3A = arith.constant 0 : i32
    %scan3A_7 = arith.constant 8 : i32
    %scan3A_8 = arith.addi %scan3A, %scan3A_7 : i32
    %scan3A_9 = arith.constant 1 : i32
    scf.for %scan3A_60 = %scan3A to %scan3A_8 step %scan3A_9  : i32 {
      %mul3A = arith.constant 256 : i32
      %mul3A_61 = arith.muli %scan3A_60, %mul3A : i32
      %get3A_62 = arith.index_cast %mul3A_61 : i32 to index
      %get3A_63 = arith.constant 0 : index
      %get3A_64 = vector.load %arg5[%get3A_62, %get3A_63] : memref<2048x256xf32, #tpu.memory_space<vmem>>, vector<256x256xf32>
      %convert_element_type3A = arith.truncf %get3A_64 : vector<256x256xf32> to vector<256x256xbf16>
      %mul3A_65 = arith.constant 256 : i32
      %mul3A_66 = arith.muli %scan3A_60, %mul3A_65 : i32
      %swap3A_67 = arith.index_cast %mul3A_66 : i32 to index
      %swap3A_68 = arith.constant 0 : index
      %swap3A_69 = vector.load %arg8[%swap3A_67, %swap3A_68] : memref<2048x256xbf16, #tpu.memory_space<vmem>>, vector<256x256xbf16>
      tpu.vector_store %arg8[%swap3A_67, %swap3A_68], %convert_element_type3A {strides = array<i32>} : memref<2048x256xbf16, #tpu.memory_space<vmem>>, vector<256x256xbf16>,
    }
    %scan3A_10 = arith.constant 8 : i32
    %scan3A_11 = arith.constant 0 : i32
    %scan3A_12 = arith.constant 8 : i32
    %scan3A_13 = arith.addi %scan3A_11, %scan3A_12 : i32
    %scan3A_14 = arith.constant 1 : i32
    scf.for %scan3A_60 = %scan3A_11 to %scan3A_13 step %scan3A_14  : i32 {
      %mul3A = arith.constant 256 : i32
      %mul3A_61 = arith.muli %scan3A_60, %mul3A : i32
      %get3A_62 = arith.index_cast %mul3A_61 : i32 to index
      %get3A_63 = arith.constant 0 : index
      %get3A_64 = vector.load %arg5[%get3A_62, %get3A_63] : memref<2048x256xf32, #tpu.memory_space<vmem>>, vector<256x256xf32>
      %mul3A_65 = arith.constant 256 : i32
      %mul3A_66 = arith.muli %scan3A_60, %mul3A_65 : i32
      %get3A_67 = arith.index_cast %mul3A_66 : i32 to index
      %get3A_68 = arith.constant 0 : index
      %get3A_69 = vector.load %arg1[%get3A_67, %get3A_68] : memref<2048x2048xf32, #tpu.memory_space<vmem>>, vector<256x2048xf32>
      %mul3A_70 = arith.constant 256 : i32
      %mul3A_71 = arith.muli %scan3A_60, %mul3A_70 : i32
      %get3A_72 = arith.index_cast %mul3A_71 : i32 to index
      %get3A_73 = arith.constant 0 : index
      %get3A_74 = vector.load %arg2[%get3A_72, %get3A_73] : memref<2048x1xf32, #tpu.memory_space<vmem>>, vector<256x1xf32>
      %le3A = vector.broadcast %get3A_74 : vector<256x1xf32> to vector<256x2048xf32>
      %le3A_75 = arith.cmpf ole, %get3A_69, %le3A : vector<256x2048xf32>
      %reduce_min3A = arith.constant dense<0x7F800000> : vector<256xf32>
      %reduce_min3A_76 = vector.multi_reduction <minimumf>, %get3A_69, %reduce_min3A [1] : vector<256x2048xf32> to vector<256xf32>
      %broadcast_in_dim3A = vector.shape_cast %reduce_min3A_76 : vector<256xf32> to vector<256x1xf32>
      %sub3A = vector.broadcast %broadcast_in_dim3A : vector<256x1xf32> to vector<256x2048xf32>
      %sub3A_77 = arith.subf %sub3A, %get3A_69 : vector<256x2048xf32>
      %mul3A_78 = vector.broadcast %get3A_1 : f32 to vector<256x2048xf32>
      %mul3A_79 = arith.mulf %mul3A_78, %sub3A_77 : vector<256x2048xf32>
      %exp3A = math.exp %mul3A_79 : vector<256x2048xf32>
      %jit3A = arith.constant 0.000000e+00 : f32
      %broadcast_in_dim3A_80 = vector.broadcast %jit3A : f32 to vector<256x2048xf32>
      %select_n3A = arith.select %le3A_75, %exp3A, %broadcast_in_dim3A_80 : vector<256x2048xi1>, vector<256x2048xf32>
      %convert_element_type3A = arith.truncf %select_n3A : vector<256x2048xf32> to vector<256x2048xbf16>
      %convert_element_type3A_81 = arith.extf %convert_element_type3A : vector<256x2048xbf16> to vector<256x2048xf32>
      %reduce_sum3A = arith.constant dense<0.000000e+00> : vector<256xf32>
      %reduce_sum3A_82 = vector.multi_reduction <add>, %convert_element_type3A_81, %reduce_sum3A [1] : vector<256x2048xf32> to vector<256xf32>
      %broadcast_in_dim3A_83 = vector.shape_cast %reduce_sum3A_82 : vector<256xf32> to vector<256x1xf32>
      %get3A_84 = arith.constant 0 : index
      %get3A_85 = arith.constant 0 : index
      %get3A_86 = vector.load %arg8[%get3A_84, %get3A_85] : memref<2048x256xbf16, #tpu.memory_space<vmem>>, vector<2048x256xbf16>
      %dot_general3A = arith.constant dense<0.000000e+00> : vector<256x256xf32>
      %dot_general3A_87 = tpu.matmul %convert_element_type3A, %get3A_86, %dot_general3A {dimension_numbers = #tpu.dot_dimension_numbers<[1], [0], [0], [1], [0, 0, 1, 1], [], []>, transpose_lhs_hint = false} : vector<256x2048xbf16>, vector<2048x256xbf16>, vector<256x256xf32> -> vector<256x256xf32>
      %div3A = vector.broadcast %broadcast_in_dim3A_83 : vector<256x1xf32> to vector<256x256xf32>
      %div3A_88 = arith.divf %dot_general3A_87, %div3A : vector<256x256xf32>
      %sub3A_89 = arith.subf %div3A_88, %get3A_64 : vector<256x256xf32>
      %mul3A_90 = arith.constant 0.00999999977 : f32
      %mul3A_91 = vector.broadcast %mul3A_90 : f32 to vector<256x256xf32>
      %mul3A_92 = arith.mulf %mul3A_91, %sub3A_89 : vector<256x256xf32>
      %add3A = arith.addf %get3A_64, %mul3A_92 : vector<256x256xf32>
      %mul3A_93 = arith.constant 256 : i32
      %mul3A_94 = arith.muli %scan3A_60, %mul3A_93 : i32
      %swap3A_95 = arith.index_cast %mul3A_94 : i32 to index
      %swap3A_96 = arith.constant 0 : index
      %swap3A_97 = vector.load %arg6[%swap3A_95, %swap3A_96] : memref<2048x256xf32, #tpu.memory_space<vmem>>, vector<256x256xf32>
      tpu.vector_store %arg6[%swap3A_95, %swap3A_96], %add3A {strides = array<i32>} : memref<2048x256xf32, #tpu.memory_space<vmem>>, vector<256x256xf32>,
    }
    %scan3A_15 = arith.constant 8 : i32
    %get3A_16 = arith.constant 0 : index
    %get3A_17 = arith.constant 0 : index
    %get3A_18 = vector.load %arg6[%get3A_16, %get3A_17] : memref<2048x256xf32, #tpu.memory_space<vmem>>, vector<2048x256xf32>
    %swap3A_19 = arith.constant 0 : index
    %swap3A_20 = arith.constant 0 : index
    %swap3A_21 = vector.load %arg5[%swap3A_19, %swap3A_20] : memref<2048x256xf32, #tpu.memory_space<vmem>>, vector<2048x256xf32>
    tpu.vector_store %arg5[%swap3A_19, %swap3A_20], %get3A_18 {strides = array<i32>} : memref<2048x256xf32, #tpu.memory_space<vmem>>, vector<2048x256xf32>,
    %scan3A_22 = arith.constant 0 : i32
    %scan3A_23 = arith.constant 8 : i32
    %scan3A_24 = arith.addi %scan3A_22, %scan3A_23 : i32
    %scan3A_25 = arith.constant 1 : i32
    scf.for %scan3A_60 = %scan3A_22 to %scan3A_24 step %scan3A_25  : i32 {
      %mul3A = arith.constant 256 : i32
      %mul3A_61 = arith.muli %scan3A_60, %mul3A : i32
      %get3A_62 = arith.index_cast %mul3A_61 : i32 to index
      %get3A_63 = arith.constant 0 : index
      %get3A_64 = vector.load %arg5[%get3A_62, %get3A_63] : memref<2048x256xf32, #tpu.memory_space<vmem>>, vector<256x256xf32>
      %convert_element_type3A = arith.truncf %get3A_64 : vector<256x256xf32> to vector<256x256xbf16>
      %mul3A_65 = arith.constant 256 : i32
      %mul3A_66 = arith.muli %scan3A_60, %mul3A_65 : i32
      %swap3A_67 = arith.index_cast %mul3A_66 : i32 to index
      %swap3A_68 = arith.constant 0 : index
      %swap3A_69 = vector.load %arg8[%swap3A_67, %swap3A_68] : memref<2048x256xbf16, #tpu.memory_space<vmem>>, vector<256x256xbf16>
      tpu.vector_store %arg8[%swap3A_67, %swap3A_68], %convert_element_type3A {strides = array<i32>} : memref<2048x256xbf16, #tpu.memory_space<vmem>>, vector<256x256xbf16>,
      %mul3A_70 = arith.mulf %get3A_64, %get3A_64 : vector<256x256xf32>
      %reduce_sum3A = arith.constant dense<0.000000e+00> : vector<256xf32>
      %reduce_sum3A_71 = vector.multi_reduction <add>, %mul3A_70, %reduce_sum3A [1] : vector<256x256xf32> to vector<256xf32>
      %mul3A_72 = arith.constant 256 : i32
      %mul3A_73 = arith.muli %scan3A_60, %mul3A_72 : i32
      %swap3A_74 = arith.constant 0 : index
      %swap3A_75 = arith.index_cast %mul3A_73 : i32 to index
      %swap3A_76 = vector.load %arg7[%swap3A_74, %swap3A_75] : memref<1x2048xf32, #tpu.memory_space<vmem>>, vector<1x256xf32>
      %swap3A_77 = vector.shape_cast %swap3A_76 : vector<1x256xf32> to vector<256xf32>
      %swap3A_78 = vector.shape_cast %reduce_sum3A_71 : vector<256xf32> to vector<1x256xf32>
      tpu.vector_store %arg7[%swap3A_74, %swap3A_75], %swap3A_78 {strides = array<i32>} : memref<1x2048xf32, #tpu.memory_space<vmem>>, vector<1x256xf32>,
    }
    %scan3A_26 = arith.constant 8 : i32
    %scan3A_27 = arith.constant 0 : i32
    %scan3A_28 = arith.constant 8 : i32
    %scan3A_29 = arith.addi %scan3A_27, %scan3A_28 : i32
    %scan3A_30 = arith.constant 1 : i32
    scf.for %scan3A_60 = %scan3A_27 to %scan3A_29 step %scan3A_30  : i32 {
      %mul3A = arith.constant 256 : i32
      %mul3A_61 = arith.muli %scan3A_60, %mul3A : i32
      %get3A_62 = arith.index_cast %mul3A_61 : i32 to index
      %get3A_63 = arith.constant 0 : index
      %get3A_64 = vector.load %arg5[%get3A_62, %get3A_63] : memref<2048x256xf32, #tpu.memory_space<vmem>>, vector<256x256xf32>
      %mul3A_65 = arith.constant 256 : i32
      %mul3A_66 = arith.muli %scan3A_60, %mul3A_65 : i32
      %get3A_67 = arith.index_cast %mul3A_66 : i32 to index
      %get3A_68 = arith.constant 0 : index
      %get3A_69 = vector.load %arg1[%get3A_67, %get3A_68] : memref<2048x2048xf32, #tpu.memory_space<vmem>>, vector<256x2048xf32>
      %mul3A_70 = arith.constant 256 : i32
      %mul3A_71 = arith.muli %scan3A_60, %mul3A_70 : i32
      %get3A_72 = arith.index_cast %mul3A_71 : i32 to index
      %get3A_73 = arith.constant 0 : index
      %get3A_74 = vector.load %arg2[%get3A_72, %get3A_73] : memref<2048x1xf32, #tpu.memory_space<vmem>>, vector<256x1xf32>
      %le3A = vector.broadcast %get3A_74 : vector<256x1xf32> to vector<256x2048xf32>
      %le3A_75 = arith.cmpf ole, %get3A_69, %le3A : vector<256x2048xf32>
      %get3A_76 = arith.constant 0 : index
      %get3A_77 = arith.constant 0 : index
      %get3A_78 = vector.load %arg8[%get3A_76, %get3A_77] : memref<2048x256xbf16, #tpu.memory_space<vmem>>, vector<2048x256xbf16>
      %mul3A_79 = arith.constant 256 : i32
      %mul3A_80 = arith.muli %scan3A_60, %mul3A_79 : i32
      %get3A_81 = arith.index_cast %mul3A_80 : i32 to index
      %get3A_82 = arith.constant 0 : index
      %get3A_83 = vector.load %arg8[%get3A_81, %get3A_82] : memref<2048x256xbf16, #tpu.memory_space<vmem>>, vector<256x256xbf16>
      %dot_general3A = arith.constant dense<0.000000e+00> : vector<256x2048xf32>
      %dot_general3A_84 = tpu.matmul %get3A_83, %get3A_78, %dot_general3A {dimension_numbers = #tpu.dot_dimension_numbers<[1], [1], [0], [0], [0, 0, 1, 0], [], []>, transpose_lhs_hint = false} : vector<256x256xbf16>, vector<2048x256xbf16>, vector<256x2048xf32> -> vector<256x2048xf32>
      %get3A_85 = arith.constant 0 : index
      %get3A_86 = arith.constant 0 : index
      %get3A_87 = vector.load %arg7[%get3A_85, %get3A_86] : memref<1x2048xf32, #tpu.memory_space<vmem>>, vector<1x2048xf32>
      %get3A_88 = vector.shape_cast %get3A_87 : vector<1x2048xf32> to vector<2048xf32>
      %broadcast_in_dim3A = vector.shape_cast %get3A_88 : vector<2048xf32> to vector<1x2048xf32>
      %mul3A_89 = arith.constant 2.000000e+00 : f32
      %mul3A_90 = vector.broadcast %mul3A_89 : f32 to vector<256x2048xf32>
      %mul3A_91 = arith.mulf %mul3A_90, %dot_general3A_84 : vector<256x2048xf32>
      %sub3A = vector.broadcast %broadcast_in_dim3A : vector<1x2048xf32> to vector<256x2048xf32>
      %sub3A_92 = arith.subf %mul3A_91, %sub3A : vector<256x2048xf32>
      %mul3A_93 = vector.broadcast %get3A_1 : f32 to vector<256x2048xf32>
      %mul3A_94 = arith.mulf %mul3A_93, %sub3A_92 : vector<256x2048xf32>
      %jit3A = arith.constant -1.000000e+30 : f32
      %broadcast_in_dim3A_95 = vector.broadcast %jit3A : f32 to vector<256x2048xf32>
      %select_n3A = arith.select %le3A_75, %mul3A_94, %broadcast_in_dim3A_95 : vector<256x2048xi1>, vector<256x2048xf32>
      %reduce_max3A = arith.constant dense<0xFF800000> : vector<256xf32>
      %reduce_max3A_96 = vector.multi_reduction <maximumf>, %select_n3A, %reduce_max3A [1] : vector<256x2048xf32> to vector<256xf32>
      %broadcast_in_dim3A_97 = vector.shape_cast %reduce_max3A_96 : vector<256xf32> to vector<256x1xf32>
      %sub3A_98 = vector.broadcast %broadcast_in_dim3A_97 : vector<256x1xf32> to vector<256x2048xf32>
      %sub3A_99 = arith.subf %select_n3A, %sub3A_98 : vector<256x2048xf32>
      %exp3A = math.exp %sub3A_99 : vector<256x2048xf32>
      %jit3A_100 = arith.constant 0.000000e+00 : f32
      %broadcast_in_dim3A_101 = vector.broadcast %jit3A_100 : f32 to vector<256x2048xf32>
      %select_n3A_102 = arith.select %le3A_75, %exp3A, %broadcast_in_dim3A_101 : vector<256x2048xi1>, vector<256x2048xf32>
      %convert_element_type3A = arith.truncf %select_n3A_102 : vector<256x2048xf32> to vector<256x2048xbf16>
      %convert_element_type3A_103 = arith.extf %convert_element_type3A : vector<256x2048xbf16> to vector<256x2048xf32>
      %reduce_sum3A = arith.constant dense<0.000000e+00> : vector<256xf32>
      %reduce_sum3A_104 = vector.multi_reduction <add>, %convert_element_type3A_103, %reduce_sum3A [1] : vector<256x2048xf32> to vector<256xf32>
      %broadcast_in_dim3A_105 = vector.shape_cast %reduce_sum3A_104 : vector<256xf32> to vector<256x1xf32>
      %get3A_106 = arith.constant 0 : index
      %get3A_107 = arith.constant 0 : index
      %get3A_108 = vector.load %arg8[%get3A_106, %get3A_107] : memref<2048x256xbf16, #tpu.memory_space<vmem>>, vector<2048x256xbf16>
      %dot_general3A_109 = arith.constant dense<0.000000e+00> : vector<256x256xf32>
      %dot_general3A_110 = tpu.matmul %convert_element_type3A, %get3A_108, %dot_general3A_109 {dimension_numbers = #tpu.dot_dimension_numbers<[1], [0], [0], [1], [0, 0, 1, 1], [], []>, transpose_lhs_hint = false} : vector<256x2048xbf16>, vector<2048x256xbf16>, vector<256x256xf32> -> vector<256x256xf32>
      %div3A = vector.broadcast %broadcast_in_dim3A_105 : vector<256x1xf32> to vector<256x256xf32>
      %div3A_111 = arith.divf %dot_general3A_110, %div3A : vector<256x256xf32>
      %sub3A_112 = arith.subf %div3A_111, %get3A_64 : vector<256x256xf32>
      %mul3A_113 = arith.constant 0.00999999977 : f32
      %mul3A_114 = vector.broadcast %mul3A_113 : f32 to vector<256x256xf32>
      %mul3A_115 = arith.mulf %mul3A_114, %sub3A_112 : vector<256x256xf32>
      %add3A = arith.addf %get3A_64, %mul3A_115 : vector<256x256xf32>
      %mul3A_116 = arith.constant 256 : i32
      %mul3A_117 = arith.muli %scan3A_60, %mul3A_116 : i32
      %swap3A_118 = arith.index_cast %mul3A_117 : i32 to index
      %swap3A_119 = arith.constant 0 : index
      %swap3A_120 = vector.load %arg6[%swap3A_118, %swap3A_119] : memref<2048x256xf32, #tpu.memory_space<vmem>>, vector<256x256xf32>
      tpu.vector_store %arg6[%swap3A_118, %swap3A_119], %add3A {strides = array<i32>} : memref<2048x256xf32, #tpu.memory_space<vmem>>, vector<256x256xf32>,
    }
    %scan3A_31 = arith.constant 8 : i32
    %get3A_32 = arith.constant 0 : index
    %get3A_33 = arith.constant 0 : index
    %get3A_34 = vector.load %arg6[%get3A_32, %get3A_33] : memref<2048x256xf32, #tpu.memory_space<vmem>>, vector<2048x256xf32>
    %swap3A_35 = arith.constant 0 : index
    %swap3A_36 = arith.constant 0 : index
    %swap3A_37 = vector.load %arg5[%swap3A_35, %swap3A_36] : memref<2048x256xf32, #tpu.memory_space<vmem>>, vector<2048x256xf32>
    tpu.vector_store %arg5[%swap3A_35, %swap3A_36], %get3A_34 {strides = array<i32>} : memref<2048x256xf32, #tpu.memory_space<vmem>>, vector<2048x256xf32>,
    %scan3A_38 = arith.constant 0 : i32
    %scan3A_39 = arith.constant 8 : i32
    %scan3A_40 = arith.addi %scan3A_38, %scan3A_39 : i32
    %scan3A_41 = arith.constant 1 : i32
    scf.for %scan3A_60 = %scan3A_38 to %scan3A_40 step %scan3A_41  : i32 {
      %mul3A = arith.constant 256 : i32
      %mul3A_61 = arith.muli %scan3A_60, %mul3A : i32
      %get3A_62 = arith.index_cast %mul3A_61 : i32 to index
      %get3A_63 = arith.constant 0 : index
      %get3A_64 = vector.load %arg5[%get3A_62, %get3A_63] : memref<2048x256xf32, #tpu.memory_space<vmem>>, vector<256x256xf32>
      %convert_element_type3A = arith.truncf %get3A_64 : vector<256x256xf32> to vector<256x256xbf16>
      %mul3A_65 = arith.constant 256 : i32
      %mul3A_66 = arith.muli %scan3A_60, %mul3A_65 : i32
      %swap3A_67 = arith.index_cast %mul3A_66 : i32 to index
      %swap3A_68 = arith.constant 0 : index
      %swap3A_69 = vector.load %arg8[%swap3A_67, %swap3A_68] : memref<2048x256xbf16, #tpu.memory_space<vmem>>, vector<256x256xbf16>
      tpu.vector_store %arg8[%swap3A_67, %swap3A_68], %convert_element_type3A {strides = array<i32>} : memref<2048x256xbf16, #tpu.memory_space<vmem>>, vector<256x256xbf16>,
      %mul3A_70 = arith.mulf %get3A_64, %get3A_64 : vector<256x256xf32>
      %reduce_sum3A = arith.constant dense<0.000000e+00> : vector<256xf32>
      %reduce_sum3A_71 = vector.multi_reduction <add>, %mul3A_70, %reduce_sum3A [1] : vector<256x256xf32> to vector<256xf32>
      %mul3A_72 = arith.constant 256 : i32
      %mul3A_73 = arith.muli %scan3A_60, %mul3A_72 : i32
      %swap3A_74 = arith.constant 0 : index
      %swap3A_75 = arith.index_cast %mul3A_73 : i32 to index
      %swap3A_76 = vector.load %arg7[%swap3A_74, %swap3A_75] : memref<1x2048xf32, #tpu.memory_space<vmem>>, vector<1x256xf32>
      %swap3A_77 = vector.shape_cast %swap3A_76 : vector<1x256xf32> to vector<256xf32>
      %swap3A_78 = vector.shape_cast %reduce_sum3A_71 : vector<256xf32> to vector<1x256xf32>
      tpu.vector_store %arg7[%swap3A_74, %swap3A_75], %swap3A_78 {strides = array<i32>} : memref<1x2048xf32, #tpu.memory_space<vmem>>, vector<1x256xf32>,
    }
    %scan3A_42 = arith.constant 8 : i32
    %scan3A_43 = arith.constant 0 : i32
    %scan3A_44 = arith.constant 8 : i32
    %scan3A_45 = arith.addi %scan3A_43, %scan3A_44 : i32
    %scan3A_46 = arith.constant 1 : i32
    scf.for %scan3A_60 = %scan3A_43 to %scan3A_45 step %scan3A_46  : i32 {
      %mul3A = arith.constant 256 : i32
      %mul3A_61 = arith.muli %scan3A_60, %mul3A : i32
      %get3A_62 = arith.index_cast %mul3A_61 : i32 to index
      %get3A_63 = arith.constant 0 : index
      %get3A_64 = vector.load %arg5[%get3A_62, %get3A_63] : memref<2048x256xf32, #tpu.memory_space<vmem>>, vector<256x256xf32>
      %mul3A_65 = arith.constant 256 : i32
      %mul3A_66 = arith.muli %scan3A_60, %mul3A_65 : i32
      %get3A_67 = arith.index_cast %mul3A_66 : i32 to index
      %get3A_68 = arith.constant 0 : index
      %get3A_69 = vector.load %arg1[%get3A_67, %get3A_68] : memref<2048x2048xf32, #tpu.memory_space<vmem>>, vector<256x2048xf32>
      %mul3A_70 = arith.constant 256 : i32
      %mul3A_71 = arith.muli %scan3A_60, %mul3A_70 : i32
      %get3A_72 = arith.index_cast %mul3A_71 : i32 to index
      %get3A_73 = arith.constant 0 : index
      %get3A_74 = vector.load %arg2[%get3A_72, %get3A_73] : memref<2048x1xf32, #tpu.memory_space<vmem>>, vector<256x1xf32>
      %le3A = vector.broadcast %get3A_74 : vector<256x1xf32> to vector<256x2048xf32>
      %le3A_75 = arith.cmpf ole, %get3A_69, %le3A : vector<256x2048xf32>
      %get3A_76 = arith.constant 0 : index
      %get3A_77 = arith.constant 0 : index
      %get3A_78 = vector.load %arg8[%get3A_76, %get3A_77] : memref<2048x256xbf16, #tpu.memory_space<vmem>>, vector<2048x256xbf16>
      %mul3A_79 = arith.constant 256 : i32
      %mul3A_80 = arith.muli %scan3A_60, %mul3A_79 : i32
      %get3A_81 = arith.index_cast %mul3A_80 : i32 to index
      %get3A_82 = arith.constant 0 : index
      %get3A_83 = vector.load %arg8[%get3A_81, %get3A_82] : memref<2048x256xbf16, #tpu.memory_space<vmem>>, vector<256x256xbf16>
      %dot_general3A = arith.constant dense<0.000000e+00> : vector<256x2048xf32>
      %dot_general3A_84 = tpu.matmul %get3A_83, %get3A_78, %dot_general3A {dimension_numbers = #tpu.dot_dimension_numbers<[1], [1], [0], [0], [0, 0, 1, 0], [], []>, transpose_lhs_hint = false} : vector<256x256xbf16>, vector<2048x256xbf16>, vector<256x2048xf32> -> vector<256x2048xf32>
      %get3A_85 = arith.constant 0 : index
      %get3A_86 = arith.constant 0 : index
      %get3A_87 = vector.load %arg7[%get3A_85, %get3A_86] : memref<1x2048xf32, #tpu.memory_space<vmem>>, vector<1x2048xf32>
      %get3A_88 = vector.shape_cast %get3A_87 : vector<1x2048xf32> to vector<2048xf32>
      %broadcast_in_dim3A = vector.shape_cast %get3A_88 : vector<2048xf32> to vector<1x2048xf32>
      %mul3A_89 = arith.constant 2.000000e+00 : f32
      %mul3A_90 = vector.broadcast %mul3A_89 : f32 to vector<256x2048xf32>
      %mul3A_91 = arith.mulf %mul3A_90, %dot_general3A_84 : vector<256x2048xf32>
      %sub3A = vector.broadcast %broadcast_in_dim3A : vector<1x2048xf32> to vector<256x2048xf32>
      %sub3A_92 = arith.subf %mul3A_91, %sub3A : vector<256x2048xf32>
      %mul3A_93 = vector.broadcast %get3A_1 : f32 to vector<256x2048xf32>
      %mul3A_94 = arith.mulf %mul3A_93, %sub3A_92 : vector<256x2048xf32>
      %jit3A = arith.constant -1.000000e+30 : f32
      %broadcast_in_dim3A_95 = vector.broadcast %jit3A : f32 to vector<256x2048xf32>
      %select_n3A = arith.select %le3A_75, %mul3A_94, %broadcast_in_dim3A_95 : vector<256x2048xi1>, vector<256x2048xf32>
      %reduce_max3A = arith.constant dense<0xFF800000> : vector<256xf32>
      %reduce_max3A_96 = vector.multi_reduction <maximumf>, %select_n3A, %reduce_max3A [1] : vector<256x2048xf32> to vector<256xf32>
      %broadcast_in_dim3A_97 = vector.shape_cast %reduce_max3A_96 : vector<256xf32> to vector<256x1xf32>
      %sub3A_98 = vector.broadcast %broadcast_in_dim3A_97 : vector<256x1xf32> to vector<256x2048xf32>
      %sub3A_99 = arith.subf %select_n3A, %sub3A_98 : vector<256x2048xf32>
      %exp3A = math.exp %sub3A_99 : vector<256x2048xf32>
      %jit3A_100 = arith.constant 0.000000e+00 : f32
      %broadcast_in_dim3A_101 = vector.broadcast %jit3A_100 : f32 to vector<256x2048xf32>
      %select_n3A_102 = arith.select %le3A_75, %exp3A, %broadcast_in_dim3A_101 : vector<256x2048xi1>, vector<256x2048xf32>
      %convert_element_type3A = arith.truncf %select_n3A_102 : vector<256x2048xf32> to vector<256x2048xbf16>
      %convert_element_type3A_103 = arith.extf %convert_element_type3A : vector<256x2048xbf16> to vector<256x2048xf32>
      %reduce_sum3A = arith.constant dense<0.000000e+00> : vector<256xf32>
      %reduce_sum3A_104 = vector.multi_reduction <add>, %convert_element_type3A_103, %reduce_sum3A [1] : vector<256x2048xf32> to vector<256xf32>
      %broadcast_in_dim3A_105 = vector.shape_cast %reduce_sum3A_104 : vector<256xf32> to vector<256x1xf32>
      %get3A_106 = arith.constant 0 : index
      %get3A_107 = arith.constant 0 : index
      %get3A_108 = vector.load %arg8[%get3A_106, %get3A_107] : memref<2048x256xbf16, #tpu.memory_space<vmem>>, vector<2048x256xbf16>
      %dot_general3A_109 = arith.constant dense<0.000000e+00> : vector<256x256xf32>
      %dot_general3A_110 = tpu.matmul %convert_element_type3A, %get3A_108, %dot_general3A_109 {dimension_numbers = #tpu.dot_dimension_numbers<[1], [0], [0], [1], [0, 0, 1, 1], [], []>, transpose_lhs_hint = false} : vector<256x2048xbf16>, vector<2048x256xbf16>, vector<256x256xf32> -> vector<256x256xf32>
      %div3A = vector.broadcast %broadcast_in_dim3A_105 : vector<256x1xf32> to vector<256x256xf32>
      %div3A_111 = arith.divf %dot_general3A_110, %div3A : vector<256x256xf32>
      %sub3A_112 = arith.subf %div3A_111, %get3A_64 : vector<256x256xf32>
      %mul3A_113 = arith.constant 0.00999999977 : f32
      %mul3A_114 = vector.broadcast %mul3A_113 : f32 to vector<256x256xf32>
      %mul3A_115 = arith.mulf %mul3A_114, %sub3A_112 : vector<256x256xf32>
      %add3A = arith.addf %get3A_64, %mul3A_115 : vector<256x256xf32>
      %mul3A_116 = arith.constant 256 : i32
      %mul3A_117 = arith.muli %scan3A_60, %mul3A_116 : i32
      %swap3A_118 = arith.index_cast %mul3A_117 : i32 to index
      %swap3A_119 = arith.constant 0 : index
      %swap3A_120 = vector.load %arg6[%swap3A_118, %swap3A_119] : memref<2048x256xf32, #tpu.memory_space<vmem>>, vector<256x256xf32>
      tpu.vector_store %arg6[%swap3A_118, %swap3A_119], %add3A {strides = array<i32>} : memref<2048x256xf32, #tpu.memory_space<vmem>>, vector<256x256xf32>,
    }
    %scan3A_47 = arith.constant 8 : i32
    %get3A_48 = arith.constant 0 : index
    %get3A_49 = arith.constant 0 : index
    %get3A_50 = vector.load %arg6[%get3A_48, %get3A_49] : memref<2048x256xf32, #tpu.memory_space<vmem>>, vector<2048x256xf32>
    %swap3A_51 = arith.constant 0 : index
    %swap3A_52 = arith.constant 0 : index
    %swap3A_53 = vector.load %arg5[%swap3A_51, %swap3A_52] : memref<2048x256xf32, #tpu.memory_space<vmem>>, vector<2048x256xf32>
    tpu.vector_store %arg5[%swap3A_51, %swap3A_52], %get3A_50 {strides = array<i32>} : memref<2048x256xf32, #tpu.memory_space<vmem>>, vector<2048x256xf32>,
    %get3A_54 = arith.constant 0 : index
    %get3A_55 = arith.constant 0 : index
    %get3A_56 = vector.load %arg5[%get3A_54, %get3A_55] : memref<2048x256xf32, #tpu.memory_space<vmem>>, vector<2048x256xf32>
    %swap3A_57 = arith.constant 0 : index
    %swap3A_58 = arith.constant 0 : index
    %swap3A_59 = vector.load %arg4[%swap3A_57, %swap3A_58] : memref<2048x256xf32, #tpu.memory_space<vmem>>, vector<2048x256xf32>
    tpu.vector_store %arg4[%swap3A_57, %swap3A_58], %get3A_56 {strides = array<i32>} : memref<2048x256xf32, #tpu.memory_space<vmem>>, vector<2048x256xf32>,
    return
  }
}

module attributes {stable_mosaic.version = 14 : i64} {
  func.func @_prep_kernel(%arg0: memref<2048x256xf32, #tpu.memory_space<vmem>>, %arg1: memref<2048x256xf32, #tpu.memory_space<vmem>>, %arg2: memref<2048x2048xf32, #tpu.memory_space<vmem>>) attributes {dimension_semantics = [], scalar_prefetch = 0 : i64, scratch_operands = 0 : i64, tpu.core_type = #tpu.core_type<tc>} {
    %get3A = arith.constant 0 : index
    %get3A_0 = arith.constant 0 : index
    %get3A_1 = vector.load %arg0[%get3A, %get3A_0] : memref<2048x256xf32, #tpu.memory_space<vmem>>, vector<2048x256xf32>
    %reduce_sum3A = arith.constant dense<0.000000e+00> : vector<256xf32>
    %reduce_sum3A_2 = vector.multi_reduction <add>, %get3A_1, %reduce_sum3A [0] : vector<2048x256xf32> to vector<256xf32>
    %broadcast_in_dim3A = vector.shape_cast %reduce_sum3A_2 : vector<256xf32> to vector<1x256xf32>
    %div3A = arith.constant 2.048000e+03 : f32
    %div3A_3 = vector.broadcast %div3A : f32 to vector<1x256xf32>
    %div3A_4 = arith.divf %broadcast_in_dim3A, %div3A_3 : vector<1x256xf32>
    %sub3A = vector.broadcast %div3A_4 : vector<1x256xf32> to vector<2048x256xf32>
    %sub3A_5 = arith.subf %get3A_1, %sub3A : vector<2048x256xf32>
    %mul3A = arith.mulf %sub3A_5, %sub3A_5 : vector<2048x256xf32>
    %reduce_sum3A_6 = arith.constant dense<0.000000e+00> : vector<256xf32>
    %reduce_sum3A_7 = vector.multi_reduction <add>, %mul3A, %reduce_sum3A_6 [0] : vector<2048x256xf32> to vector<256xf32>
    %broadcast_in_dim3A_8 = vector.shape_cast %reduce_sum3A_7 : vector<256xf32> to vector<1x256xf32>
    %mul3A_9 = arith.constant 4.88519785E-4 : f32
    %mul3A_10 = vector.broadcast %mul3A_9 : f32 to vector<1x256xf32>
    %mul3A_11 = arith.mulf %broadcast_in_dim3A_8, %mul3A_10 : vector<1x256xf32>
    %sqrt3A = math.sqrt %mul3A_11 : vector<1x256xf32>
    %add3A = arith.constant 9.99999993E-9 : f32
    %add3A_12 = vector.broadcast %add3A : f32 to vector<1x256xf32>
    %add3A_13 = arith.addf %sqrt3A, %add3A_12 : vector<1x256xf32>
    %div3A_14 = vector.broadcast %add3A_13 : vector<1x256xf32> to vector<2048x256xf32>
    %div3A_15 = arith.divf %sub3A_5, %div3A_14 : vector<2048x256xf32>
    %swap3A = arith.constant 0 : index
    %swap3A_16 = arith.constant 0 : index
    %swap3A_17 = vector.load %arg1[%swap3A, %swap3A_16] : memref<2048x256xf32, #tpu.memory_space<vmem>>, vector<2048x256xf32>
    tpu.vector_store %arg1[%swap3A, %swap3A_16], %div3A_15 {strides = array<i32>} : memref<2048x256xf32, #tpu.memory_space<vmem>>, vector<2048x256xf32>,
    %mul3A_18 = arith.mulf %div3A_15, %div3A_15 : vector<2048x256xf32>
    %reduce_sum3A_19 = arith.constant dense<0.000000e+00> : vector<2048xf32>
    %reduce_sum3A_20 = vector.multi_reduction <add>, %mul3A_18, %reduce_sum3A_19 [1] : vector<2048x256xf32> to vector<2048xf32>
    %broadcast_in_dim3A_21 = vector.shape_cast %reduce_sum3A_20 : vector<2048xf32> to vector<1x2048xf32>
    %convert_element_type3A = arith.truncf %div3A_15 : vector<2048x256xf32> to vector<2048x256xbf16>
    %scan3A = arith.constant 0 : i32
    %scan3A_22 = arith.constant 8 : i32
    %scan3A_23 = arith.addi %scan3A, %scan3A_22 : i32
    %scan3A_24 = arith.constant 1 : i32
    scf.for %scan3A_26 = %scan3A to %scan3A_23 step %scan3A_24  : i32 {
      %mul3A_27 = arith.constant 256 : i32
      %mul3A_28 = arith.muli %scan3A_26, %mul3A_27 : i32
      %get3A_29 = arith.index_cast %mul3A_28 : i32 to index
      %get3A_30 = arith.constant 0 : index
      %get3A_31 = vector.load %arg1[%get3A_29, %get3A_30] : memref<2048x256xf32, #tpu.memory_space<vmem>>, vector<256x256xf32>
      %convert_element_type3A_32 = arith.truncf %get3A_31 : vector<256x256xf32> to vector<256x256xbf16>
      %dot_general3A = arith.constant dense<0.000000e+00> : vector<256x2048xf32>
      %dot_general3A_33 = tpu.matmul %convert_element_type3A_32, %convert_element_type3A, %dot_general3A {dimension_numbers = #tpu.dot_dimension_numbers<[1], [1], [0], [0], [0, 0, 1, 0], [], []>, transpose_lhs_hint = false} : vector<256x256xbf16>, vector<2048x256xbf16>, vector<256x2048xf32> -> vector<256x2048xf32>
      %mul3A_34 = arith.mulf %get3A_31, %get3A_31 : vector<256x256xf32>
      %reduce_sum3A_35 = arith.constant dense<0.000000e+00> : vector<256xf32>
      %reduce_sum3A_36 = vector.multi_reduction <add>, %mul3A_34, %reduce_sum3A_35 [1] : vector<256x256xf32> to vector<256xf32>
      %broadcast_in_dim3A_37 = vector.shape_cast %reduce_sum3A_36 : vector<256xf32> to vector<256x1xf32>
      %add3A_38 = vector.broadcast %broadcast_in_dim3A_37 : vector<256x1xf32> to vector<256x2048xf32>
      %add3A_39 = vector.broadcast %broadcast_in_dim3A_21 : vector<1x2048xf32> to vector<256x2048xf32>
      %add3A_40 = arith.addf %add3A_38, %add3A_39 : vector<256x2048xf32>
      %mul3A_41 = arith.constant 2.000000e+00 : f32
      %mul3A_42 = vector.broadcast %mul3A_41 : f32 to vector<256x2048xf32>
      %mul3A_43 = arith.mulf %mul3A_42, %dot_general3A_33 : vector<256x2048xf32>
      %sub3A_44 = arith.subf %add3A_40, %mul3A_43 : vector<256x2048xf32>
      %max3A = arith.constant 0.000000e+00 : f32
      %max3A_45 = vector.broadcast %max3A : f32 to vector<256x2048xf32>
      %max3A_46 = arith.maximumf %sub3A_44, %max3A_45 : vector<256x2048xf32>
      %iota3A = tpu.iota {dimensions = array<i32: 1>} : vector<256x2048xi32>
      %mul3A_47 = arith.constant 256 : i32
      %mul3A_48 = arith.muli %scan3A_26, %mul3A_47 : i32
      %iota3A_49 = tpu.iota {dimensions = array<i32: 0>} : vector<256x2048xi32>
      %add3A_50 = vector.broadcast %mul3A_48 : i32 to vector<256x2048xi32>
      %add3A_51 = arith.addi %add3A_50, %iota3A_49 : vector<256x2048xi32>
      %eq3A = arith.cmpi eq, %iota3A, %add3A_51 : vector<256x2048xi32>
      %jit3A = arith.constant 0x7F800000 : f32
      %broadcast_in_dim3A_52 = vector.broadcast %jit3A : f32 to vector<256x2048xf32>
      %select_n3A = arith.select %eq3A, %broadcast_in_dim3A_52, %max3A_46 : vector<256x2048xi1>, vector<256x2048xf32>
      %mul3A_53 = arith.constant 256 : i32
      %mul3A_54 = arith.muli %scan3A_26, %mul3A_53 : i32
      %swap3A_55 = arith.index_cast %mul3A_54 : i32 to index
      %swap3A_56 = arith.constant 0 : index
      %swap3A_57 = vector.load %arg2[%swap3A_55, %swap3A_56] : memref<2048x2048xf32, #tpu.memory_space<vmem>>, vector<256x2048xf32>
      tpu.vector_store %arg2[%swap3A_55, %swap3A_56], %select_n3A {strides = array<i32>} : memref<2048x2048xf32, #tpu.memory_space<vmem>>, vector<256x2048xf32>,
    }
    %scan3A_25 = arith.constant 8 : i32
    return
  }
}

</mosaic_0001>

<sc_bundles>
// kernel: kernel.5.cloned.1.call-start
scs
__scs_entry_jumppad:
0x0: {  	(pc) =	sbr.rel $0x88, $3  }
0x1: {  	(tag) =	ssettag $0x0;
	lr =	simm.s32 $0x1  }
0x2: {  	[smem:$0x3F9F] =	sst lr;
	_ =	strace $0xD0000000  }
0x3: {  	_ = 	snop  }
0x4: {  	_ = 	snop  }
0x5: {  	_ = 	snop  }
0x6: {  	_ = 	snop  }
0x7: {  	_ = 	snop  }
__scs_overlays_trampoline_lowered:
0x8: {  	[smem:$0x3FAE] =	sst s0  }
0x9: {  	[smem:$0x3FAF] =	sst s1  }
0xa: {  	[smem:$0x3FB0] =	sst s2  }
0xb: {  	[smem:$0x3FB1] =	sst s3  }
0xc: {  	[smem:$0x3FB2] =	sst s4  }
0xd: {  	[smem:$0x3FB3] =	sst s5  }
0xe: {  	[smem:$0x3FB4] =	sst s6  }
0xf: {  	[smem:$0x3FB5] =	sst s7  }
0x10: {  	[smem:$0x3FB6] =	sst s8  }
0x11: {  	[smem:$0x3FB7] =	sst s9;
	s0 =	simm.s32 @!p0 $0x0  }
0x12: {  	s1 =	sld [smem:$0x3F9D];
	s0 =	simm.s32 @p0 $0x1  }
0x13: {  	[smem:$0x3FB8] =	sst s0;
	s0 =	simm.s32 @!p1 $0x0  }
0x14: {  	s2 =	sld [smem:$0x3F9C];
	s0 =	simm.s32 @p1 $0x1  }
0x15: {  	[smem:$0x3FB9] =	sst s0;
	s0 =	simm.s32 @!p2 $0x0  }
0x16: {  	s3 =	sld [smem:$0x3FDB];
	s0 =	simm.s32 @p2 $0x1  }
0x17: {  	s4 =	simm.s32 $0x1BF5;
	[smem:$0x3FBB] =	sst s0  }
0x18: {  	s0 =	sld [smem:$0x3F9E];
	_ =	swait.ge [sflag:s4], $0x0  }
0x19: {  	s7 =	sld [smem:$0x3F9F]  }
0x1a: {  	s8 =	sadd.s32 $0xFFFFE003, lr  }
0x1b: {  	s9 =	sadd.s32 $0xFFFFFEF7, lr;
	s5 =	simm.s32 $0xFFFFFFFF;
	p2 =	slt.u32 s8, $0xFFFFF086  }
0x1c: {  	p1 =	slt.u32 s9, $0xF7A;
	s5 =	simm.s32 @!p2 $0x0  }
0x1d: {  	s5 =	simm.s32 @p1 $0x1;
	p0 =	seq.s32 s7, s2  }
0x1e: {  	s7 =	smul.u32 @!p0 $0xF7A, s2;
	p2 =	seq.s32 @!p0 s5, $0x0  }
0x1f: {  	s9 =	smul.u32 $0xF7A, s1;
	s8 =	simm.s32 @!p0 $0x1BF5;
	p2 =	por !p2, p0  }
0x20: {  	[sflag:s8] =	ssyncset.s32 @!p0 $0xFFFFF086;
	s6 =	sadd.s32 @!p0 s3, s7;
	s7 =	simm.s32 @!p0 $0x108  }
0x21: {  	s3 =	sadd.s32 s3, s9;
	s6 =	sadd.s32 @!p0 $0x88, s6;
	s7 =	simm.s32 @p2 $0x1082  }
0x22: {  	[simem:s7], [sflag:s8] =	dma.local @!p0 [hbm:s6], $0xF7A  }
0x23: {  	s9 =	sor.u32 $0xD0000000, s2;
	s6 =	simm.s32 $0x108;
	_ =	swait.ge @!p0 [sflag:s8], $0x0  }
0x24: {  	s3 =	sadd.s32 $0x88, s3;
	s6 =	simm.s32 @!p1 $0x1082;
	[sflag:s4] =	ssyncset.s32 $0xFFFFF086  }
0x25: {  	[simem:s6], [sflag:s4] =	dma.local [hbm:s3], $0xF7A  }
0x26: {  	[smem:$0x3F9F] =	sst s1;
	(tag) =	ssettag s2;
	_ =	strace s9  }
0x27: {  	s1 =	sld [smem:$0x3FAF]  }
0x28: {  	s2 =	sld [smem:$0x3FB0]  }
0x29: {  	s4 =	sld [smem:$0x3FB2]  }
0x2a: {  	p0 =	seq.s32 s5, $0x0;
	s5 =	sld [smem:$0x3FB3]  }
0x2b: {  	s6 =	sld [smem:$0x3FB4]  }
0x2c: {  	s7 =	sld [smem:$0x3FB5]  }
0x2d: {  	s3 =	simm.s32 $0x108;
	s8 =	sld [smem:$0x3FB6]  }
0x2e: {  	s3 =	simm.s32 @!p0 $0x1082;
	s9 =	sld [smem:$0x3FB7]  }
0x2f: {  	lr =	sadd.s32 s0, s3;
	s0 =	sld [smem:$0x3FAE]  }
0x30: {  	s3 =	sld [smem:$0x3FB1]  }
0x31: {  	[smem:$0x3FBA] =	sst s10  }
0x32: {  	s10 =	sld [smem:$0x3FB8];
	_ =	sdelay $0x3  }
0x33: {  	p0 =	seq.s32 s10, $0x1;
	s10 =	sld [smem:$0x3FBA];
	_ =	sdelay $0x3  }
0x34: {  	[smem:$0x3FBA] =	sst s10  }
0x35: {  	s10 =	sld [smem:$0x3FB9];
	_ =	sdelay $0x3  }
0x36: {  	p1 =	seq.s32 s10, $0x1;
	s10 =	sld [smem:$0x3FBA];
	_ =	sdelay $0x3  }
0x37: {  	[smem:$0x3FBA] =	sst s10  }
0x38: {  	s10 =	sld [smem:$0x3FBB]  }
0x39: {  	_ = 	snop;
	(pc) =	sbr.ind lr, $3  }
0x3a: {  	_ = 	snop  }
0x3b: {  	_ = 	snop  }
0x3c: {  	p2 =	seq.s32 s10, $0x1;
	s10 =	sld [smem:$0x3FBA]  }
0x3d: {  	_ =	shalt  }
0x3e: {  	_ =	shalt  }
0x3f: {  	_ =	shalt  }
0x40: {  	_ =	shalt  }
0x41: {  	_ =	shalt  }
0x42: {  	_ =	shalt  }
0x43: {  	_ =	shalt  }
0x44: {  	_ =	shalt  }
0x45: {  	_ =	shalt  }
0x46: {  	_ =	shalt  }
0x47: {  	_ =	shalt  }
0x48: {  	_ =	shalt  }
0x49: {  	_ =	shalt  }
0x4a: {  	_ =	shalt  }
0x4b: {  	_ =	shalt  }
0x4c: {  	_ =	shalt  }
0x4d: {  	_ =	shalt  }
0x4e: {  	_ =	shalt  }
0x4f: {  	_ =	shalt  }
0x50: {  	_ =	shalt  }
0x51: {  	_ =	shalt  }
0x52: {  	_ =	shalt  }
0x53: {  	_ =	shalt  }
0x54: {  	_ =	shalt  }
0x55: {  	_ =	shalt  }
0x56: {  	_ =	shalt  }
0x57: {  	_ =	shalt  }
0x58: {  	_ =	shalt  }
0x59: {  	_ =	shalt  }
0x5a: {  	_ =	shalt  }
0x5b: {  	_ =	shalt  }
0x5c: {  	_ =	shalt  }
0x5d: {  	_ =	shalt  }
0x5e: {  	_ =	shalt  }
0x5f: {  	_ =	shalt  }
0x60: {  	_ =	shalt  }
0x61: {  	_ =	shalt  }
0x62: {  	_ =	shalt  }
0x63: {  	_ =	shalt  }
0x64: {  	_ =	shalt  }
0x65: {  	_ =	shalt  }
0x66: {  	_ =	shalt  }
0x67: {  	_ =	shalt  }
0x68: {  	_ =	shalt  }
0x69: {  	_ =	shalt  }
0x6a: {  	_ =	shalt  }
0x6b: {  	_ =	shalt  }
0x6c: {  	_ =	shalt  }
0x6d: {  	_ =	shalt  }
0x6e: {  	_ =	shalt  }
0x6f: {  	_ =	shalt  }
0x70: {  	_ =	shalt  }
0x71: {  	_ =	shalt  }
0x72: {  	_ =	shalt  }
0x73: {  	_ =	shalt  }
0x74: {  	_ =	shalt  }
0x75: {  	_ =	shalt  }
0x76: {  	_ =	shalt  }
0x77: {  	_ =	shalt  }
0x78: {  	_ =	shalt  }
0x79: {  	_ =	shalt  }
0x7a: {  	_ =	shalt  }
0x7b: {  	_ =	shalt  }
0x7c: {  	_ =	shalt  }
0x7d: {  	_ =	shalt  }
0x7e: {  	_ =	shalt  }
0x7f: {  	_ =	shalt  }
0x80: {  	_ =	shalt  }
0x81: {  	_ =	shalt  }
0x82: {  	_ =	shalt  }
0x83: {  	_ =	shalt  }
0x84: {  	_ =	shalt  }
0x85: {  	_ =	shalt  }
0x86: {  	_ =	shalt  }
0x87: {  	_ =	shalt  }
.Lfunc_end0:
.L_simem_size_0:
called_computation_lowered:
.L_overlay_start_0:
0x88: {  	s2 =	sld [smem:$0x3FD9]  }
0x89: {  	s3 =	sld [smem:$0x3FFE];
	_ =	sdelay $0x1  }
0x8a: {  	s1 =	srdreg.scid  }
0x8b: {  	s0 =	sand.u32 $0x1, s1  }
0x8c: {  	s17 =	sshll.u32 s0, $0xA;
	s2 =	sadd.s32 s3, s2  }
0x8d: {  	s2 =	sadd.s32 s2, s17  }
0x8e: {  	[smem:$0x3FC6] =	sst s2  }
0x8f: {  	_ = 	snop  }
0x90: {  	s2 =	sld [smem:$0x3FD0];
	(tm) =	ssettm $0x1  }
0x91: {  	s18 =	sld [smem:$0x3FFB];
	_ =	sdelay $0x3  }
0x92: {  	_ =	strace s18  }
0x93: {  	s3 =	sld [smem:$0x3FFC];
	_ =	sdelay $0x3  }
0x94: {  	_ =	strace s3  }
0x95: {  	s3 =	sld [smem:$0x3FFD];
	_ =	sdelay $0x3  }
0x96: {  	_ =	strace s3  }
0x97: {  	_ =	strace $0x8FFFFFFF  }
0x98: {  	s19 =	sld [smem:$0x3FDB];
	_ =	sdelay $0x1  }
0x99: {  	s4 =	simm.s32 $_scs_section_size  }
0x9a: {  	s5 =	simm.s32 $_size__tile_overlayer_lowered;
	s6 =	simm.s32 $_tile_overlayer_lowered  }
0x9b: {  	s22 =	simm.s32 $0x1BFF;
	s21 =	sshll.u32 s6, $0x1;
	s3 =	sadd.s32 s4, s19  }
0x9c: {  	s7 =	simm.s32 $0x0;
	s20 =	sshll.u32 s5, $0x1;
	s5 =	sadd.s32 s21, s3  }
0x9d: {  	[timem:s7], [sflag:s22] =	dma.local [hbm:s5], s20  }
0x9e: {  	_ =	swait.ge [sflag:s22], s20  }
0x9f: {  	s4 =	ssub.s32 $0x0, s20;
	[sflag:s22] =	ssyncset.done $0x0  }
0xa0: {  	[sflag:s22] =	ssyncadd.s32 s4;
	_ =	sdelay $0x1  }
0xa1: {  	s23 =	simm.s32 $0x1B8B  }
0xa2: {  	_ =	swait.ge [sflag:s23], $0x1  }
0xa3: {  	[sflag:s23] =	ssyncset.done $0x0  }
0xa4: {  	s25 =	simm.s32 $0x1B8E;
	s24 =	sld [smem:$0x3FFE];
	[sflag:s23] =	ssyncadd.s32 $0xFFFFFFFF  }
0xa5: {  	s26 =	simm.s32 $execute0_lowered;
	[smem:$0x3FD2] =	sst s25  }
0xa6: {  	s5 =	sshll.u32 s26, $0x1;
	_ =	strace $0x80000046;
	[dreg:$0x1] =	wrdreg $0xFFFFFFFF  }
0xa7: {  	s28 =	simm.s32 $_size_execute0_lowered;
	s3 =	sadd.s32 s3, s5;
	[dreg:$0x0] =	wrdreg $0x0  }
0xa8: {  	s5 =	sshll.u32 s28, $0x1;
	[dreg:$0x2] =	wrdreg s3  }
0xa9: {  	[dreg:$0x3] =	wrdreg s5  }
0xaa: {  	[dreg:$0x4] =	wrdreg $0xC0  }
0xab: {  	_ =	task [dreg:s7], $0x5FFFF  }
0xac: {  	[dreg:$0x1] =	wrdreg $0xFFFFFFFF  }
0xad: {  	[dreg:$0x0] =	wrdreg $0x60  }
0xae: {  	[dreg:$0x2] =	wrdreg s24  }
0xaf: {  	[dreg:$0x3] =	wrdreg s2  }
0xb0: {  	[dreg:$0x4] =	wrdreg $0x9  }
0xb1: {  	_ =	task.clear_ibuf [dreg:s7], $0x5FFFF;
	_ =	strace $0x90000046  }
0xb2: {  	s29 =	simm.s32 $0x9;
	_ =	strace $0x80000048  }
0xb3: {  	_ =	swait.ge [sflag:s29], $0x1  }
0xb4: {  	[sflag:s29] =	ssyncadd.s32 $0xFFFFFFFF  }
0xb5: {  	_ =	strace $0x90000048  }
0xb6: {  	_ =	sfence  }
0xb7: {  	s30 =	sld [smem:$0x0];
	_ =	sdelay $0x2  }
0xb8: {  	s31 =	sshll.u32 s1, $0xD;
	s1 =	sshrl.u32 s1, $0x2  }
0xb9: {  	s3 =	sand.u32 $0x4000, s31;
	s1 =	sadd.s32 s1, s30  }
0xba: {  	s0 =	sor.u32 s3, s0;
	s1 =	sshll.u32 s1, $0x11  }
0xbb: {  	s0 =	sor.u32 s1, s0  }
0xbc: {  	s0 =	sadd.s32 $0x8F2B, s0  }
0xbd: {  	[sflag:s0] =	ssyncadd.remote.s32 $0x1  }
0xbe: {  	_ =	sfence.sel $0xFFFF  }
0xbf: {  	[dreg:$0x0] =	wrdreg $0xFFFFFFFF;
	(pc) =	sbr.abs _section_cstart, $3  }
0xc0: {  	[dreg:$0x1] =	wrdreg $0xFFFFFFFF  }
0xc1: {  	_ =	task.clear_ibuf [dreg:s7], $0x2FFFF;
	_ =	strace $0x9FFFFFFF  }
0xc2: {  	(tm) =	ssettm $0x7FFFFFFF  }
0xc3: {  	_ =	shalt  }
tec
execute0_lowered:
.L_overlay_start_1:
0x0: {  	(tag) =	ssettag $0x1  }
0x1: {  	s4 =	rddreg [dreg:$0x0]  }
0x2: {  	s8 =	rddreg [dreg:$0x1]  }
0x3: {  	s0 =	rddreg [dreg:$0x2];
	s3 =	srdreg.scid;
	s2 =	simm.s32 $0x0  }
0x4: {  	s1 =	stileid.u32;
	s11 =	simm.s32 $0x400;
	s12 =	simm.s32 $0x800  }
0x5: {  	s13 =	simm.s32 $0x1;
	s14 =	simm.s32 $0x2;
	s15 =	simm.s32 $0x1000  }
0x6: {  	s16 =	simm.s32 $0x3;
	s17 =	simm.s32 $0x0;
	s3 =	sand.u32 $0x1, s3  }
0x7: {  	[smem:$0x7FF] =	sst s2;
	s5 =	sshll.u32 s1, $0x7;
	s4 =	sadd.s32 $0x1A00, s4  }
.Ltmp0:
0x8: {  	s6 =	sshll.u32 s3, $0x6;
	s7 =	ssub.s32 $0x2, s3;
	(pc) =	sbr.rel .LBB2_1-.Ltmp0, $4  }
0x9: {  	v0 =	vlaneseq.u32;
	_ =	strace $0x80000047;
	s3 =	sor.u32 s6, s5;
	s31 =	sshrl.u32 s7, $0x1  }
0xa: {  	v1 =	vmul.u32 $0xFFFFFFFF, v0;
	s6 =	sshll.u32 s3, $0x8;
	s9 =	ssub.s32 s7, s31;
	s10 =	sshrl.u32 s3, $0x3  }
0xb: {  	s5 =	sadd.s32 s4, s6;
	s6 =	sor.u32 $0x3F, s3;
	s8 =	sadd.s32 s8, s10  }
0xc: {  	v1 =	vadd.s32 $0xF, v1;
	s9 =	smax.u32 s9, $0x1;
	s10 =	simm.s32 $0x80;
	s7 =	sadd.s32 $0x10, s5  }
.LBB2_25:
0xd: {  	s17 =	sadd.s32 $0x1, s17  }
0xe: {  	p0 =	sne.s32 s17, s9  }
.Ltmp1:
0xf: {  	_ = 	snop;
	(pc) =	sbr.rel @!p0 .LBB2_26-.Ltmp1, $4  }
0x10: {  	[hbm4b:s8+s2] =	stream.linear.scatter [tilespmem:s15], [sflag:$0x3], $0x40, $0x38;
	[tilespmem:$0x1080] =	vst v63  }
0x11: {  	_ =	swait.ge [sflag:s16], $0x40  }
0x12: {  	[sflag:s16] =	ssyncset.done $0x0  }
0x13: {  	[sflag:s16] =	ssyncadd.s32 $0xFFFFFFC0  }
.LBB2_1:
.Ltmp2:
0x14: {  	(pc) =	sbr.rel .LBB2_2-.Ltmp2, $4  }
0x15: {  	_ = 	snop  }
0x16: {  	[tilespmem:s2], [sflag:$0x1] =	stream.strided.gather [hbm4b:s5+s10], $0x800, s11, s10, $0x38;
	[tilespmem:$0x1080] =	vst v63  }
0x17: {  	s18 =	simm.s32 $0x0  }
0x18: {  	[tilespmem:s12], [sflag:$0x2] =	stream.strided.gather [hbm4b:s7+s10], $0x800, s11, s10, $0x38;
	[tilespmem:$0x1080] =	vst v63  }
.LBB2_24:
0x19: {  	s20 =	sadd.s32 $0x3, s20  }
0x1a: {  	p0 =	sgt.u32 s20, s6  }
0x1b: {  	s23 =	sshll.u32 @!p0 s20, $0x4  }
0x1c: {  	s20 =	sshll.u32 @!p0 s20, $0x8;
	s23 =	sand.u32 @!p0 $0x70, s23  }
0x1d: {  	s24 =	simm.s32 @!p0 $0x400;
	s20 =	sand.u32 @!p0 $0xFFFF800, s20;
	s23 =	sadd.s32 @!p0 s4, s23  }
0x1e: {  	s25 =	simm.s32 @!p0 $0x800;
	s20 =	sadd.s32 @!p0 s20, s23;
	s23 =	simm.s32 @!p0 $0x80  }
0x1f: {  	[tilespmem:s25], [sflag:$0x2] =	stream.strided.gather @!p0 [hbm4b:s20+s23], $0x800, s24, s23, $0x38;
	[tilespmem:$0x1080] =	vst v63  }
0x20: {  	s18 =	sadd.s32 $0x1, s18;
	v2 =	vld [tilespmem:s19+$0x1000]  }
0x21: {  	p0 =	sne.s32 s18, $0x20  }
.Ltmp3:
0x22: {  	s31 =	sor.u32 $0x1, s21;
	(pc) =	sbr.rel @!p0 .LBB2_25-.Ltmp3, $4  }
0x23: {  	v3 =	vmov s31  }
0x24: {  	vm0 =	veq.s32 v3, v0  }
0x25: {  	v2 =	vsel vm0, s22, v2  }
0x26: {  	[tilespmem:s19+$0x1000] =	vst v2  }
.LBB2_2:
0x27: {  	_ =	swait.ge [sflag:s13], $0x800  }
0x28: {  	[sflag:s13] =	ssyncset.done $0x0  }
0x29: {  	s19 =	simm.s32 $0x40;
	[sflag:s13] =	ssyncadd.s32 $0xFFFFF800  }
0x2a: {  	v2 =	vld [tilespmem:s19+$0xFFFFFFC0]  }
0x2b: {  	v3 =	vld [tilespmem:s19+$0xFFFFFFD0];
	_ =	sdelay $0x1  }
0x2c: {  	v4 =	vld [tilespmem:s19+$0xFFFFFFE0]  }
0x2d: {  	v5 =	vimm.f32 $3.402823470e+38  }
0x2e: {  	v8 =	vld [tilespmem:s19+$0xFFFFFFF0];
	v6 =	vmin.f32 v5, v2;
	v2 =	vmax.f32 v5, v2  }
0x2f: {  	v7 =	vmin.f32 v5, v2;
	v2 =	vmax.f32 v5, v2;
	v9 =	vmax.f32 v6, v3  }
0x30: {  	v3 =	vmin.f32 v6, v3;
	v10 =	vmin.f32 v5, v2;
	v11 =	vmin.f32 v7, v9  }
0x31: {  	v6 =	vld [tilespmem:s19+$0x0];
	v7 =	vmax.f32 v7, v9;
	v2 =	vmax.f32 v5, v2;
	v9 =	vmax.f32 v3, v4  }
0x32: {  	v3 =	vmin.f32 v3, v4;
	v4 =	vmin.f32 v10, v7;
	v13 =	vmax.f32 v11, v9  }
0x33: {  	v12 =	vld [tilespmem:s19+$0x10];
	v7 =	vmax.f32 v10, v7;
	v9 =	vmin.f32 v11, v9;
	v14 =	vmin.f32 v3, v8  }
0x34: {  	v10 =	vld [tilespmem:s19+$0x20];
	v11 =	vmin.f32 v4, v13;
	v4 =	vmax.f32 v4, v13;
	v13 =	vmin.f32 v5, v2  }
0x35: {  	v3 =	vmax.f32 v3, v8;
	v2 =	vmax.f32 v5, v2;
	v8 =	vmax.f32 v13, v7  }
0x36: {  	v15 =	vld [tilespmem:s19+$0x30];
	v7 =	vmin.f32 v13, v7;
	v16 =	vmin.f32 v14, v6;
	v6 =	vmax.f32 v14, v6  }
0x37: {  	v14 =	vmax.f32 v9, v3;
	v18 =	vmin.f32 v7, v4;
	v4 =	vmax.f32 v7, v4  }
0x38: {  	v3 =	vmin.f32 v9, v3;
	v17 =	vmin.f32 v16, v12;
	v12 =	vmax.f32 v16, v12  }
0x39: {  	v13 =	vmax.f32 v11, v14;
	v11 =	vmin.f32 v11, v14;
	v16 =	vmin.f32 v17, v10  }
0x3a: {  	v7 =	vmax.f32 v17, v10;
	v17 =	vmin.f32 v18, v13;
	v13 =	vmax.f32 v18, v13  }
0x3b: {  	v9 =	vmin.f32 v16, v15;
	v10 =	vmax.f32 v16, v15;
	v15 =	vmin.f32 v3, v6  }
0x3c: {  	v3 =	vmax.f32 v3, v6;
	v6 =	vmax.f32 v5, v2;
	v2 =	vmin.f32 v5, v2  }
0x3d: {  	v16 =	vmin.f32 v15, v12;
	v12 =	vmax.f32 v15, v12;
	v14 =	vmin.f32 v2, v8  }
0x3e: {  	v2 =	vmax.f32 v2, v8;
	v8 =	vmax.f32 v11, v3;
	v3 =	vmin.f32 v11, v3  }
0x3f: {  	v15 =	vmin.f32 v14, v4;
	v18 =	vmax.f32 v17, v8;
	v19 =	vmax.f32 v16, v7  }
0x40: {  	v7 =	vmin.f32 v16, v7;
	v8 =	vmin.f32 v17, v8;
	v11 =	vmin.f32 v3, v12  }
0x41: {  	v3 =	vmax.f32 v3, v12;
	v20 =	vmin.f32 v15, v13;
	v16 =	vmax.f32 v7, v10  }
0x42: {  	v12 =	vmin.f32 v11, v19;
	v17 =	vmin.f32 v8, v3;
	v11 =	vmax.f32 v11, v19  }
0x43: {  	v7 =	vmin.f32 v7, v10;
	v3 =	vmax.f32 v8, v3;
	v13 =	vmax.f32 v15, v13  }
0x44: {  	v19 =	vmin.f32 v12, v16;
	v21 =	vmin.f32 v17, v11;
	v12 =	vmax.f32 v12, v16  }
0x45: {  	s31 =	simm.s32 $0xC0;
	v16 =	vmin.f32 v20, v18;
	v10 =	vmax.f32 v17, v11;
	v8 =	vmin.f32 v21, v12  }
0x46: {  	v17 =	vld [tilespmem:s31+$0xFFFFFFC0];
	v11 =	vmin.f32 v16, v3;
	v12 =	vmax.f32 v21, v12;
	v21 =	vmin.f32 v5, v6  }
0x47: {  	v6 =	vmax.f32 v5, v6;
	v23 =	vmax.f32 v16, v3;
	v3 =	vmax.f32 v14, v4  }
0x48: {  	v4 =	vmax.f32 v20, v18;
	v16 =	vmin.f32 v11, v10;
	v18 =	vmin.f32 v21, v2  }
0x49: {  	v14 =	vld [tilespmem:s31+$0xFFFFFFD0];
	v2 =	vmax.f32 v21, v2;
	v58 =	vmax.f32 v11, v10;
	v20 =	vmax.f32 v16, v12  }
0x4a: {  	v21 =	vmin.f32 v18, v3;
	v12 =	vmin.f32 v16, v12;
	v15 =	vmax.f32 v18, v3  }
0x4b: {  	v3 =	vmin.f32 v21, v13;
	v13 =	vmax.f32 v21, v13;
	v18 =	vmin.f32 v9, v17  }
0x4c: {  	v9 =	vmax.f32 v9, v17;
	v17 =	vmax.f32 v5, v6;
	v6 =	vmin.f32 v5, v6  }
0x4d: {  	v16 =	vld [tilespmem:s31+$0xFFFFFFE0];
	v26 =	vmax.f32 v3, v4;
	v21 =	vmin.f32 v7, v9;
	v7 =	vmax.f32 v7, v9  }
0x4e: {  	v22 =	vmax.f32 v18, v14;
	v24 =	vmin.f32 v6, v2;
	v14 =	vmin.f32 v18, v14  }
0x4f: {  	v2 =	vmax.f32 v6, v2;
	v5 =	vmin.f32 v5, v17;
	v9 =	vmin.f32 v19, v7  }
0x50: {  	v25 =	vmin.f32 v21, v22;
	v21 =	vmax.f32 v21, v22;
	v7 =	vmax.f32 v19, v7  }
0x51: {  	v22 =	vld [tilespmem:s31+$0xFFFFFFF0];
	v19 =	vmin.f32 v3, v4;
	v55 =	vmin.f32 v24, v15;
	v2 =	vmin.f32 v5, v2  }
0x52: {  	v5 =	vmax.f32 v24, v15;
	v6 =	vmin.f32 v14, v16;
	v14 =	vmax.f32 v14, v16  }
0x53: {  	v16 =	vld [tilespmem:s31+$0x0];
	v3 =	vmin.f32 v9, v21;
	v18 =	vmin.f32 v25, v14;
	v14 =	vmax.f32 v25, v14  }
0x54: {  	v4 =	vmax.f32 v9, v21;
	v9 =	vld [tilespmem:s31+$0x10];
	v2 =	vmin.f32 v2, v5;
	v27 =	vmin.f32 v3, v14  }
0x55: {  	v3 =	vmax.f32 v3, v14;
	v14 =	vmin.f32 v8, v7;
	v7 =	vmax.f32 v8, v7  }
0x56: {  	v28 =	vmax.f32 v14, v4;
	v4 =	vmin.f32 v14, v4;
	v17 =	vmin.f32 v6, v22  }
0x57: {  	v21 =	vld [tilespmem:s31+$0x20];
	v6 =	vmax.f32 v6, v22;
	v31 =	vmin.f32 v4, v3;
	v4 =	vmax.f32 v4, v3  }
0x58: {  	v29 =	vmin.f32 v17, v16;
	v16 =	vmax.f32 v17, v16;
	v17 =	vmax.f32 v18, v6  }
0x59: {  	v22 =	vld [tilespmem:s31+$0x30];
	v6 =	vmin.f32 v18, v6;
	v30 =	vmin.f32 v29, v9;
	v29 =	vmax.f32 v29, v9  }
0x5a: {  	v14 =	vmax.f32 v27, v17;
	v8 =	vmin.f32 v6, v16;
	v6 =	vmax.f32 v6, v16  }
0x5b: {  	v16 =	vmin.f32 v55, v13;
	v13 =	vmax.f32 v55, v13;
	v17 =	vmin.f32 v27, v17  }
0x5c: {  	v9 =	vmin.f32 v30, v21;
	v21 =	vmax.f32 v30, v21;
	v56 =	vmin.f32 v31, v14  }
0x5d: {  	v57 =	vmin.f32 v16, v26;
	v5 =	vmax.f32 v16, v26;
	v2 =	vmin.f32 v2, v13  }
0x5e: {  	v10 =	vmax.f32 v31, v14;
	v62 =	vmin.f32 v2, v5;
	v3 =	vmin.f32 v9, v22  }
0x5f: {  	v18 =	vmax.f32 v9, v22;
	v9 =	vmax.f32 v12, v7;
	v7 =	vmin.f32 v12, v7  }
0x60: {  	v22 =	vmin.f32 v8, v29;
	v8 =	vmax.f32 v8, v29;
	v14 =	vmin.f32 v7, v28  }
0x61: {  	v12 =	vmax.f32 v7, v28;
	v7 =	vmax.f32 v17, v6;
	v59 =	vmax.f32 v22, v21  }
0x62: {  	v6 =	vmin.f32 v17, v6;
	v17 =	vmin.f32 v22, v21;
	v11 =	vmin.f32 v14, v4  }
0x63: {  	v15 =	vmax.f32 v56, v7;
	v7 =	vmin.f32 v56, v7;
	v21 =	vmin.f32 v6, v8  }
0x64: {  	v22 =	vmax.f32 v17, v18;
	v6 =	vmax.f32 v6, v8;
	v18 =	vmin.f32 v17, v18  }
0x65: {  	v8 =	vmin.f32 v21, v59;
	v60 =	vmin.f32 v7, v6;
	v26 =	vmax.f32 v21, v59  }
0x66: {  	v16 =	vmin.f32 v11, v10;
	v13 =	vmin.f32 v8, v22;
	v61 =	vmin.f32 v60, v26  }
0x67: {  	v8 =	vmax.f32 v8, v22;
	v21 =	vmin.f32 v16, v15;
	v22 =	vmax.f32 v7, v6  }
0x68: {  	v2 =	vmax.f32 v60, v26;
	v6 =	vmax.f32 v19, v23;
	v7 =	vmin.f32 v19, v23  }
0x69: {  	v5 =	vmin.f32 v61, v8;
	v17 =	vmin.f32 v57, v6;
	v6 =	vmax.f32 v57, v6  }
0x6a: {  	v23 =	vmax.f32 v7, v58;
	v19 =	vmin.f32 v62, v6;
	v6 =	vmin.f32 v7, v58  }
0x6b: {  	v24 =	vmin.f32 v17, v23;
	v63 =	vmax.f32 v17, v23;
	v23 =	vmax.f32 v61, v8  }
0x6c: {  	v7 =	vmin.f32 v6, v20;
	v6 =	vmax.f32 v6, v20;
	v19 =	vmin.f32 v19, v63  }
0x6d: {  	s20 =	simm.s32 $0x140;
	s19 =	simm.s32 $0x8;
	v20 =	vmin.f32 v24, v6;
	v17 =	vmax.f32 v24, v6;
	v6 =	vmin.f32 v21, v22  }
.LBB2_3:
0x6e: {  	v24 =	vld [tilespmem:s20+$0xFFFFFFC0];
	s19 =	sadd.s32 $0x8, s19;
	v8 =	vmin.f32 v7, v9;
	v9 =	vmax.f32 v7, v9;
	v7 =	vmax.f32 v21, v22  }
0x6f: {  	v4 =	vmax.f32 v14, v4;
	v14 =	vmax.f32 v16, v15;
	v15 =	vmin.f32 v6, v2;
	v21 =	vld [tilespmem:s20+$0xFFFFFFD0];
	p0 =	slt.u32 s19, $0x78  }
0x70: {  	v16 =	vmin.f32 v8, v12;
	v12 =	vmax.f32 v8, v12;
	v8 =	vmax.f32 v15, v23  }
0x71: {  	v10 =	vmax.f32 v11, v10;
	v11 =	vmin.f32 v15, v23;
	v25 =	vmin.f32 v16, v4;
	v22 =	vld [tilespmem:s20+$0xFFFFFFE0]  }
0x72: {  	v15 =	vmax.f32 v16, v4;
	v4 =	vmin.f32 v25, v10;
	v10 =	vmax.f32 v25, v10  }
0x73: {  	v23 =	vmax.f32 v20, v9;
	v16 =	vmin.f32 v3, v24;
	v3 =	vmax.f32 v3, v24  }
0x74: {  	v9 =	vmin.f32 v20, v9;
	v24 =	vmin.f32 v18, v3;
	v3 =	vmax.f32 v18, v3;
	v18 =	vld [tilespmem:s20+$0xFFFFFFF0]  }
0x75: {  	v26 =	vmin.f32 v9, v12;
	v25 =	vmax.f32 v16, v21;
	v20 =	vmin.f32 v13, v3  }
0x76: {  	v27 =	vmin.f32 v24, v25;
	v24 =	vmax.f32 v24, v25;
	v25 =	vmax.f32 v4, v14  }
0x77: {  	v12 =	vmax.f32 v9, v12;
	v13 =	vmax.f32 v13, v3;
	v3 =	vmin.f32 v16, v21  }
0x78: {  	v28 =	vmin.f32 v4, v14;
	v9 =	vmin.f32 v3, v22;
	v3 =	vmax.f32 v3, v22;
	v16 =	vld [tilespmem:s20+$0x0]  }
0x79: {  	v17 =	vmin.f32 v19, v17;
	v4 =	vmin.f32 v20, v24;
	v14 =	vmax.f32 v20, v24;
	v20 =	vld [tilespmem:s20+$0x10]  }
0x7a: {  	v22 =	vmin.f32 v26, v15;
	v19 =	vmin.f32 v27, v3;
	v3 =	vmax.f32 v27, v3;
	v21 =	vld [tilespmem:s20+$0x20]  }
0x7b: {  	v17 =	vmin.f32 v17, v23;
	v24 =	vmin.f32 v4, v3;
	v3 =	vmax.f32 v4, v3  }
0x7c: {  	v4 =	vmin.f32 v5, v13;
	v23 =	vmin.f32 v9, v18;
	v9 =	vmax.f32 v9, v18;
	v18 =	vld [tilespmem:s20+$0x30]  }
0x7d: {  	v27 =	vmax.f32 v4, v14;
	v29 =	vmin.f32 v23, v16;
	v16 =	vmax.f32 v23, v16  }
0x7e: {  	v23 =	vmax.f32 v19, v9;
	v30 =	vmin.f32 v29, v20;
	v20 =	vmax.f32 v29, v20  }
0x7f: {  	v4 =	vmin.f32 v4, v14;
	v14 =	vmax.f32 v24, v23;
	v29 =	vmin.f32 v30, v21  }
0x80: {  	v31 =	vmin.f32 v4, v3;
	v4 =	vmax.f32 v4, v3;
	v21 =	vmax.f32 v30, v21  }
0x81: {  	v9 =	vmin.f32 v19, v9;
	v3 =	vmin.f32 v29, v18;
	v18 =	vmax.f32 v29, v18  }
0x82: {  	v5 =	vmax.f32 v5, v13;
	v13 =	vmin.f32 v9, v16;
	v19 =	vmax.f32 v9, v16  }
0x83: {  	v9 =	vmax.f32 v11, v5;
	v16 =	vmin.f32 v22, v10;
	v29 =	vmin.f32 v13, v20  }
0x84: {  	v22 =	vmax.f32 v22, v10;
	v30 =	vmin.f32 v31, v14;
	v32 =	vmin.f32 v16, v25  }
0x85: {  	v10 =	vmin.f32 v17, v12;
	v12 =	vmax.f32 v26, v15;
	v13 =	vmax.f32 v13, v20  }
0x86: {  	v6 =	vmax.f32 v6, v2;
	v17 =	vmin.f32 v10, v12;
	v20 =	vmax.f32 v16, v25  }
0x87: {  	v2 =	vmin.f32 v11, v5;
	v5 =	vmin.f32 v24, v23;
	v10 =	vmax.f32 v31, v14  }
0x88: {  	v14 =	vmin.f32 v2, v27;
	v12 =	vmax.f32 v2, v27;
	v2 =	vmax.f32 v5, v19  }
0x89: {  	v11 =	vmin.f32 v14, v4;
	v15 =	vmax.f32 v30, v2;
	v23 =	vmax.f32 v29, v21  }
0x8a: {  	v5 =	vmin.f32 v5, v19;
	v16 =	vmin.f32 v11, v10;
	v19 =	vmin.f32 v29, v21  }
0x8b: {  	v2 =	vmin.f32 v30, v2;
	v21 =	vmin.f32 v5, v13;
	v24 =	vmax.f32 v19, v18  }
0x8c: {  	v17 =	vmin.f32 v17, v22;
	v25 =	vmax.f32 v5, v13;
	v5 =	vmin.f32 v21, v23  }
0x8d: {  	v26 =	vmin.f32 v2, v25;
	v23 =	vmax.f32 v21, v23;
	v13 =	vmin.f32 v5, v24  }
0x8e: {  	v17 =	vmin.f32 v17, v20;
	v27 =	vmin.f32 v26, v23;
	v24 =	vmax.f32 v5, v24  }
0x8f: {  	v21 =	vmin.f32 v16, v15;
	v18 =	vmin.f32 v19, v18;
	v5 =	vmin.f32 v27, v24  }
0x90: {  	v22 =	vmax.f32 v2, v25;
	v19 =	vmax.f32 v28, v7;
	v2 =	vmax.f32 v26, v23  }
.Ltmp4:
0x91: {  	v7 =	vmin.f32 v28, v7;
	v20 =	vmin.f32 v32, v19;
	v19 =	vmax.f32 v32, v19;
	(pc) =	sbr.rel @p0 .LBB2_3-.Ltmp4, $4  }
0x92: {  	v19 =	vmin.f32 v17, v19;
	v17 =	vmin.f32 v7, v6;
	v6 =	vmax.f32 v7, v6  }
0x93: {  	v23 =	vmin.f32 v20, v6;
	v7 =	vmin.f32 v17, v8;
	v8 =	vmax.f32 v17, v8  }
0x94: {  	v25 =	vmax.f32 v20, v6;
	v20 =	vmin.f32 v23, v8;
	v17 =	vmax.f32 v23, v8  }
0x95: {  	s20 =	sadd.s32 $0x80, s20;
	v6 =	vmin.f32 v21, v22;
	v23 =	vmax.f32 v27, v24;
	v19 =	vmin.f32 v19, v25  }
0x96: {  	v8 =	vmin.f32 v7, v9  }
0x97: {  	v50 =	vmax.f32 v7, v9;
	v51 =	vmax.f32 v21, v22;
	v4 =	vmax.f32 v14, v4  }
0x98: {  	v52 =	vmax.f32 v16, v15;
	v53 =	vmin.f32 v6, v2;
	(xrf1) =	vsort.ascd.msk.f32 $0xffff, v3, v3  }
0x99: {  	v10 =	vmax.f32 v11, v10;
	v61 =	vmin.f32 v19, v17;
	(xrf1) =	vsort.ascd.msk.f32 $0xffff, v18, v18  }
0x9a: {  	v2 =	vmax.f32 v6, v2;
	v3 =	vmin.f32 v8, v12;
	(xrf1) =	vsort.ascd.msk.f32 $0xffff, v13, v13  }
0x9b: {  	v8 =	vmax.f32 v8, v12;
	v54 =	vmax.f32 v53, v23;
	(xrf1) =	vsort.ascd.msk.f32 $0xffff, v5, v5  }
0x9c: {  	v56 =	vmin.f32 v53, v23;
	v58 =	vmin.f32 v20, v50;
	v7 =	vmax.f32 v20, v50  }
0x9d: {  	v55 =	vmin.f32 v3, v4;
	v3 =	vmax.f32 v3, v4;
	v59 =	vmin.f32 v58, v8  }
0x9e: {  	v7 =	vmin.f32 v61, v7;
	v57 =	vmin.f32 v55, v10;
	v10 =	vmax.f32 v55, v10  }
0x9f: {  	v5 =	vmax.f32 v58, v8;
	v62 =	vmin.f32 v59, v3;
	v3 =	vmax.f32 v59, v3  }
0xa0: {  	v60 =	vmax.f32 v57, v52;
	v4 =	vmin.f32 v57, v52;
	v63 =	vmin.f32 v62, v10  }
0xa1: {  	v5 =	vmin.f32 v7, v5;
	v13 =	vmax.f32 v62, v10;
	v14 =	vmin.f32 v63, v60  }
0xa2: {  	v3 =	vmin.f32 v5, v3;
	v16 =	vmax.f32 v63, v60;
	v17 =	vmax.f32 v4, v51  }
0xa3: {  	v4 =	vmin.f32 v4, v51;
	v3 =	vmin.f32 v3, v13;
	v18 =	vmin.f32 v14, v17  }
0xa4: {  	v5 =	vmax.f32 v14, v17;
	v19 =	vmax.f32 v4, v2;
	v2 =	vmin.f32 v4, v2  }
0xa5: {  	v20 =	vmin.f32 v18, v19;
	v21 =	vmin.f32 v2, v54;
	v2 =	vmax.f32 v2, v54  }
0xa6: {  	v3 =	vmin.f32 v3, v16;
	v23 =	vmin.f32 v20, v2;
	v2 =	vmax.f32 v20, v2;
	v22, _, _ =	vpop (xrf1)  }
0xa7: {  	v6 =	vmax.f32 v18, v19;
	v3 =	vmin.f32 v3, v5;
	(xrf1) =	vsort.ascd.msk.f32 $0xffff, v56, v56;
	v24, _, _ =	vpop (xrf1)  }
0xa8: {  	v3 =	vmin.f32 v3, v6;
	(xrf1) =	vsort.ascd.msk.f32 $0xffff, v21, v21;
	v25, _, _ =	vpop (xrf1);
	v4 =	vperm.xlane v24, v1  }
0xa9: {  	v3 =	vmin.f32 v3, v2;
	(xrf1) =	vsort.ascd.msk.f32 $0xffff, v23, v23;
	v2, _, _ =	vpop (xrf1)  }
0xaa: {  	(xrf1) =	vsort.ascd.msk.f32 $0xffff, v3, v3;
	v26 =	vmin.f32 v22, v4;
	v2 =	vperm.xlane v2, v1  }
0xab: {  	v4 =	vmax.f32 v22, v4;
	(xrf1) =	vsort.ascd.msk.f32 $0xffff, v26, v26  }
0xac: {  	(xrf1) =	vsort.ascd.msk.f32 $0xffff, v4, v4;
	v27 =	vmin.f32 v25, v2  }
0xad: {  	v2 =	vmax.f32 v25, v2;
	(xrf1) =	vsort.ascd.msk.f32 $0xffff, v27, v27  }
0xae: {  	(xrf1) =	vsort.ascd.msk.f32 $0xffff, v2, v2;
	_ =	sdelay $0x6  }
0xaf: {  	v2, _, _ =	vpop (xrf1)  }
0xb0: {  	v28, _, _ =	vpop (xrf1)  }
0xb1: {  	v29, _, _ =	vpop (xrf1)  }
0xb2: {  	v30, _, _ =	vpop (xrf1)  }
0xb3: {  	v4 =	vperm.xlane v28, v1;
	v31, _, _ =	vpop (xrf1)  }
0xb4: {  	v32, _, _ =	vpop (xrf1)  }
0xb5: {  	v34 =	vmin.f32 v2, v4;
	v6 =	vperm.xlane v30, v1;
	v33, _, _ =	vpop (xrf1)  }
0xb6: {  	v2 =	vmax.f32 v2, v4;
	(xrf1) =	vsort.ascd.msk.f32 $0xffff, v34, v34;
	v35, _, _ =	vpop (xrf1)  }
0xb7: {  	(xrf1) =	vsort.ascd.msk.f32 $0xffff, v2, v2;
	v2 =	vmin.f32 v29, v6;
	v36 =	vperm.xlane v35, v1  }
0xb8: {  	(xrf1) =	vsort.ascd.msk.f32 $0xffff, v2, v2;
	v2 =	vmax.f32 v29, v6;
	v37 =	vperm.xlane v33, v1  }
0xb9: {  	(xrf1) =	vsort.ascd.msk.f32 $0xffff, v2, v2;
	v2 =	vmin.f32 v32, v36  }
0xba: {  	(xrf1) =	vsort.ascd.msk.f32 $0xffff, v2, v2;
	v2 =	vmin.f32 v31, v37  }
0xbb: {  	(xrf1) =	vsort.ascd.msk.f32 $0xffff, v2, v2;
	v2 =	vmax.f32 v31, v37  }
0xbc: {  	(xrf1) =	vsort.ascd.msk.f32 $0xffff, v2, v2;
	_ =	sdelay $0x7  }
0xbd: {  	v2, _, _ =	vpop (xrf1)  }
0xbe: {  	v38, _, _ =	vpop (xrf1)  }
0xbf: {  	v39, _, _ =	vpop (xrf1)  }
0xc0: {  	v40, _, _ =	vpop (xrf1)  }
0xc1: {  	v41, _, _ =	vpop (xrf1)  }
0xc2: {  	v42, _, _ =	vpop (xrf1);
	v7 =	vperm.xlane v41, v1  }
0xc3: {  	v43, _, _ =	vpop (xrf1)  }
0xc4: {  	v44 =	vmin.f32 v43, v7  }
0xc5: {  	(xrf1) =	vsort.ascd.msk.f32 $0xffff, v44, v44;
	_ =	sdelay $0xd  }
0xc6: {  	v10, _, _ =	vpop (xrf1)  }
0xc7: {  	v10 =	vperm.xlane v10, v1  }
0xc8: {  	v7 =	vmax.f32 v43, v7  }
0xc9: {  	v6 =	vperm.xlane v40, v1;
	(xrf1) =	vsort.ascd.msk.f32 $0xffff, v7, v7;
	v45 =	vmin.f32 v42, v10  }
0xca: {  	v5 =	vperm.xlane v39, v1;
	v46 =	vmax.f32 v42, v10;
	(xrf1) =	vsort.ascd.msk.f32 $0xffff, v45, v45  }
0xcb: {  	v4 =	vmin.f32 v38, v6;
	(xrf1) =	vsort.ascd.msk.f32 $0xffff, v46, v46  }
0xcc: {  	v47 =	vmin.f32 v2, v5;
	(xrf1) =	vsort.ascd.msk.f32 $0xffff, v4, v4  }
0xcd: {  	v2 =	vmax.f32 v2, v5;
	(xrf1) =	vsort.ascd.msk.f32 $0xffff, v47, v47  }
0xce: {  	(xrf1) =	vsort.ascd.msk.f32 $0xffff, v2, v2;
	_ =	sdelay $0x8  }
0xcf: {  	v2, _, _ =	vpop (xrf1)  }
0xd0: {  	v48, _, _ =	vpop (xrf1)  }
0xd1: {  	v49, _, _ =	vpop (xrf1)  }
0xd2: {  	v50, _, _ =	vpop (xrf1)  }
0xd3: {  	v51, _, _ =	vpop (xrf1);
	v6 =	vperm.xlane v50, v1  }
0xd4: {  	v52, _, _ =	vpop (xrf1)  }
0xd5: {  	v53 =	vmin.f32 v52, v6  }
0xd6: {  	(xrf1) =	vsort.ascd.msk.f32 $0xffff, v53, v53;
	_ =	sdelay $0xd  }
0xd7: {  	v9, _, _ =	vpop (xrf1)  }
0xd8: {  	v9 =	vperm.xlane v9, v1  }
0xd9: {  	v6 =	vmax.f32 v52, v6  }
0xda: {  	(xrf1) =	vsort.ascd.msk.f32 $0xffff, v6, v6;
	v54 =	vmin.f32 v51, v9  }
0xdb: {  	v55 =	vmax.f32 v51, v9;
	(xrf1) =	vsort.ascd.msk.f32 $0xffff, v54, v54  }
0xdc: {  	(xrf1) =	vsort.ascd.msk.f32 $0xffff, v55, v55;
	_ =	sdelay $0xb  }
0xdd: {  	v56, _, _ =	vpop (xrf1)  }
0xde: {  	v6 =	vperm.xlane v56, v1;
	v57, _, _ =	vpop (xrf1)  }
0xdf: {  	v58, _, _ =	vpop (xrf1)  }
0xe0: {  	v2 =	vmin.f32 v2, v6;
	v59 =	vperm.xlane v58, v1  }
0xe1: {  	(xrf1) =	vsort.ascd.msk.f32 $0xffff, v2, v2  }
0xe2: {  	v2 =	vmin.f32 v49, v59  }
0xe3: {  	(xrf1) =	vsort.ascd.msk.f32 $0xffff, v2, v2;
	_ =	sdelay $0xb  }
0xe4: {  	v2, _, _ =	vpop (xrf1)  }
0xe5: {  	v2 =	vperm.xlane v2, v1  }
0xe6: {  	v60, _, _ =	vpop (xrf1)  }
0xe7: {  	v61 =	vperm.xlane v57, v1;
	v2 =	vmin.f32 v60, v2  }
0xe8: {  	(xrf1) =	vsort.ascd.msk.f32 $0xffff, v2, v2  }
0xe9: {  	v2 =	vmax.f32 v48, v61  }
0xea: {  	(xrf1) =	vsort.ascd.msk.f32 $0xffff, v2, v2;
	_ =	sdelay $0xb  }
0xeb: {  	v2, _, _ =	vpop (xrf1)  }
0xec: {  	v2 =	vperm.xlane v2, v1  }
0xed: {  	v62, _, _ =	vpop (xrf1)  }
0xee: {  	v2 =	vmax.f32 v62, v2  }
0xef: {  	(xrf1) =	vsort.ascd.msk.f32 $0xffff, v2, v2;
	_ =	sdelay $0xd  }
0xf0: {  	v2, _, _ =	vpop (xrf1)  }
0xf1: {  	(xrf0) =	vmin.scan.msk.f32 $0xffff, v2;
	_ =	sdelay $0x5  }
0xf2: {  	v63, _, _ =	vpop (xrf0)  }
0xf3: {  	v2 =	vbroadcast v63, $0xF;
	_ =	sdelay $0x1  }
0xf4: {  	vm0 =	vle.f32 v3, v2  }
0xf5: {  	v3 =	vmpcnt.ones.xlane vm0;
	_ =	sdelay $0x1  }
0xf6: {  	v3 =	vxor.u32 $0x80000000, v3  }
0xf7: {  	(xrf0) =	vmax.scan.msk.u32 $0xffff, v3;
	_ =	sdelay $0x5  }
0xf8: {  	(v2sf) =	vpush v63, $0xF;
	v3, _, _ =	vpop (xrf0)  }
0xf9: {  	(v2sf) =	vpush v3, $0xF;
	_ =	sdelay $0xd  }
0xfa: {  	s22 =	spop (v2sf)  }
0xfb: {  	s19 =	spop (v2sf)  }
0xfc: {  	p0 =	seq.s32 s19, $0x80000000  }
.Ltmp5:
0xfd: {  	_ = 	snop;
	(pc) =	sbr.rel @p0 .LBB2_13-.Ltmp5, $1  }
0xfe: {  	_ =	sdelay $0x3  }
0xff: {  	s20 =	simm.s32 $0x40  }
0x100: {  	v4 =	vld [tilespmem:s20+$0xFFFFFFC0]  }
0x101: {  	v5 =	vld [tilespmem:s20+$0xFFFFFFD0]  }
0x102: {  	v7 =	vld [tilespmem:s20+$0xFFFFFFE0]  }
0x103: {  	v6 =	vld [tilespmem:s20+$0xFFFFFFF0]  }
0x104: {  	v3 =	vld [tilespmem:s20+$0x0]  }
0x105: {  	vm0 =	vle.f32 v4, v2;
	v4 =	vld [tilespmem:s20+$0x10]  }
0x106: {  	v8 =	vmpcnt.ones.xlane vm0;
	vm0 =	vle.f32 v5, v2;
	v5 =	vld [tilespmem:s20+$0x20]  }
0x107: {  	v10 =	vimm.s32 $0x0;
	s19 =	simm.s32 $0x0;
	v9 =	vmpcnt.ones.xlane vm0;
	vm0 =	vle.f32 v7, v2;
	v7 =	vld [tilespmem:s20+$0x30];
	s20 =	simm.s32 $0xC0  }
.LBB2_6:
0x108: {  	v11 =	vld [tilespmem:s20+$0xFFFFFFC0];
	s19 =	sadd.s32 $0x8, s19;
	v8 =	vadd.s32 v10, v8;
	v10 =	vmpcnt.ones.xlane vm0;
	vm0 =	vle.f32 v6, v2  }
0x109: {  	v12 =	vld [tilespmem:s20+$0xFFFFFFD0];
	p0 =	slt.u32 s19, $0x78;
	v6 =	vadd.s32 v9, v8;
	v8 =	vmpcnt.ones.xlane vm0;
	vm0 =	vle.f32 v3, v2  }
0x10a: {  	v13 =	vld [tilespmem:s20+$0xFFFFFFE0];
	v3 =	vadd.s32 v10, v6;
	v9 =	vmpcnt.ones.xlane vm0;
	vm0 =	vle.f32 v4, v2  }
.Ltmp6:
0x10b: {  	v6 =	vld [tilespmem:s20+$0xFFFFFFF0];
	v4 =	vadd.s32 v8, v3;
	v8 =	vmpcnt.ones.xlane vm0;
	vm0 =	vle.f32 v5, v2;
	(pc) =	sbr.rel @p0 .LBB2_6-.Ltmp6, $4  }
0x10c: {  	v3 =	vld [tilespmem:s20+$0x0];
	v5 =	vadd.s32 v9, v4;
	v9 =	vmpcnt.ones.xlane vm0;
	vm0 =	vle.f32 v7, v2  }
0x10d: {  	vm1 =	vle.f32 v11, v2;
	v4 =	vld [tilespmem:s20+$0x10];
	v7 =	vadd.s32 v8, v5;
	v10 =	vmpcnt.ones.xlane vm0  }
0x10e: {  	v8 =	vmpcnt.ones.xlane vm1;
	vm0 =	vle.f32 v12, v2;
	v5 =	vld [tilespmem:s20+$0x20];
	v11 =	vadd.s32 v9, v7  }
0x10f: {  	v9 =	vmpcnt.ones.xlane vm0;
	vm0 =	vle.f32 v13, v2;
	v7 =	vld [tilespmem:s20+$0x30];
	s20 =	sadd.s32 $0x80, s20;
	v10 =	vadd.s32 v10, v11  }
0x110: {  	v8 =	vadd.s32 v10, v8;
	v60 =	vmpcnt.ones.xlane vm0;
	vm11 =	vle.f32 v6, v2  }
0x111: {  	v61 =	vadd.s32 v9, v8;
	v62 =	vmpcnt.ones.xlane vm11;
	vm12 =	vle.f32 v3, v2  }
0x112: {  	v3 =	vadd.s32 v60, v61;
	v63 =	vmpcnt.ones.xlane vm12;
	vm13 =	vle.f32 v4, v2  }
0x113: {  	v3 =	vadd.s32 v62, v3;
	v4 =	vmpcnt.ones.xlane vm13;
	vm14 =	vle.f32 v5, v2  }
0x114: {  	v3 =	vadd.s32 v63, v3;
	v5 =	vmpcnt.ones.xlane vm14;
	vm15 =	vle.f32 v7, v2  }
0x115: {  	v2 =	vadd.s32 v4, v3;
	v3 =	vmpcnt.ones.xlane vm15  }
0x116: {  	v2 =	vadd.s32 v5, v2  }
0x117: {  	v2 =	vadd.s32 v3, v2  }
0x118: {  	v2 =	vxor.u32 $0x80000000, v2  }
0x119: {  	(xrf0) =	vmax.scan.msk.u32 $0xffff, v2;
	_ =	sdelay $0x5  }
0x11a: {  	v2, _, _ =	vpop (xrf0)  }
0x11b: {  	(v2sf) =	vpush v2, $0xF;
	_ =	sdelay $0xe  }
0x11c: {  	s19 =	spop (v2sf)  }
0x11d: {  	p0 =	seq.s32 s19, $0x80000021  }
.Ltmp7:
0x11e: {  	_ = 	snop;
	(pc) =	sbr.rel @p0 .LBB2_13-.Ltmp7, $1  }
0x11f: {  	_ =	sdelay $0x3  }
0x120: {  	s19 =	simm.s32 $0x0;
	v3 =	vimm.s32 $0x0;
	v2 =	vimm.s32 $0x7FFFFFFF  }
.LBB2_9:
0x121: {  	s21 =	simm.s32 $0x40  }
0x122: {  	v6 =	vld [tilespmem:s21+$0xFFFFFFC0]  }
0x123: {  	v7 =	vld [tilespmem:s21+$0xFFFFFFD0]  }
0x124: {  	v4 =	vsub.s32 v2, v3;
	v9 =	vld [tilespmem:s21+$0xFFFFFFE0]  }
0x125: {  	v4 =	vshrl.u32 v4, $0x1;
	v8 =	vld [tilespmem:s21+$0xFFFFFFF0]  }
0x126: {  	v5 =	vld [tilespmem:s21+$0x0];
	v4 =	vadd.s32 v3, v4  }
0x127: {  	vm0 =	vle.s32 v6, v4;
	v6 =	vld [tilespmem:s21+$0x10]  }
0x128: {  	v10 =	vmpcnt.ones.xlane vm0;
	vm0 =	vle.s32 v7, v4;
	v7 =	vld [tilespmem:s21+$0x20]  }
0x129: {  	s20 =	simm.s32 $0x0;
	v12 =	vimm.s32 $0x0;
	v11 =	vmpcnt.ones.xlane vm0;
	vm0 =	vle.s32 v9, v4;
	v9 =	vld [tilespmem:s21+$0x30];
	s21 =	simm.s32 $0xC0  }
.LBB2_10:
0x12a: {  	v13 =	vld [tilespmem:s21+$0xFFFFFFC0];
	s20 =	sadd.s32 $0x8, s20;
	v10 =	vadd.s32 v12, v10;
	v12 =	vmpcnt.ones.xlane vm0;
	vm0 =	vle.s32 v8, v4  }
0x12b: {  	v14 =	vld [tilespmem:s21+$0xFFFFFFD0];
	p0 =	slt.u32 s20, $0x78;
	v8 =	vadd.s32 v11, v10;
	v10 =	vmpcnt.ones.xlane vm0;
	vm0 =	vle.s32 v5, v4  }
0x12c: {  	v15 =	vld [tilespmem:s21+$0xFFFFFFE0];
	v5 =	vadd.s32 v12, v8;
	v11 =	vmpcnt.ones.xlane vm0;
	vm0 =	vle.s32 v6, v4  }
.Ltmp8:
0x12d: {  	v8 =	vld [tilespmem:s21+$0xFFFFFFF0];
	v6 =	vadd.s32 v10, v5;
	v10 =	vmpcnt.ones.xlane vm0;
	vm0 =	vle.s32 v7, v4;
	(pc) =	sbr.rel @p0 .LBB2_10-.Ltmp8, $4  }
0x12e: {  	v5 =	vld [tilespmem:s21+$0x0];
	v7 =	vadd.s32 v11, v6;
	v11 =	vmpcnt.ones.xlane vm0;
	vm0 =	vle.s32 v9, v4  }
0x12f: {  	vm1 =	vle.s32 v13, v4;
	v6 =	vld [tilespmem:s21+$0x10];
	v9 =	vadd.s32 v10, v7;
	v12 =	vmpcnt.ones.xlane vm0  }
0x130: {  	v10 =	vmpcnt.ones.xlane vm1;
	vm0 =	vle.s32 v14, v4;
	v7 =	vld [tilespmem:s21+$0x20];
	v13 =	vadd.s32 v11, v9  }
0x131: {  	v11 =	vmpcnt.ones.xlane vm0;
	vm0 =	vle.s32 v15, v4;
	v9 =	vld [tilespmem:s21+$0x30];
	s21 =	sadd.s32 $0x80, s21;
	v12 =	vadd.s32 v12, v13  }
0x132: {  	v10 =	vadd.s32 v12, v10;
	v59 =	vmpcnt.ones.xlane vm0;
	vm10 =	vle.s32 v8, v4  }
0x133: {  	v60 =	vadd.s32 v11, v10;
	v61 =	vmpcnt.ones.xlane vm10;
	vm11 =	vle.s32 v5, v4  }
0x134: {  	v5 =	vadd.s32 v59, v60;
	v62 =	vmpcnt.ones.xlane vm11;
	vm12 =	vle.s32 v6, v4  }
0x135: {  	s19 =	sadd.s32 $0x1, s19;
	v5 =	vadd.s32 v61, v5;
	v6 =	vmpcnt.ones.xlane vm12;
	vm13 =	vle.s32 v7, v4  }
0x136: {  	p0 =	sne.s32 s19, $0x1F;
	v5 =	vadd.s32 v62, v5;
	v7 =	vmpcnt.ones.xlane vm13;
	vm14 =	vle.s32 v9, v4  }
.Ltmp9:
0x137: {  	v5 =	vadd.s32 v6, v5;
	v63 =	vmpcnt.ones.xlane vm14;
	(pc) =	sbr.rel @p0 .LBB2_9-.Ltmp9, $4  }
0x138: {  	v5 =	vadd.s32 v7, v5  }
0x139: {  	v5 =	vadd.s32 v63, v5  }
0x13a: {  	vm15 =	vgt.s32 v5, $0x20;
	v5 =	vadd.s32 $0x1, v4  }
0x13b: {  	v3 =	vsel vm15, v3, v5;
	v2 =	vsel vm15, v4, v2  }
0x13c: {  	(xrf0) =	vmax.scan.msk.f32 $0xffff, v2;
	_ =	sdelay $0x5  }
0x13d: {  	v2, _, _ =	vpop (xrf0)  }
0x13e: {  	(v2sf) =	vpush v2, $0xF;
	_ =	sdelay $0xe  }
0x13f: {  	s22 =	spop (v2sf)  }
.LBB2_13:
0x140: {  	s21 =	sshll.u32 s18, $0x1  }
0x141: {  	s20 =	sor.u32 s3, s21  }
0x142: {  	s19 =	sadd.s32 $0x2, s20  }
0x143: {  	p0 =	sgt.u32 s19, s6  }
0x144: {  	s23 =	sshll.u32 @!p0 s19, $0x4  }
0x145: {  	s29 =	sshll.u32 s18, $0x3;
	s19 =	sshll.u32 @!p0 s19, $0x8;
	s23 =	sand.u32 @!p0 $0x60, s23  }
0x146: {  	s24 =	simm.s32 @!p0 $0x400;
	s19 =	sand.u32 @!p0 $0xFFFF800, s19;
	s23 =	sadd.s32 @!p0 s4, s23  }
0x147: {  	s25 =	simm.s32 @!p0 $0x0;
	s19 =	sadd.s32 @!p0 s19, s23;
	s23 =	simm.s32 @!p0 $0x80  }
0x148: {  	[tilespmem:s25], [sflag:$0x1] =	stream.strided.gather @!p0 [hbm4b:s19+s23], $0x800, s24, s23, $0x38;
	[tilespmem:$0x1080] =	vst v63  }
0x149: {  	s19 =	sand.u32 $0xC0, s29  }
0x14a: {  	s19 =	sshrl.u32 s19, $0x2  }
0x14b: {  	v2 =	vld [tilespmem:s19+$0x1000];
	_ =	sdelay $0x1  }
0x14c: {  	s21 =	sand.u32 $0xE, s21  }
0x14d: {  	v3 =	vmov s21  }
0x14e: {  	vm0 =	veq.s32 v3, v0  }
0x14f: {  	v2 =	vsel vm0, s22, v2  }
0x150: {  	[tilespmem:s19+$0x1000] =	vst v2  }
0x151: {  	_ =	swait.ge [sflag:s14], $0x800  }
0x152: {  	[sflag:s14] =	ssyncset.done $0x0  }
0x153: {  	s30 =	simm.s32 $0x840;
	[sflag:s14] =	ssyncadd.s32 $0xFFFFF800  }
0x154: {  	v2 =	vld [tilespmem:s30+$0xFFFFFFC0]  }
0x155: {  	v3 =	vld [tilespmem:s30+$0xFFFFFFD0];
	_ =	sdelay $0x1  }
0x156: {  	v4 =	vld [tilespmem:s30+$0xFFFFFFE0]  }
0x157: {  	v5 =	vimm.f32 $3.402823470e+38  }
0x158: {  	v8 =	vld [tilespmem:s30+$0xFFFFFFF0];
	v6 =	vmin.f32 v5, v2;
	v2 =	vmax.f32 v5, v2  }
0x159: {  	v7 =	vmin.f32 v5, v2;
	v2 =	vmax.f32 v5, v2;
	v9 =	vmax.f32 v6, v3  }
0x15a: {  	v3 =	vmin.f32 v6, v3;
	v10 =	vmin.f32 v5, v2;
	v11 =	vmin.f32 v7, v9  }
0x15b: {  	v6 =	vld [tilespmem:s30+$0x0];
	v7 =	vmax.f32 v7, v9;
	v2 =	vmax.f32 v5, v2;
	v9 =	vmax.f32 v3, v4  }
0x15c: {  	v3 =	vmin.f32 v3, v4;
	v4 =	vmin.f32 v10, v7;
	v13 =	vmax.f32 v11, v9  }
0x15d: {  	v12 =	vld [tilespmem:s30+$0x10];
	v7 =	vmax.f32 v10, v7;
	v9 =	vmin.f32 v11, v9;
	v14 =	vmin.f32 v3, v8  }
0x15e: {  	v10 =	vld [tilespmem:s30+$0x20];
	v11 =	vmin.f32 v4, v13;
	v4 =	vmax.f32 v4, v13;
	v13 =	vmin.f32 v5, v2  }
0x15f: {  	v3 =	vmax.f32 v3, v8;
	v2 =	vmax.f32 v5, v2;
	v8 =	vmax.f32 v13, v7  }
0x160: {  	v15 =	vld [tilespmem:s30+$0x30];
	v7 =	vmin.f32 v13, v7;
	v16 =	vmin.f32 v14, v6;
	v6 =	vmax.f32 v14, v6  }
0x161: {  	v14 =	vmax.f32 v9, v3;
	v18 =	vmin.f32 v7, v4;
	v4 =	vmax.f32 v7, v4  }
0x162: {  	v3 =	vmin.f32 v9, v3;
	v17 =	vmin.f32 v16, v12;
	v12 =	vmax.f32 v16, v12  }
0x163: {  	v13 =	vmax.f32 v11, v14;
	v11 =	vmin.f32 v11, v14;
	v16 =	vmin.f32 v17, v10  }
0x164: {  	v7 =	vmax.f32 v17, v10;
	v17 =	vmin.f32 v18, v13;
	v13 =	vmax.f32 v18, v13  }
0x165: {  	v9 =	vmin.f32 v16, v15;
	v10 =	vmax.f32 v16, v15;
	v15 =	vmin.f32 v3, v6  }
0x166: {  	v3 =	vmax.f32 v3, v6;
	v6 =	vmax.f32 v5, v2;
	v2 =	vmin.f32 v5, v2  }
0x167: {  	v16 =	vmin.f32 v15, v12;
	v12 =	vmax.f32 v15, v12;
	v14 =	vmin.f32 v2, v8  }
0x168: {  	v2 =	vmax.f32 v2, v8;
	v8 =	vmax.f32 v11, v3;
	v3 =	vmin.f32 v11, v3  }
0x169: {  	v15 =	vmin.f32 v14, v4;
	v18 =	vmax.f32 v17, v8;
	v19 =	vmax.f32 v16, v7  }
0x16a: {  	v7 =	vmin.f32 v16, v7;
	v8 =	vmin.f32 v17, v8;
	v11 =	vmin.f32 v3, v12  }
0x16b: {  	v3 =	vmax.f32 v3, v12;
	v20 =	vmin.f32 v15, v13;
	v16 =	vmax.f32 v7, v10  }
0x16c: {  	v12 =	vmin.f32 v11, v19;
	v17 =	vmin.f32 v8, v3;
	v11 =	vmax.f32 v11, v19  }
0x16d: {  	v7 =	vmin.f32 v7, v10;
	v3 =	vmax.f32 v8, v3;
	v13 =	vmax.f32 v15, v13  }
0x16e: {  	v19 =	vmin.f32 v12, v16;
	v21 =	vmin.f32 v17, v11;
	v12 =	vmax.f32 v12, v16  }
0x16f: {  	s31 =	simm.s32 $0x8C0;
	v16 =	vmin.f32 v20, v18;
	v10 =	vmax.f32 v17, v11;
	v8 =	vmin.f32 v21, v12  }
0x170: {  	v17 =	vld [tilespmem:s31+$0xFFFFFFC0];
	v11 =	vmin.f32 v16, v3;
	v12 =	vmax.f32 v21, v12;
	v21 =	vmin.f32 v5, v6  }
0x171: {  	v6 =	vmax.f32 v5, v6;
	v23 =	vmax.f32 v16, v3;
	v3 =	vmax.f32 v14, v4  }
0x172: {  	v4 =	vmax.f32 v20, v18;
	v16 =	vmin.f32 v11, v10;
	v18 =	vmin.f32 v21, v2  }
0x173: {  	v14 =	vld [tilespmem:s31+$0xFFFFFFD0];
	v2 =	vmax.f32 v21, v2;
	v58 =	vmax.f32 v11, v10;
	v20 =	vmax.f32 v16, v12  }
0x174: {  	v21 =	vmin.f32 v18, v3;
	v12 =	vmin.f32 v16, v12;
	v15 =	vmax.f32 v18, v3  }
0x175: {  	v3 =	vmin.f32 v21, v13;
	v13 =	vmax.f32 v21, v13;
	v18 =	vmin.f32 v9, v17  }
0x176: {  	v9 =	vmax.f32 v9, v17;
	v17 =	vmax.f32 v5, v6;
	v6 =	vmin.f32 v5, v6  }
0x177: {  	v16 =	vld [tilespmem:s31+$0xFFFFFFE0];
	v26 =	vmax.f32 v3, v4;
	v21 =	vmin.f32 v7, v9;
	v7 =	vmax.f32 v7, v9  }
0x178: {  	v22 =	vmax.f32 v18, v14;
	v24 =	vmin.f32 v6, v2;
	v14 =	vmin.f32 v18, v14  }
0x179: {  	v2 =	vmax.f32 v6, v2;
	v5 =	vmin.f32 v5, v17;
	v9 =	vmin.f32 v19, v7  }
0x17a: {  	v25 =	vmin.f32 v21, v22;
	v21 =	vmax.f32 v21, v22;
	v7 =	vmax.f32 v19, v7  }
0x17b: {  	v22 =	vld [tilespmem:s31+$0xFFFFFFF0];
	v19 =	vmin.f32 v3, v4;
	v55 =	vmin.f32 v24, v15;
	v2 =	vmin.f32 v5, v2  }
0x17c: {  	v5 =	vmax.f32 v24, v15;
	v6 =	vmin.f32 v14, v16;
	v14 =	vmax.f32 v14, v16  }
0x17d: {  	v16 =	vld [tilespmem:s31+$0x0];
	v3 =	vmin.f32 v9, v21;
	v18 =	vmin.f32 v25, v14;
	v14 =	vmax.f32 v25, v14  }
0x17e: {  	v4 =	vmax.f32 v9, v21;
	v9 =	vld [tilespmem:s31+$0x10];
	v2 =	vmin.f32 v2, v5;
	v27 =	vmin.f32 v3, v14  }
0x17f: {  	v3 =	vmax.f32 v3, v14;
	v14 =	vmin.f32 v8, v7;
	v7 =	vmax.f32 v8, v7  }
0x180: {  	v28 =	vmax.f32 v14, v4;
	v4 =	vmin.f32 v14, v4;
	v17 =	vmin.f32 v6, v22  }
0x181: {  	v21 =	vld [tilespmem:s31+$0x20];
	v6 =	vmax.f32 v6, v22;
	v31 =	vmin.f32 v4, v3;
	v4 =	vmax.f32 v4, v3  }
0x182: {  	v29 =	vmin.f32 v17, v16;
	v16 =	vmax.f32 v17, v16;
	v17 =	vmax.f32 v18, v6  }
0x183: {  	v22 =	vld [tilespmem:s31+$0x30];
	v6 =	vmin.f32 v18, v6;
	v30 =	vmin.f32 v29, v9;
	v29 =	vmax.f32 v29, v9  }
0x184: {  	v14 =	vmax.f32 v27, v17;
	v8 =	vmin.f32 v6, v16;
	v6 =	vmax.f32 v6, v16  }
0x185: {  	v16 =	vmin.f32 v55, v13;
	v13 =	vmax.f32 v55, v13;
	v17 =	vmin.f32 v27, v17  }
0x186: {  	v9 =	vmin.f32 v30, v21;
	v21 =	vmax.f32 v30, v21;
	v56 =	vmin.f32 v31, v14  }
0x187: {  	v57 =	vmin.f32 v16, v26;
	v5 =	vmax.f32 v16, v26;
	v2 =	vmin.f32 v2, v13  }
0x188: {  	v10 =	vmax.f32 v31, v14;
	v62 =	vmin.f32 v2, v5;
	v3 =	vmin.f32 v9, v22  }
0x189: {  	v18 =	vmax.f32 v9, v22;
	v9 =	vmax.f32 v12, v7;
	v7 =	vmin.f32 v12, v7  }
0x18a: {  	v22 =	vmin.f32 v8, v29;
	v8 =	vmax.f32 v8, v29;
	v14 =	vmin.f32 v7, v28  }
0x18b: {  	v12 =	vmax.f32 v7, v28;
	v7 =	vmax.f32 v17, v6;
	v59 =	vmax.f32 v22, v21  }
0x18c: {  	v6 =	vmin.f32 v17, v6;
	v17 =	vmin.f32 v22, v21;
	v11 =	vmin.f32 v14, v4  }
0x18d: {  	v15 =	vmax.f32 v56, v7;
	v7 =	vmin.f32 v56, v7;
	v21 =	vmin.f32 v6, v8  }
0x18e: {  	v22 =	vmax.f32 v17, v18;
	v6 =	vmax.f32 v6, v8;
	v18 =	vmin.f32 v17, v18  }
0x18f: {  	v8 =	vmin.f32 v21, v59;
	v60 =	vmin.f32 v7, v6;
	v26 =	vmax.f32 v21, v59  }
0x190: {  	v16 =	vmin.f32 v11, v10;
	v13 =	vmin.f32 v8, v22;
	v61 =	vmin.f32 v60, v26  }
0x191: {  	v8 =	vmax.f32 v8, v22;
	v21 =	vmin.f32 v16, v15;
	v22 =	vmax.f32 v7, v6  }
0x192: {  	v2 =	vmax.f32 v60, v26;
	v6 =	vmax.f32 v19, v23;
	v7 =	vmin.f32 v19, v23  }
0x193: {  	v5 =	vmin.f32 v61, v8;
	v17 =	vmin.f32 v57, v6;
	v6 =	vmax.f32 v57, v6  }
0x194: {  	v23 =	vmax.f32 v7, v58;
	v19 =	vmin.f32 v62, v6;
	v6 =	vmin.f32 v7, v58  }
0x195: {  	v24 =	vmin.f32 v17, v23;
	v63 =	vmax.f32 v17, v23;
	v23 =	vmax.f32 v61, v8  }
0x196: {  	v7 =	vmin.f32 v6, v20;
	v6 =	vmax.f32 v6, v20;
	v19 =	vmin.f32 v19, v63  }
0x197: {  	s23 =	simm.s32 $0x940;
	s22 =	simm.s32 $0x8;
	v20 =	vmin.f32 v24, v6;
	v17 =	vmax.f32 v24, v6;
	v6 =	vmin.f32 v21, v22  }
.LBB2_14:
0x198: {  	v24 =	vld [tilespmem:s23+$0xFFFFFFC0];
	s22 =	sadd.s32 $0x8, s22;
	v8 =	vmin.f32 v7, v9;
	v9 =	vmax.f32 v7, v9;
	v7 =	vmax.f32 v21, v22  }
0x199: {  	v4 =	vmax.f32 v14, v4;
	v14 =	vmax.f32 v16, v15;
	v15 =	vmin.f32 v6, v2;
	v21 =	vld [tilespmem:s23+$0xFFFFFFD0];
	p0 =	slt.u32 s22, $0x78  }
0x19a: {  	v16 =	vmin.f32 v8, v12;
	v12 =	vmax.f32 v8, v12;
	v8 =	vmax.f32 v15, v23  }
0x19b: {  	v10 =	vmax.f32 v11, v10;
	v11 =	vmin.f32 v15, v23;
	v25 =	vmin.f32 v16, v4;
	v22 =	vld [tilespmem:s23+$0xFFFFFFE0]  }
0x19c: {  	v15 =	vmax.f32 v16, v4;
	v4 =	vmin.f32 v25, v10;
	v10 =	vmax.f32 v25, v10  }
0x19d: {  	v23 =	vmax.f32 v20, v9;
	v16 =	vmin.f32 v3, v24;
	v3 =	vmax.f32 v3, v24  }
0x19e: {  	v9 =	vmin.f32 v20, v9;
	v24 =	vmin.f32 v18, v3;
	v3 =	vmax.f32 v18, v3;
	v18 =	vld [tilespmem:s23+$0xFFFFFFF0]  }
0x19f: {  	v26 =	vmin.f32 v9, v12;
	v25 =	vmax.f32 v16, v21;
	v20 =	vmin.f32 v13, v3  }
0x1a0: {  	v27 =	vmin.f32 v24, v25;
	v24 =	vmax.f32 v24, v25;
	v25 =	vmax.f32 v4, v14  }
0x1a1: {  	v12 =	vmax.f32 v9, v12;
	v13 =	vmax.f32 v13, v3;
	v3 =	vmin.f32 v16, v21  }
0x1a2: {  	v28 =	vmin.f32 v4, v14;
	v9 =	vmin.f32 v3, v22;
	v3 =	vmax.f32 v3, v22;
	v16 =	vld [tilespmem:s23+$0x0]  }
0x1a3: {  	v17 =	vmin.f32 v19, v17;
	v4 =	vmin.f32 v20, v24;
	v14 =	vmax.f32 v20, v24;
	v20 =	vld [tilespmem:s23+$0x10]  }
0x1a4: {  	v22 =	vmin.f32 v26, v15;
	v19 =	vmin.f32 v27, v3;
	v3 =	vmax.f32 v27, v3;
	v21 =	vld [tilespmem:s23+$0x20]  }
0x1a5: {  	v17 =	vmin.f32 v17, v23;
	v24 =	vmin.f32 v4, v3;
	v3 =	vmax.f32 v4, v3  }
0x1a6: {  	v4 =	vmin.f32 v5, v13;
	v23 =	vmin.f32 v9, v18;
	v9 =	vmax.f32 v9, v18;
	v18 =	vld [tilespmem:s23+$0x30]  }
0x1a7: {  	v27 =	vmax.f32 v4, v14;
	v29 =	vmin.f32 v23, v16;
	v16 =	vmax.f32 v23, v16  }
0x1a8: {  	v23 =	vmax.f32 v19, v9;
	v30 =	vmin.f32 v29, v20;
	v20 =	vmax.f32 v29, v20  }
0x1a9: {  	v4 =	vmin.f32 v4, v14;
	v14 =	vmax.f32 v24, v23;
	v29 =	vmin.f32 v30, v21  }
0x1aa: {  	v31 =	vmin.f32 v4, v3;
	v4 =	vmax.f32 v4, v3;
	v21 =	vmax.f32 v30, v21  }
0x1ab: {  	v9 =	vmin.f32 v19, v9;
	v3 =	vmin.f32 v29, v18;
	v18 =	vmax.f32 v29, v18  }
0x1ac: {  	v5 =	vmax.f32 v5, v13;
	v13 =	vmin.f32 v9, v16;
	v19 =	vmax.f32 v9, v16  }
0x1ad: {  	v9 =	vmax.f32 v11, v5;
	v16 =	vmin.f32 v22, v10;
	v29 =	vmin.f32 v13, v20  }
0x1ae: {  	v22 =	vmax.f32 v22, v10;
	v30 =	vmin.f32 v31, v14;
	v32 =	vmin.f32 v16, v25  }
0x1af: {  	v10 =	vmin.f32 v17, v12;
	v12 =	vmax.f32 v26, v15;
	v13 =	vmax.f32 v13, v20  }
0x1b0: {  	v6 =	vmax.f32 v6, v2;
	v17 =	vmin.f32 v10, v12;
	v20 =	vmax.f32 v16, v25  }
0x1b1: {  	v2 =	vmin.f32 v11, v5;
	v5 =	vmin.f32 v24, v23;
	v10 =	vmax.f32 v31, v14  }
0x1b2: {  	v14 =	vmin.f32 v2, v27;
	v12 =	vmax.f32 v2, v27;
	v2 =	vmax.f32 v5, v19  }
0x1b3: {  	v11 =	vmin.f32 v14, v4;
	v15 =	vmax.f32 v30, v2;
	v23 =	vmax.f32 v29, v21  }
0x1b4: {  	v5 =	vmin.f32 v5, v19;
	v16 =	vmin.f32 v11, v10;
	v19 =	vmin.f32 v29, v21  }
0x1b5: {  	v2 =	vmin.f32 v30, v2;
	v21 =	vmin.f32 v5, v13;
	v24 =	vmax.f32 v19, v18  }
0x1b6: {  	v17 =	vmin.f32 v17, v22;
	v25 =	vmax.f32 v5, v13;
	v5 =	vmin.f32 v21, v23  }
0x1b7: {  	v26 =	vmin.f32 v2, v25;
	v23 =	vmax.f32 v21, v23;
	v13 =	vmin.f32 v5, v24  }
0x1b8: {  	v17 =	vmin.f32 v17, v20;
	v27 =	vmin.f32 v26, v23;
	v24 =	vmax.f32 v5, v24  }
0x1b9: {  	v21 =	vmin.f32 v16, v15;
	v18 =	vmin.f32 v19, v18;
	v5 =	vmin.f32 v27, v24  }
0x1ba: {  	v22 =	vmax.f32 v2, v25;
	v19 =	vmax.f32 v28, v7;
	v2 =	vmax.f32 v26, v23  }
.Ltmp10:
0x1bb: {  	v7 =	vmin.f32 v28, v7;
	v20 =	vmin.f32 v32, v19;
	v19 =	vmax.f32 v32, v19;
	(pc) =	sbr.rel @p0 .LBB2_14-.Ltmp10, $4  }
0x1bc: {  	v19 =	vmin.f32 v17, v19;
	v17 =	vmin.f32 v7, v6;
	v6 =	vmax.f32 v7, v6  }
0x1bd: {  	v23 =	vmin.f32 v20, v6;
	v7 =	vmin.f32 v17, v8;
	v8 =	vmax.f32 v17, v8  }
0x1be: {  	v25 =	vmax.f32 v20, v6;
	v20 =	vmin.f32 v23, v8;
	v17 =	vmax.f32 v23, v8  }
0x1bf: {  	s23 =	sadd.s32 $0x80, s23;
	v6 =	vmin.f32 v21, v22;
	v23 =	vmax.f32 v27, v24;
	v19 =	vmin.f32 v19, v25  }
0x1c0: {  	v8 =	vmin.f32 v7, v9  }
0x1c1: {  	v50 =	vmax.f32 v7, v9;
	v51 =	vmax.f32 v21, v22;
	v4 =	vmax.f32 v14, v4  }
0x1c2: {  	v52 =	vmax.f32 v16, v15;
	v53 =	vmin.f32 v6, v2;
	(xrf1) =	vsort.ascd.msk.f32 $0xffff, v3, v3  }
0x1c3: {  	v10 =	vmax.f32 v11, v10;
	v61 =	vmin.f32 v19, v17;
	(xrf1) =	vsort.ascd.msk.f32 $0xffff, v18, v18  }
0x1c4: {  	v2 =	vmax.f32 v6, v2;
	v3 =	vmin.f32 v8, v12;
	(xrf1) =	vsort.ascd.msk.f32 $0xffff, v13, v13  }
0x1c5: {  	v8 =	vmax.f32 v8, v12;
	v54 =	vmax.f32 v53, v23;
	(xrf1) =	vsort.ascd.msk.f32 $0xffff, v5, v5  }
0x1c6: {  	v56 =	vmin.f32 v53, v23;
	v58 =	vmin.f32 v20, v50;
	v7 =	vmax.f32 v20, v50  }
0x1c7: {  	v55 =	vmin.f32 v3, v4;
	v3 =	vmax.f32 v3, v4;
	v59 =	vmin.f32 v58, v8  }
0x1c8: {  	v7 =	vmin.f32 v61, v7;
	v57 =	vmin.f32 v55, v10;
	v10 =	vmax.f32 v55, v10  }
0x1c9: {  	v5 =	vmax.f32 v58, v8;
	v62 =	vmin.f32 v59, v3;
	v3 =	vmax.f32 v59, v3  }
0x1ca: {  	v60 =	vmax.f32 v57, v52;
	v4 =	vmin.f32 v57, v52;
	v63 =	vmin.f32 v62, v10  }
0x1cb: {  	v5 =	vmin.f32 v7, v5;
	v13 =	vmax.f32 v62, v10;
	v14 =	vmin.f32 v63, v60  }
0x1cc: {  	v3 =	vmin.f32 v5, v3;
	v16 =	vmax.f32 v63, v60;
	v17 =	vmax.f32 v4, v51  }
0x1cd: {  	v4 =	vmin.f32 v4, v51;
	v3 =	vmin.f32 v3, v13;
	v18 =	vmin.f32 v14, v17  }
0x1ce: {  	v5 =	vmax.f32 v14, v17;
	v19 =	vmax.f32 v4, v2;
	v2 =	vmin.f32 v4, v2  }
0x1cf: {  	v20 =	vmin.f32 v18, v19;
	v21 =	vmin.f32 v2, v54;
	v2 =	vmax.f32 v2, v54  }
0x1d0: {  	v3 =	vmin.f32 v3, v16;
	v23 =	vmin.f32 v20, v2;
	v2 =	vmax.f32 v20, v2;
	v22, _, _ =	vpop (xrf1)  }
0x1d1: {  	v6 =	vmax.f32 v18, v19;
	v3 =	vmin.f32 v3, v5;
	(xrf1) =	vsort.ascd.msk.f32 $0xffff, v56, v56;
	v24, _, _ =	vpop (xrf1)  }
0x1d2: {  	v3 =	vmin.f32 v3, v6;
	(xrf1) =	vsort.ascd.msk.f32 $0xffff, v21, v21;
	v25, _, _ =	vpop (xrf1);
	v4 =	vperm.xlane v24, v1  }
0x1d3: {  	v3 =	vmin.f32 v3, v2;
	(xrf1) =	vsort.ascd.msk.f32 $0xffff, v23, v23;
	v2, _, _ =	vpop (xrf1)  }
0x1d4: {  	(xrf1) =	vsort.ascd.msk.f32 $0xffff, v3, v3;
	v26 =	vmin.f32 v22, v4;
	v2 =	vperm.xlane v2, v1  }
0x1d5: {  	v4 =	vmax.f32 v22, v4;
	(xrf1) =	vsort.ascd.msk.f32 $0xffff, v26, v26  }
0x1d6: {  	(xrf1) =	vsort.ascd.msk.f32 $0xffff, v4, v4;
	v27 =	vmin.f32 v25, v2  }
0x1d7: {  	v2 =	vmax.f32 v25, v2;
	(xrf1) =	vsort.ascd.msk.f32 $0xffff, v27, v27  }
0x1d8: {  	(xrf1) =	vsort.ascd.msk.f32 $0xffff, v2, v2;
	_ =	sdelay $0x6  }
0x1d9: {  	v2, _, _ =	vpop (xrf1)  }
0x1da: {  	v28, _, _ =	vpop (xrf1)  }
0x1db: {  	v29, _, _ =	vpop (xrf1)  }
0x1dc: {  	v30, _, _ =	vpop (xrf1)  }
0x1dd: {  	v4 =	vperm.xlane v28, v1;
	v31, _, _ =	vpop (xrf1)  }
0x1de: {  	v32, _, _ =	vpop (xrf1)  }
0x1df: {  	v34 =	vmin.f32 v2, v4;
	v6 =	vperm.xlane v30, v1;
	v33, _, _ =	vpop (xrf1)  }
0x1e0: {  	v2 =	vmax.f32 v2, v4;
	(xrf1) =	vsort.ascd.msk.f32 $0xffff, v34, v34;
	v35, _, _ =	vpop (xrf1)  }
0x1e1: {  	(xrf1) =	vsort.ascd.msk.f32 $0xffff, v2, v2;
	v2 =	vmin.f32 v29, v6;
	v36 =	vperm.xlane v35, v1  }
0x1e2: {  	(xrf1) =	vsort.ascd.msk.f32 $0xffff, v2, v2;
	v2 =	vmax.f32 v29, v6;
	v37 =	vperm.xlane v33, v1  }
0x1e3: {  	(xrf1) =	vsort.ascd.msk.f32 $0xffff, v2, v2;
	v2 =	vmin.f32 v32, v36  }
0x1e4: {  	(xrf1) =	vsort.ascd.msk.f32 $0xffff, v2, v2;
	v2 =	vmin.f32 v31, v37  }
0x1e5: {  	(xrf1) =	vsort.ascd.msk.f32 $0xffff, v2, v2;
	v2 =	vmax.f32 v31, v37  }
0x1e6: {  	(xrf1) =	vsort.ascd.msk.f32 $0xffff, v2, v2;
	_ =	sdelay $0x7  }
0x1e7: {  	v2, _, _ =	vpop (xrf1)  }
0x1e8: {  	v38, _, _ =	vpop (xrf1)  }
0x1e9: {  	v39, _, _ =	vpop (xrf1)  }
0x1ea: {  	v40, _, _ =	vpop (xrf1)  }
0x1eb: {  	v41, _, _ =	vpop (xrf1)  }
0x1ec: {  	v42, _, _ =	vpop (xrf1);
	v7 =	vperm.xlane v41, v1  }
0x1ed: {  	v43, _, _ =	vpop (xrf1)  }
0x1ee: {  	v44 =	vmin.f32 v43, v7  }
0x1ef: {  	(xrf1) =	vsort.ascd.msk.f32 $0xffff, v44, v44;
	_ =	sdelay $0xd  }
0x1f0: {  	v10, _, _ =	vpop (xrf1)  }
0x1f1: {  	v10 =	vperm.xlane v10, v1  }
0x1f2: {  	v7 =	vmax.f32 v43, v7  }
0x1f3: {  	v6 =	vperm.xlane v40, v1;
	(xrf1) =	vsort.ascd.msk.f32 $0xffff, v7, v7;
	v45 =	vmin.f32 v42, v10  }
0x1f4: {  	v5 =	vperm.xlane v39, v1;
	v46 =	vmax.f32 v42, v10;
	(xrf1) =	vsort.ascd.msk.f32 $0xffff, v45, v45  }
0x1f5: {  	v4 =	vmin.f32 v38, v6;
	(xrf1) =	vsort.ascd.msk.f32 $0xffff, v46, v46  }
0x1f6: {  	v47 =	vmin.f32 v2, v5;
	(xrf1) =	vsort.ascd.msk.f32 $0xffff, v4, v4  }
0x1f7: {  	v2 =	vmax.f32 v2, v5;
	(xrf1) =	vsort.ascd.msk.f32 $0xffff, v47, v47  }
0x1f8: {  	(xrf1) =	vsort.ascd.msk.f32 $0xffff, v2, v2;
	_ =	sdelay $0x8  }
0x1f9: {  	v2, _, _ =	vpop (xrf1)  }
0x1fa: {  	v48, _, _ =	vpop (xrf1)  }
0x1fb: {  	v49, _, _ =	vpop (xrf1)  }
0x1fc: {  	v50, _, _ =	vpop (xrf1)  }
0x1fd: {  	v51, _, _ =	vpop (xrf1);
	v6 =	vperm.xlane v50, v1  }
0x1fe: {  	v52, _, _ =	vpop (xrf1)  }
0x1ff: {  	v53 =	vmin.f32 v52, v6  }
0x200: {  	(xrf1) =	vsort.ascd.msk.f32 $0xffff, v53, v53;
	_ =	sdelay $0xd  }
0x201: {  	v9, _, _ =	vpop (xrf1)  }
0x202: {  	v9 =	vperm.xlane v9, v1  }
0x203: {  	v6 =	vmax.f32 v52, v6  }
0x204: {  	(xrf1) =	vsort.ascd.msk.f32 $0xffff, v6, v6;
	v54 =	vmin.f32 v51, v9  }
0x205: {  	v55 =	vmax.f32 v51, v9;
	(xrf1) =	vsort.ascd.msk.f32 $0xffff, v54, v54  }
0x206: {  	(xrf1) =	vsort.ascd.msk.f32 $0xffff, v55, v55;
	_ =	sdelay $0xb  }
0x207: {  	v56, _, _ =	vpop (xrf1)  }
0x208: {  	v6 =	vperm.xlane v56, v1;
	v57, _, _ =	vpop (xrf1)  }
0x209: {  	v58, _, _ =	vpop (xrf1)  }
0x20a: {  	v2 =	vmin.f32 v2, v6;
	v59 =	vperm.xlane v58, v1  }
0x20b: {  	(xrf1) =	vsort.ascd.msk.f32 $0xffff, v2, v2  }
0x20c: {  	v2 =	vmin.f32 v49, v59  }
0x20d: {  	(xrf1) =	vsort.ascd.msk.f32 $0xffff, v2, v2;
	_ =	sdelay $0xb  }
0x20e: {  	v2, _, _ =	vpop (xrf1)  }
0x20f: {  	v2 =	vperm.xlane v2, v1  }
0x210: {  	v60, _, _ =	vpop (xrf1)  }
0x211: {  	v61 =	vperm.xlane v57, v1;
	v2 =	vmin.f32 v60, v2  }
0x212: {  	(xrf1) =	vsort.ascd.msk.f32 $0xffff, v2, v2  }
0x213: {  	v2 =	vmax.f32 v48, v61  }
0x214: {  	(xrf1) =	vsort.ascd.msk.f32 $0xffff, v2, v2;
	_ =	sdelay $0xb  }
0x215: {  	v2, _, _ =	vpop (xrf1)  }
0x216: {  	v2 =	vperm.xlane v2, v1  }
0x217: {  	v62, _, _ =	vpop (xrf1)  }
0x218: {  	v2 =	vmax.f32 v62, v2  }
0x219: {  	(xrf1) =	vsort.ascd.msk.f32 $0xffff, v2, v2;
	_ =	sdelay $0xd  }
0x21a: {  	v2, _, _ =	vpop (xrf1)  }
0x21b: {  	(xrf0) =	vmin.scan.msk.f32 $0xffff, v2;
	_ =	sdelay $0x5  }
0x21c: {  	v63, _, _ =	vpop (xrf0)  }
0x21d: {  	v2 =	vbroadcast v63, $0xF;
	_ =	sdelay $0x1  }
0x21e: {  	vm0 =	vle.f32 v3, v2  }
0x21f: {  	v3 =	vmpcnt.ones.xlane vm0;
	_ =	sdelay $0x1  }
0x220: {  	v3 =	vxor.u32 $0x80000000, v3  }
0x221: {  	(xrf0) =	vmax.scan.msk.u32 $0xffff, v3;
	_ =	sdelay $0x5  }
0x222: {  	(v2sf) =	vpush v63, $0xF;
	v3, _, _ =	vpop (xrf0)  }
0x223: {  	(v2sf) =	vpush v3, $0xF;
	_ =	sdelay $0xd  }
0x224: {  	s22 =	spop (v2sf)  }
0x225: {  	s23 =	spop (v2sf)  }
0x226: {  	p0 =	seq.s32 s23, $0x80000000  }
.Ltmp11:
0x227: {  	_ = 	snop;
	(pc) =	sbr.rel @p0 .LBB2_24-.Ltmp11, $1  }
0x228: {  	_ =	sdelay $0x3  }
0x229: {  	s24 =	simm.s32 $0x840  }
0x22a: {  	v4 =	vld [tilespmem:s24+$0xFFFFFFC0]  }
0x22b: {  	v5 =	vld [tilespmem:s24+$0xFFFFFFD0]  }
0x22c: {  	v7 =	vld [tilespmem:s24+$0xFFFFFFE0]  }
0x22d: {  	v6 =	vld [tilespmem:s24+$0xFFFFFFF0]  }
0x22e: {  	v3 =	vld [tilespmem:s24+$0x0]  }
0x22f: {  	vm0 =	vle.f32 v4, v2;
	v4 =	vld [tilespmem:s24+$0x10]  }
0x230: {  	v8 =	vmpcnt.ones.xlane vm0;
	vm0 =	vle.f32 v5, v2;
	v5 =	vld [tilespmem:s24+$0x20]  }
0x231: {  	v10 =	vimm.s32 $0x0;
	s23 =	simm.s32 $0x0;
	v9 =	vmpcnt.ones.xlane vm0;
	vm0 =	vle.f32 v7, v2;
	v7 =	vld [tilespmem:s24+$0x30];
	s24 =	simm.s32 $0x8C0  }
.LBB2_17:
0x232: {  	v11 =	vld [tilespmem:s24+$0xFFFFFFC0];
	s23 =	sadd.s32 $0x8, s23;
	v8 =	vadd.s32 v10, v8;
	v10 =	vmpcnt.ones.xlane vm0;
	vm0 =	vle.f32 v6, v2  }
0x233: {  	v12 =	vld [tilespmem:s24+$0xFFFFFFD0];
	p0 =	slt.u32 s23, $0x78;
	v6 =	vadd.s32 v9, v8;
	v8 =	vmpcnt.ones.xlane vm0;
	vm0 =	vle.f32 v3, v2  }
0x234: {  	v13 =	vld [tilespmem:s24+$0xFFFFFFE0];
	v3 =	vadd.s32 v10, v6;
	v9 =	vmpcnt.ones.xlane vm0;
	vm0 =	vle.f32 v4, v2  }
.Ltmp12:
0x235: {  	v6 =	vld [tilespmem:s24+$0xFFFFFFF0];
	v4 =	vadd.s32 v8, v3;
	v8 =	vmpcnt.ones.xlane vm0;
	vm0 =	vle.f32 v5, v2;
	(pc) =	sbr.rel @p0 .LBB2_17-.Ltmp12, $4  }
0x236: {  	v3 =	vld [tilespmem:s24+$0x0];
	v5 =	vadd.s32 v9, v4;
	v9 =	vmpcnt.ones.xlane vm0;
	vm0 =	vle.f32 v7, v2  }
0x237: {  	vm1 =	vle.f32 v11, v2;
	v4 =	vld [tilespmem:s24+$0x10];
	v7 =	vadd.s32 v8, v5;
	v10 =	vmpcnt.ones.xlane vm0  }
0x238: {  	v8 =	vmpcnt.ones.xlane vm1;
	vm0 =	vle.f32 v12, v2;
	v5 =	vld [tilespmem:s24+$0x20];
	v11 =	vadd.s32 v9, v7  }
0x239: {  	v9 =	vmpcnt.ones.xlane vm0;
	vm0 =	vle.f32 v13, v2;
	v7 =	vld [tilespmem:s24+$0x30];
	s24 =	sadd.s32 $0x80, s24;
	v10 =	vadd.s32 v10, v11  }
0x23a: {  	v8 =	vadd.s32 v10, v8;
	v60 =	vmpcnt.ones.xlane vm0;
	vm11 =	vle.f32 v6, v2  }
0x23b: {  	v61 =	vadd.s32 v9, v8;
	v62 =	vmpcnt.ones.xlane vm11;
	vm12 =	vle.f32 v3, v2  }
0x23c: {  	v3 =	vadd.s32 v60, v61;
	v63 =	vmpcnt.ones.xlane vm12;
	vm13 =	vle.f32 v4, v2  }
0x23d: {  	v3 =	vadd.s32 v62, v3;
	v4 =	vmpcnt.ones.xlane vm13;
	vm14 =	vle.f32 v5, v2  }
0x23e: {  	v3 =	vadd.s32 v63, v3;
	v5 =	vmpcnt.ones.xlane vm14;
	vm15 =	vle.f32 v7, v2  }
0x23f: {  	v2 =	vadd.s32 v4, v3;
	v3 =	vmpcnt.ones.xlane vm15  }
0x240: {  	v2 =	vadd.s32 v5, v2  }
0x241: {  	v2 =	vadd.s32 v3, v2  }
0x242: {  	v2 =	vxor.u32 $0x80000000, v2  }
0x243: {  	(xrf0) =	vmax.scan.msk.u32 $0xffff, v2;
	_ =	sdelay $0x5  }
0x244: {  	v2, _, _ =	vpop (xrf0)  }
0x245: {  	(v2sf) =	vpush v2, $0xF;
	_ =	sdelay $0xe  }
0x246: {  	s23 =	spop (v2sf)  }
0x247: {  	p0 =	seq.s32 s23, $0x80000021  }
.Ltmp13:
0x248: {  	_ = 	snop;
	(pc) =	sbr.rel @p0 .LBB2_24-.Ltmp13, $1  }
0x249: {  	_ =	sdelay $0x3  }
0x24a: {  	s22 =	simm.s32 $0x0;
	v3 =	vimm.s32 $0x0;
	v2 =	vimm.s32 $0x7FFFFFFF  }
.LBB2_20:
0x24b: {  	s24 =	simm.s32 $0x840  }
0x24c: {  	v6 =	vld [tilespmem:s24+$0xFFFFFFC0]  }
0x24d: {  	v7 =	vld [tilespmem:s24+$0xFFFFFFD0]  }
0x24e: {  	v4 =	vsub.s32 v2, v3;
	v9 =	vld [tilespmem:s24+$0xFFFFFFE0]  }
0x24f: {  	v4 =	vshrl.u32 v4, $0x1;
	v8 =	vld [tilespmem:s24+$0xFFFFFFF0]  }
0x250: {  	v5 =	vld [tilespmem:s24+$0x0];
	v4 =	vadd.s32 v3, v4  }
0x251: {  	vm0 =	vle.s32 v6, v4;
	v6 =	vld [tilespmem:s24+$0x10]  }
0x252: {  	v10 =	vmpcnt.ones.xlane vm0;
	vm0 =	vle.s32 v7, v4;
	v7 =	vld [tilespmem:s24+$0x20]  }
0x253: {  	s23 =	simm.s32 $0x0;
	v12 =	vimm.s32 $0x0;
	v11 =	vmpcnt.ones.xlane vm0;
	vm0 =	vle.s32 v9, v4;
	v9 =	vld [tilespmem:s24+$0x30];
	s24 =	simm.s32 $0x8C0  }
.LBB2_21:
0x254: {  	v13 =	vld [tilespmem:s24+$0xFFFFFFC0];
	s23 =	sadd.s32 $0x8, s23;
	v10 =	vadd.s32 v12, v10;
	v12 =	vmpcnt.ones.xlane vm0;
	vm0 =	vle.s32 v8, v4  }
0x255: {  	v14 =	vld [tilespmem:s24+$0xFFFFFFD0];
	p0 =	slt.u32 s23, $0x78;
	v8 =	vadd.s32 v11, v10;
	v10 =	vmpcnt.ones.xlane vm0;
	vm0 =	vle.s32 v5, v4  }
0x256: {  	v15 =	vld [tilespmem:s24+$0xFFFFFFE0];
	v5 =	vadd.s32 v12, v8;
	v11 =	vmpcnt.ones.xlane vm0;
	vm0 =	vle.s32 v6, v4  }
.Ltmp14:
0x257: {  	v8 =	vld [tilespmem:s24+$0xFFFFFFF0];
	v6 =	vadd.s32 v10, v5;
	v10 =	vmpcnt.ones.xlane vm0;
	vm0 =	vle.s32 v7, v4;
	(pc) =	sbr.rel @p0 .LBB2_21-.Ltmp14, $4  }
0x258: {  	v5 =	vld [tilespmem:s24+$0x0];
	v7 =	vadd.s32 v11, v6;
	v11 =	vmpcnt.ones.xlane vm0;
	vm0 =	vle.s32 v9, v4  }
0x259: {  	vm1 =	vle.s32 v13, v4;
	v6 =	vld [tilespmem:s24+$0x10];
	v9 =	vadd.s32 v10, v7;
	v12 =	vmpcnt.ones.xlane vm0  }
0x25a: {  	v10 =	vmpcnt.ones.xlane vm1;
	vm0 =	vle.s32 v14, v4;
	v7 =	vld [tilespmem:s24+$0x20];
	v13 =	vadd.s32 v11, v9  }
0x25b: {  	v11 =	vmpcnt.ones.xlane vm0;
	vm0 =	vle.s32 v15, v4;
	v9 =	vld [tilespmem:s24+$0x30];
	s24 =	sadd.s32 $0x80, s24;
	v12 =	vadd.s32 v12, v13  }
0x25c: {  	v10 =	vadd.s32 v12, v10;
	v59 =	vmpcnt.ones.xlane vm0;
	vm10 =	vle.s32 v8, v4  }
0x25d: {  	v60 =	vadd.s32 v11, v10;
	v61 =	vmpcnt.ones.xlane vm10;
	vm11 =	vle.s32 v5, v4  }
0x25e: {  	v5 =	vadd.s32 v59, v60;
	v62 =	vmpcnt.ones.xlane vm11;
	vm12 =	vle.s32 v6, v4  }
0x25f: {  	s22 =	sadd.s32 $0x1, s22;
	v5 =	vadd.s32 v61, v5;
	v6 =	vmpcnt.ones.xlane vm12;
	vm13 =	vle.s32 v7, v4  }
0x260: {  	p0 =	sne.s32 s22, $0x1F;
	v5 =	vadd.s32 v62, v5;
	v7 =	vmpcnt.ones.xlane vm13;
	vm14 =	vle.s32 v9, v4  }
.Ltmp15:
0x261: {  	v5 =	vadd.s32 v6, v5;
	v63 =	vmpcnt.ones.xlane vm14;
	(pc) =	sbr.rel @p0 .LBB2_20-.Ltmp15, $4  }
0x262: {  	v5 =	vadd.s32 v7, v5  }
0x263: {  	v5 =	vadd.s32 v63, v5  }
0x264: {  	vm15 =	vgt.s32 v5, $0x20;
	v5 =	vadd.s32 $0x1, v4  }
0x265: {  	v3 =	vsel vm15, v3, v5;
	v2 =	vsel vm15, v4, v2  }
0x266: {  	(xrf0) =	vmax.scan.msk.f32 $0xffff, v2;
	_ =	sdelay $0x5  }
0x267: {  	v2, _, _ =	vpop (xrf0)  }
0x268: {  	(v2sf) =	vpush v2, $0xF;
	_ =	sdelay $0xa  }
.Ltmp16:
0x269: {  	_ = 	snop;
	(pc) =	sbr.rel .LBB2_24-.Ltmp16, $2  }
0x26a: {  	_ =	sdelay $0x2  }
0x26b: {  	s22 =	spop (v2sf)  }
.LBB2_26:
0x26c: {  	_ =	sfence.sel $0x180000  }
0x26d: {  	[bflag:$0x0] =	sbarrier.arrive $0xFFFF  }
0x26e: {  	p0 =	sne.s32 s1, $0x0;
	_ =	strace $0x90000047  }
0x26f: {  	s0 =	sadd.s32 @!p0 $0x100000, s0;
	[bflag:$0x2] =	sbarrier.arrive $0xFFFF  }
0x270: {  	[sflag:s0] =	ssyncadd.tile.s32 @!p0 $0x1;
	_ =	shalt  }
.Lfunc_end2:
_tile_overlayer_lowered:
.L_overlay_start_2:
0x271: {  	(tag) =	ssettag $0x2  }
0x272: {  	s0 =	rddreg [dreg:$0x0];
	s2 =	stileid.u32  }
0x273: {  	s1 =	rddreg [dreg:$0x1];
	p0 =	sne.s32 s2, $0x0  }
0x274: {  	s3 =	rddreg [dreg:$0x2];
	[bflag:$0x3] =	sbarrier.arrive $0xFFFF;
	s2 =	simm.s32 @!p0 $0x1C03  }
0x275: {  	[timem:s3], [sflag:s2] =	dma.local @!p0 [hbm:s0], s1  }
0x276: {  	s0 =	simm.s32 @!p0 $0x3  }
0x277: {  	_ =	swait.ge @!p0 [sflag:s0], s1  }
0x278: {  	s1 =	ssub.s32 @!p0 $0x0, s1;
	[sflag:s0] =	ssyncset.done @!p0 $0x0  }
0x279: {  	[sflag:s0] =	ssyncadd.s32 @!p0 s1  }
0x27a: {  	[bflag:$0x3] =	sbarrier.arrive $0xFFFF  }
0x27b: {  	_ =	shalt  }

</sc_bundles>
